<compile_context>
chip_gen: v7x
topology: tpu7x:2x2x1
jax: 0.10.2.dev20260603
libtpu: 0.0.44.dev20260713+nightly
codegen_flags: <defaults>
</compile_context>

<pallas_src>
import jax
import jax.numpy as jnp
from jax import lax
from jax.experimental import pallas as pl
from jax.experimental.pallas import tpu as pltpu
from jax.experimental.pallas import tpu_sc as plsc

M = 2097152
N = 16384
NW = 32
RPW = N // NW
CH = 2048
KPC = CH // 16
NCHUNK = M // CH
CU_PAD = N + 8
T_THRESH = 1e-4
BG = 1.0

_I16 = lambda: lax.iota(jnp.int32, 16)


def _splat_i(x):
    return jnp.full((16,), x, jnp.int32)


def _splat_f(x):
    return jnp.full((16,), x, jnp.float32)


def _sload(ref, i):
    v = plsc.load_gather(ref, [_splat_i(i)])
    return v[0]


def _body(sig_hbm, ts_hbm, rgb_hbm, cu_hbm,
          w_hbm, ws_hbm, d_hbm, img_hbm,
          cu_ref, sig_ref, ts_ref, rgb_ref, w_ref,
          wc_ref, aw_ref, cb_ref, ws_ref, d_ref, img_ref, sems, wsem):
    wid = lax.axis_index("s") * 2 + lax.axis_index("c")
    r0 = wid * RPW
    r1 = r0 + RPW

    pltpu.sync_copy(cu_hbm, cu_ref)

    S = _sload(cu_ref, r0)
    E = _sload(cu_ref, r1)
    jH = jnp.minimum(S // CH, NCHUNK - 1)
    jA = (S + CH - 1) // CH
    jB = (E + CH - 1) // CH
    jB2 = jnp.maximum(jB, jH + 1)

    idx = _I16()

    def in_dma(j, slot):
        off = pl.multiple_of(j * CH, CH)
        blk = pl.multiple_of(j * (CH // 128), CH // 128)
        return (
            pltpu.make_async_copy(sig_hbm.at[pl.ds(off, CH)],
                                  sig_ref.at[slot], sems.at[slot, 0]),
            pltpu.make_async_copy(ts_hbm.at[pl.ds(blk, CH // 128)],
                                  ts_ref.at[slot], sems.at[slot, 1]),
            pltpu.make_async_copy(rgb_hbm.at[pl.ds(blk, CH // 128)],
                                  rgb_ref.at[slot], sems.at[slot, 2]),
        )

    def start_in(j, slot):
        for c in in_dma(j, slot):
            c.start()

    def wait_in(j, slot):
        for c in in_dma(j, slot):
            c.wait()

    def pass_a(slot):

        @plsc.parallel_loop(0, KPC, unroll=4)
        def _(k):
            o16 = pl.multiple_of(k * 16, 16)
            b = o16 // 128
            l = pl.multiple_of(o16 - b * 128, 16)
            sig = sig_ref[slot, pl.ds(o16, 16)]
            dtv = ts_ref[slot, b, 1, pl.ds(l, 16)]
            tau = sig * dtv
            wc_ref[pl.ds(o16, 16)] = plsc.cumsum(tau)
            aw_ref[pl.ds(o16, 16)] = tau
            w_ref[slot, pl.ds(o16, 16)] = _splat_f(0.0)

        carry_blk = jnp.float32(0.0)
        for i in range(KPC // 16):
            p = _I16() * 16 + (256 * i + 15)
            tvec = plsc.load_gather(wc_ref, [p])
            cum = plsc.cumsum(tvec)
            cb_ref[pl.ds(16 * i, 16)] = cum - tvec + carry_blk
            carry_blk = carry_blk + cum[15]

        @plsc.parallel_loop(0, KPC, unroll=4)
        def _(k):
            o16 = pl.multiple_of(k * 16, 16)
            tau = aw_ref[pl.ds(o16, 16)]
            inc = wc_ref[pl.ds(o16, 16)] + plsc.load_gather(
                cb_ref, [_splat_i(k)])
            wi = jnp.exp(-inc)
            wc = jnp.exp(-(inc - tau))
            wc_ref[pl.ds(o16, 16)] = wc
            aw_ref[pl.ds(o16, 16)] = wc - wi

        return carry_blk

    def ray_walk(slot, off, decay, st):

        def wcond(c):
            return c[0] < KPC

        def wbody(c):
            (k, r, cu_r, cu_r1, g_r, aW, aD, aR, aG, aB) = c
            kend = jnp.clip((cu_r1 - off + 15) // 16, k, KPC)

            def ibody(kk, acc):
                (aW, aD, aR, aG, aB) = acc
                o16 = kk * 16
                b = o16 // 128
                l = pl.multiple_of(o16 - b * 128, 16)
                gi = idx + (off + o16)
                m = (gi >= cu_r) & (gi < cu_r1)
                wc = wc_ref[pl.ds(o16, 16)]
                aw = aw_ref[pl.ds(o16, 16)]
                T = wc * g_r
                w_r = jnp.where(m & (T >= T_THRESH), aw * g_r, 0.0)
                plsc.addupdate(w_ref.at[slot, pl.ds(o16, 16)], w_r)
                tv = ts_ref[slot, b, 0, pl.ds(l, 16)]
                rv = rgb_ref[slot, b, 0, pl.ds(l, 16)]
                gv = rgb_ref[slot, b, 1, pl.ds(l, 16)]
                bv = rgb_ref[slot, b, 2, pl.ds(l, 16)]
                return (aW + w_r, aD + w_r * tv, aR + w_r * rv,
                        aG + w_r * gv, aB + w_r * bv)

            (aW, aD, aR, aG, aB) = lax.fori_loop(
                k, kend, ibody, (aW, aD, aR, aG, aB))
            ends = cu_r1 <= off + CH

            def slow(_):
                downer = (r >= r0) & (r < r1)
                rl = jnp.clip(r - r0, 0, RPW - 1)
                smask = (idx == 0) & downer
                plsc.store_scatter(ws_ref, [_splat_i(rl)],
                                   _splat_f(jnp.sum(aW)), mask=smask)
                plsc.store_scatter(d_ref, [_splat_i(rl)],
                                   _splat_f(jnp.sum(aD)), mask=smask)
                rgbv = jnp.where(idx == 0, jnp.sum(aR),
                                 jnp.where(idx == 1, jnp.sum(aG),
                                           jnp.sum(aB)))
                plsc.store_scatter(img_ref, [_splat_i(rl), idx], rgbv,
                                   mask=(idx < 3) & downer)
                nxt = _sload(cu_ref, jnp.minimum(r + 2, N))
                sl = cu_r1 - off
                wcs = plsc.load_gather(
                    wc_ref, [_splat_i(jnp.clip(sl, 0, CH - 1))])[0]
                den = jnp.where(sl >= CH, decay, wcs)
                g_n = (1.0 / _splat_f(den))[0]
                zv = _splat_f(0.0)
                kn = jnp.minimum(jnp.maximum(sl, 0) // 16, KPC)
                return (kn, r + 1, cu_r1, nxt, g_n, zv, zv, zv, zv, zv)

            def cont(_):
                return (KPC, r, cu_r, cu_r1, g_r, aW, aD, aR, aG, aB)

            return lax.cond(ends, slow, cont, 0)

        (k, r, cu_r, cu_r1, g_r, aW, aD, aR, aG, aB) = lax.while_loop(
            wcond, wbody, (0,) + st)
        return (r, cu_r, cu_r1, g_r * decay, aW, aD, aR, aG, aB)

    def chunk_body(j, st):
        slot = (j - jH) % 2
        nslot = 1 - slot

        @pl.when(j + 1 < jB2)
        def _():
            start_in(j + 1, nslot)

        wait_in(j, slot)
        off = pl.multiple_of(j * CH, CH)

        @pl.when((j - jH >= 2) & (jnp.maximum(j - 2, 0) >= jA))
        def _():
            offp = pl.multiple_of(jnp.maximum(j - 2, 0) * CH, CH)
            pltpu.make_async_copy(w_ref.at[slot],
                                  w_hbm.at[pl.ds(offp, CH)],
                                  wsem.at[slot]).wait()

        tot = pass_a(slot)
        decay = jnp.exp(-_splat_f(tot))[0]
        st = ray_walk(slot, off, decay, st)

        @pl.when((j >= jA) & (j < jB))
        def _():
            pltpu.make_async_copy(w_ref.at[slot],
                                  w_hbm.at[pl.ds(off, CH)],
                                  wsem.at[slot]).start()

        return st

    st0 = (r0 - 1, S, S, jnp.float32(1.0),
           _splat_f(0.0), _splat_f(0.0), _splat_f(0.0), _splat_f(0.0),
           _splat_f(0.0))
    start_in(jH, 0)
    lax.fori_loop(jH, jB2, chunk_body, st0)

    def drain(jj):
        @pl.when((jj >= jH) & (jj >= jA) & (jj < jB))
        def _():
            offp = pl.multiple_of(jnp.maximum(jj, 0) * CH, CH)
            slotp = (jj - jH) % 2
            pltpu.make_async_copy(w_ref.at[slotp],
                                  w_hbm.at[pl.ds(offp, CH)],
                                  wsem.at[slotp]).wait()

    drain(jB2 - 2)
    drain(jB2 - 1)

    def blend_body(q, _):
        qb = q * 16
        flat = idx + qb
        row = flat // 3
        col = flat - row * 3
        v = plsc.load_gather(img_ref, [row, col])
        wsv = plsc.load_gather(ws_ref, [row])
        plsc.store_scatter(img_ref, [row, col], v + (1.0 - wsv) * BG)
        return 0

    lax.fori_loop(0, RPW * 3 // 16, blend_body, 0)

    pltpu.sync_copy(ws_ref, ws_hbm.at[pl.ds(r0, RPW)])
    pltpu.sync_copy(d_ref, d_hbm.at[pl.ds(r0, RPW)])
    pltpu.sync_copy(img_ref, img_hbm.at[pl.ds(r0, RPW)])


@jax.jit
def kernel(sigmas, rgbs, ts, cu_seqlens):
    cu_pad = jnp.concatenate(
        [cu_seqlens, jnp.full((CU_PAD - N - 1,), M, jnp.int32)])
    ts_b = ts.reshape(M // 128, 128, 2).transpose(0, 2, 1)
    rgb_b = rgbs.reshape(M // 128, 128, 3).transpose(0, 2, 1)
    mesh = plsc.VectorSubcoreMesh(core_axis_name="c", subcore_axis_name="s")
    f = pl.kernel(
        _body,
        out_type=(
            jax.ShapeDtypeStruct((M,), jnp.float32),
            jax.ShapeDtypeStruct((N,), jnp.float32),
            jax.ShapeDtypeStruct((N,), jnp.float32),
            jax.ShapeDtypeStruct((N, 3), jnp.float32),
        ),
        mesh=mesh,
        compiler_params=pltpu.CompilerParams(
            needs_layout_passes=False, use_tc_tiling_on_sc=False),
        scratch_types=[
            pltpu.VMEM((CU_PAD,), jnp.int32),
            pltpu.VMEM((2, CH), jnp.float32),
            pltpu.VMEM((2, CH // 128, 2, 128), jnp.float32),
            pltpu.VMEM((2, CH // 128, 3, 128), jnp.float32),
            pltpu.VMEM((2, CH), jnp.float32),
            pltpu.VMEM((CH,), jnp.float32),
            pltpu.VMEM((CH,), jnp.float32),
            pltpu.VMEM((KPC,), jnp.float32),
            pltpu.VMEM((RPW,), jnp.float32),
            pltpu.VMEM((RPW,), jnp.float32),
            pltpu.VMEM((RPW, 3), jnp.float32),
            pltpu.SemaphoreType.DMA((2, 3)),
            pltpu.SemaphoreType.DMA((2,)),
        ],
    )
    return f(sigmas, ts_b, rgb_b, cu_pad)

# --- scband reference (transcript-rebuilt; emitter-appended) ---
"""Pipeline reference for scband-ne-rfrenderer-3831110828163 (READ-ONLY COPY).

The authoritative reference and input builder live on the scoring server;
editing this copy changes nothing except your own understanding.
"""

import jax, jax.numpy as jnp
import numpy as np

N_RAYS = 16384
N_SAMPLES = 2097152
T_THRESH = 1e-4
BG_COLOR = 1.0


def setup_inputs(seed: int = 0) -> dict:
    key = jax.random.key(seed)
    k1, k2, k3, k4, k5 = jax.random.split(key, 5)
    # per-sample densities (non-negative)
    sigmas = jax.random.uniform(k1, (N_SAMPLES,), dtype=jnp.float32) * 2.0
    # per-sample colors
    rgbs = jax.random.uniform(k2, (N_SAMPLES, 3), dtype=jnp.float32)
    # ts[:, 0] = sample depth t, ts[:, 1] = step size dt (as produced by march_rays_train)
    t_vals = jax.random.uniform(k3, (N_SAMPLES,), dtype=jnp.float32) * 4.0 + 0.05
    dt_vals = jax.random.uniform(k4, (N_SAMPLES,), dtype=jnp.float32) * 0.01 + 1e-3
    ts = jnp.stack([t_vals, dt_vals], axis=-1)
    # ragged packing: cu_seqlens[i] = offset of ray i's first sample (the 'rays' tensor of march_rays_train)
    inner = jnp.sort(jax.random.randint(k5, (N_RAYS - 1,), 0, N_SAMPLES, dtype=jnp.int32))
    cu_seqlens = jnp.concatenate([
        jnp.zeros((1,), jnp.int32),
        inner,
        jnp.full((1,), N_SAMPLES, jnp.int32),
    ])
    return {"sigmas": sigmas, "rgbs": rgbs, "ts": ts, "cu_seqlens": cu_seqlens}


def reference(sigmas, rgbs, ts, cu_seqlens):
    # Faithful JAX translation of raymarching.composite_rays_train (training path of
    # NeRFRenderer.render): per-ray volumetric compositing over ragged flattened samples.
    M = sigmas.shape[0]
    N = N_RAYS
    sample_idx = jnp.arange(M, dtype=jnp.int32)
    # segment id of each flattened sample (which ray it belongs to)
    seg_ids = jnp.searchsorted(cu_seqlens, sample_idx, side="right") - 1
    t = ts[:, 0]
    dt = ts[:, 1]
    tau = sigmas * dt
    # exclusive cumulative optical depth, restarted at every ray boundary
    ctau = jnp.cumsum(tau)
    ctau_excl = ctau - tau
    seg_start = ctau_excl[jnp.clip(cu_seqlens[:-1], 0, M - 1)]
    T = jnp.exp(-(ctau_excl - seg_start[seg_ids]))  # transmittance before each sample
    alpha = 1.0 - jnp.exp(-tau)
    w = alpha * T
    # early-termination threshold (T_thresh in the CUDA kernel)
    w = jnp.where(T >= T_THRESH, w, 0.0)
    # segment reductions back to per-ray quantities
    weights_sum = jax.ops.segment_sum(w, seg_ids, num_segments=N)
    depth = jax.ops.segment_sum(w * t, seg_ids, num_segments=N)
    image = jax.ops.segment_sum(w[:, None] * rgbs, seg_ids, num_segments=N)
    # background blend: image = image + (1 - weights_sum).unsqueeze(-1) * bg_color
    image = image + (1.0 - weights_sum)[:, None] * BG_COLOR
    return w, weights_sum, depth, image

if __name__ == "__main__":
    import jax
    _d = setup_inputs()
    print(jax.jit(kernel)(*tuple(_d.values())))

</pallas_src>

<mosaic_0001>
#map = affine_map<(d0, d1) -> (0)>
#map1 = affine_map<(d0, d1) -> (0, 0, 0)>
#map2 = affine_map<(d0, d1) -> (0, 0)>
module attributes {stable_mosaic.version = 14 : i64} {
  func.func @_body(%arg0: i32, %arg1: i32, %arg2: memref<2097152xf32, #tpu.memory_space<hbm>>, %arg3: memref<16384x2x128xf32, #tpu.memory_space<hbm>>, %arg4: memref<16384x3x128xf32, #tpu.memory_space<hbm>>, %arg5: memref<16392xi32, #tpu.memory_space<hbm>>, %arg6: memref<2097152xf32, #tpu.memory_space<hbm>>, %arg7: memref<16384xf32, #tpu.memory_space<hbm>>, %arg8: memref<16384xf32, #tpu.memory_space<hbm>>, %arg9: memref<16384x3xf32, #tpu.memory_space<hbm>>, %arg10: memref<16392xi32, #tpu.memory_space<vmem>>, %arg11: memref<2x2048xf32, #tpu.memory_space<vmem>>, %arg12: memref<2x16x2x128xf32, #tpu.memory_space<vmem>>, %arg13: memref<2x16x3x128xf32, #tpu.memory_space<vmem>>, %arg14: memref<2x2048xf32, #tpu.memory_space<vmem>>, %arg15: memref<2048xf32, #tpu.memory_space<vmem>>, %arg16: memref<2048xf32, #tpu.memory_space<vmem>>, %arg17: memref<128xf32, #tpu.memory_space<vmem>>, %arg18: memref<512xf32, #tpu.memory_space<vmem>>, %arg19: memref<512xf32, #tpu.memory_space<vmem>>, %arg20: memref<512x3xf32, #tpu.memory_space<vmem>>, %arg21: memref<2x3x!tpu.dma_semaphore, #tpu.memory_space<semaphore_mem>>, %arg22: memref<2x!tpu.dma_semaphore, #tpu.memory_space<semaphore_mem>>) attributes {dimension_semantics = [#tpu.dimension_semantics<core_parallel>, #tpu.dimension_semantics<subcore_parallel>], iteration_bounds = array<i64: 2, 16>, scalar_prefetch = 0 : i64, scratch_operands = 13 : i64, tpu.core_type = #tpu.core_type<sc_vector_subcore>, window_params = [{transform_indices = #map}, {transform_indices = #map1}, {transform_indices = #map1}, {transform_indices = #map}, {transform_indices = #map}, {transform_indices = #map}, {transform_indices = #map}, {transform_indices = #map2}]} {
    %mul3A = arith.constant 2 : i32
    %mul3A_0 = arith.muli %arg1, %mul3A : i32
    %add3A = arith.addi %mul3A_0, %arg0 : i32
    %mul3A_1 = arith.constant 512 : i32
    %mul3A_2 = arith.muli %add3A, %mul3A_1 : i32
    %add3A_3 = arith.constant 512 : i32
    %add3A_4 = arith.addi %mul3A_2, %add3A_3 : i32
    "tpu.region"() ({
      %run_scoped3A = tpu.sem_alloc : memref<!tpu.dma_semaphore, #tpu.memory_space<semaphore_mem>>
      tpu.enqueue_dma source(%arg5 : memref<16392xi32, #tpu.memory_space<hbm>>) target(%arg10 : memref<16392xi32, #tpu.memory_space<vmem>>) target_semaphore(%run_scoped3A : memref<!tpu.dma_semaphore, #tpu.memory_space<semaphore_mem>>)
      tpu.wait_dma2 semaphore(%run_scoped3A : memref<!tpu.dma_semaphore, #tpu.memory_space<semaphore_mem>>) src(%arg5 : memref<16392xi32, #tpu.memory_space<hbm>>) dst(%arg10 : memref<16392xi32, #tpu.memory_space<vmem>>)
      tpu.yield
    }) : () -> ()
    %broadcast_in_dim3A = vector.broadcast %mul3A_2 : i32 to vector<16xi32>
    %gather3A = tpu.vector_load_idx %arg10[%broadcast_in_dim3A] : memref<16392xi32, #tpu.memory_space<vmem>>[vector<16xi32>], vector<16xi32>,
    %slice3A = vector.extract_strided_slice %gather3A {offsets = [0], sizes = [1], strides = [1]} : vector<16xi32> to vector<1xi32>
    %squeeze3A = vector.extract %slice3A[0] : i32 from vector<1xi32>
    %broadcast_in_dim3A_5 = vector.broadcast %add3A_4 : i32 to vector<16xi32>
    %gather3A_6 = tpu.vector_load_idx %arg10[%broadcast_in_dim3A_5] : memref<16392xi32, #tpu.memory_space<vmem>>[vector<16xi32>], vector<16xi32>,
    %slice3A_7 = vector.extract_strided_slice %gather3A_6 {offsets = [0], sizes = [1], strides = [1]} : vector<16xi32> to vector<1xi32>
    %squeeze3A_8 = vector.extract %slice3A_7[0] : i32 from vector<1xi32>
    %jit3A = arith.constant 2048 : i32
    %div3A = arith.divsi %squeeze3A, %jit3A : i32
    %sign3A = arith.constant 0 : i32
    %sign3A_9 = arith.cmpi sgt, %squeeze3A, %sign3A : i32
    %sign3A_10 = arith.extui %sign3A_9 : i1 to i32
    %sign3A_11 = arith.constant 0 : i32
    %sign3A_12 = arith.cmpi slt, %squeeze3A, %sign3A_11 : i32
    %sign3A_13 = arith.extui %sign3A_12 : i1 to i32
    %sign3A_14 = arith.subi %sign3A_10, %sign3A_13 : i32
    %sign3A_15 = arith.constant 0 : i32
    %sign3A_16 = arith.cmpi sgt, %jit3A, %sign3A_15 : i32
    %sign3A_17 = arith.extui %sign3A_16 : i1 to i32
    %sign3A_18 = arith.constant 0 : i32
    %sign3A_19 = arith.cmpi slt, %jit3A, %sign3A_18 : i32
    %sign3A_20 = arith.extui %sign3A_19 : i1 to i32
    %sign3A_21 = arith.subi %sign3A_17, %sign3A_20 : i32
    %ne3A = arith.cmpi ne, %sign3A_14, %sign3A_21 : i32
    %rem3A = arith.remsi %squeeze3A, %jit3A : i32
    %ne3A_22 = arith.constant 0 : i32
    %ne3A_23 = arith.cmpi ne, %rem3A, %ne3A_22 : i32
    %and3A = arith.andi %ne3A, %ne3A_23 : i1
    %sub3A = arith.constant 1 : i32
    %sub3A_24 = arith.subi %div3A, %sub3A : i32
    %select_n3A = arith.select %and3A, %sub3A_24, %div3A : i32
    %min3A = arith.constant 1023 : i32
    %min3A_25 = arith.minsi %select_n3A, %min3A : i32
    %add3A_26 = arith.constant 2048 : i32
    %add3A_27 = arith.addi %squeeze3A, %add3A_26 : i32
    %sub3A_28 = arith.constant 1 : i32
    %sub3A_29 = arith.subi %add3A_27, %sub3A_28 : i32
    %jit3A_30 = arith.constant 2048 : i32
    %div3A_31 = arith.divsi %sub3A_29, %jit3A_30 : i32
    %sign3A_32 = arith.constant 0 : i32
    %sign3A_33 = arith.cmpi sgt, %sub3A_29, %sign3A_32 : i32
    %sign3A_34 = arith.extui %sign3A_33 : i1 to i32
    %sign3A_35 = arith.constant 0 : i32
    %sign3A_36 = arith.cmpi slt, %sub3A_29, %sign3A_35 : i32
    %sign3A_37 = arith.extui %sign3A_36 : i1 to i32
    %sign3A_38 = arith.subi %sign3A_34, %sign3A_37 : i32
    %sign3A_39 = arith.constant 0 : i32
    %sign3A_40 = arith.cmpi sgt, %jit3A_30, %sign3A_39 : i32
    %sign3A_41 = arith.extui %sign3A_40 : i1 to i32
    %sign3A_42 = arith.constant 0 : i32
    %sign3A_43 = arith.cmpi slt, %jit3A_30, %sign3A_42 : i32
    %sign3A_44 = arith.extui %sign3A_43 : i1 to i32
    %sign3A_45 = arith.subi %sign3A_41, %sign3A_44 : i32
    %ne3A_46 = arith.cmpi ne, %sign3A_38, %sign3A_45 : i32
    %rem3A_47 = arith.remsi %sub3A_29, %jit3A_30 : i32
    %ne3A_48 = arith.constant 0 : i32
    %ne3A_49 = arith.cmpi ne, %rem3A_47, %ne3A_48 : i32
    %and3A_50 = arith.andi %ne3A_46, %ne3A_49 : i1
    %sub3A_51 = arith.constant 1 : i32
    %sub3A_52 = arith.subi %div3A_31, %sub3A_51 : i32
    %select_n3A_53 = arith.select %and3A_50, %sub3A_52, %div3A_31 : i32
    %add3A_54 = arith.constant 2048 : i32
    %add3A_55 = arith.addi %squeeze3A_8, %add3A_54 : i32
    %sub3A_56 = arith.constant 1 : i32
    %sub3A_57 = arith.subi %add3A_55, %sub3A_56 : i32
    %jit3A_58 = arith.constant 2048 : i32
    %div3A_59 = arith.divsi %sub3A_57, %jit3A_58 : i32
    %sign3A_60 = arith.constant 0 : i32
    %sign3A_61 = arith.cmpi sgt, %sub3A_57, %sign3A_60 : i32
    %sign3A_62 = arith.extui %sign3A_61 : i1 to i32
    %sign3A_63 = arith.constant 0 : i32
    %sign3A_64 = arith.cmpi slt, %sub3A_57, %sign3A_63 : i32
    %sign3A_65 = arith.extui %sign3A_64 : i1 to i32
    %sign3A_66 = arith.subi %sign3A_62, %sign3A_65 : i32
    %sign3A_67 = arith.constant 0 : i32
    %sign3A_68 = arith.cmpi sgt, %jit3A_58, %sign3A_67 : i32
    %sign3A_69 = arith.extui %sign3A_68 : i1 to i32
    %sign3A_70 = arith.constant 0 : i32
    %sign3A_71 = arith.cmpi slt, %jit3A_58, %sign3A_70 : i32
    %sign3A_72 = arith.extui %sign3A_71 : i1 to i32
    %sign3A_73 = arith.subi %sign3A_69, %sign3A_72 : i32
    %ne3A_74 = arith.cmpi ne, %sign3A_66, %sign3A_73 : i32
    %rem3A_75 = arith.remsi %sub3A_57, %jit3A_58 : i32
    %ne3A_76 = arith.constant 0 : i32
    %ne3A_77 = arith.cmpi ne, %rem3A_75, %ne3A_76 : i32
    %and3A_78 = arith.andi %ne3A_74, %ne3A_77 : i1
    %sub3A_79 = arith.constant 1 : i32
    %sub3A_80 = arith.subi %div3A_59, %sub3A_79 : i32
    %select_n3A_81 = arith.select %and3A_78, %sub3A_80, %div3A_59 : i32
    %add3A_82 = arith.constant 1 : i32
    %add3A_83 = arith.addi %min3A_25, %add3A_82 : i32
    %max3A = arith.maxsi %select_n3A_81, %add3A_83 : i32
    %iota3A = tpu.iota {dimensions = array<i32: 0>} : vector<16xi32>
    %sub3A_84 = arith.constant 1 : i32
    %sub3A_85 = arith.subi %mul3A_2, %sub3A_84 : i32
    %broadcast_in_dim3A_86 = arith.constant 0.000000e+00 : f32
    %broadcast_in_dim3A_87 = vector.broadcast %broadcast_in_dim3A_86 : f32 to vector<16xf32>
    %broadcast_in_dim3A_88 = arith.constant 0.000000e+00 : f32
    %broadcast_in_dim3A_89 = vector.broadcast %broadcast_in_dim3A_88 : f32 to vector<16xf32>
    %broadcast_in_dim3A_90 = arith.constant 0.000000e+00 : f32
    %broadcast_in_dim3A_91 = vector.broadcast %broadcast_in_dim3A_90 : f32 to vector<16xf32>
    %broadcast_in_dim3A_92 = arith.constant 0.000000e+00 : f32
    %broadcast_in_dim3A_93 = vector.broadcast %broadcast_in_dim3A_92 : f32 to vector<16xf32>
    %broadcast_in_dim3A_94 = arith.constant 0.000000e+00 : f32
    %broadcast_in_dim3A_95 = vector.broadcast %broadcast_in_dim3A_94 : f32 to vector<16xf32>
    %mul3A_96 = arith.constant 2048 : i32
    %mul3A_97 = arith.muli %min3A_25, %mul3A_96 : i32
    %multiple_of3A = tpu.assume_multiple %mul3A_97, 2048 : i32
    %mul3A_98 = arith.constant 16 : i32
    %mul3A_99 = arith.muli %min3A_25, %mul3A_98 : i32
    %multiple_of3A_100 = tpu.assume_multiple %mul3A_99, 16 : i32
    %dma_start3A = arith.constant 0 : i32
    %dma_start3A_101 = arith.constant 0 : i32
    %dma_start3A_102 = arith.constant 0 : i32
    %dma_start3A_103 = arith.constant 0 : i32
    %dma_start3A_104 = tpu.memref_slice %arg11[%dma_start3A, %dma_start3A_103] : memref<2x2048xf32, #tpu.memory_space<vmem>> -> memref<1x2048xf32, #tpu.memory_space<vmem>>
    %dma_start3A_105 = tpu.memref_squeeze %dma_start3A_104 : memref<1x2048xf32, #tpu.memory_space<vmem>> -> memref<2048xf32, #tpu.memory_space<vmem>>
    %dma_start3A_106 = tpu.memref_slice %arg2[%multiple_of3A] : memref<2097152xf32, #tpu.memory_space<hbm>> -> memref<2048xf32, #tpu.memory_space<hbm>>
    %dma_start3A_107 = tpu.memref_slice %arg21[%dma_start3A_101, %dma_start3A_102] : memref<2x3x!tpu.dma_semaphore, #tpu.memory_space<semaphore_mem>> -> memref<1x1x!tpu.dma_semaphore, #tpu.memory_space<semaphore_mem>>
    %dma_start3A_108 = tpu.memref_squeeze %dma_start3A_107 : memref<1x1x!tpu.dma_semaphore, #tpu.memory_space<semaphore_mem>> -> memref<!tpu.dma_semaphore, #tpu.memory_space<semaphore_mem>>
    %dma_start3A_109 = arith.constant 0 : i32
    %dma_start3A_110 = tpu.memref_slice %arg11[%dma_start3A, %dma_start3A_109] : memref<2x2048xf32, #tpu.memory_space<vmem>> -> memref<1x2048xf32, #tpu.memory_space<vmem>>
    %dma_start3A_111 = tpu.memref_squeeze %dma_start3A_110 : memref<1x2048xf32, #tpu.memory_space<vmem>> -> memref<2048xf32, #tpu.memory_space<vmem>>
    %dma_start3A_112 = tpu.memref_slice %arg2[%multiple_of3A] : memref<2097152xf32, #tpu.memory_space<hbm>> -> memref<2048xf32, #tpu.memory_space<hbm>>
    tpu.enqueue_dma source(%dma_start3A_112 : memref<2048xf32, #tpu.memory_space<hbm>>) target(%dma_start3A_111 : memref<2048xf32, #tpu.memory_space<vmem>>) target_semaphore(%dma_start3A_108 : memref<!tpu.dma_semaphore, #tpu.memory_space<semaphore_mem>>)
    %dma_start3A_113 = arith.constant 0 : i32
    %dma_start3A_114 = arith.constant 0 : i32
    %dma_start3A_115 = arith.constant 1 : i32
    %dma_start3A_116 = arith.constant 0 : i32
    %dma_start3A_117 = arith.constant 0 : i32
    %dma_start3A_118 = arith.constant 0 : i32
    %dma_start3A_119 = tpu.memref_slice %arg12[%dma_start3A_113, %dma_start3A_116, %dma_start3A_117, %dma_start3A_118] : memref<2x16x2x128xf32, #tpu.memory_space<vmem>> -> memref<1x16x2x128xf32, #tpu.memory_space<vmem>>
    %dma_start3A_120 = tpu.memref_squeeze %dma_start3A_119 : memref<1x16x2x128xf32, #tpu.memory_space<vmem>> -> memref<16x2x128xf32, #tpu.memory_space<vmem>>
    %dma_start3A_121 = arith.constant 0 : i32
    %dma_start3A_122 = arith.constant 0 : i32
    %dma_start3A_123 = tpu.memref_slice %arg3[%multiple_of3A_100, %dma_start3A_121, %dma_start3A_122] : memref<16384x2x128xf32, #tpu.memory_space<hbm>> -> memref<16x2x128xf32, #tpu.memory_space<hbm>>
    %dma_start3A_124 = tpu.memref_slice %arg21[%dma_start3A_114, %dma_start3A_115] : memref<2x3x!tpu.dma_semaphore, #tpu.memory_space<semaphore_mem>> -> memref<1x1x!tpu.dma_semaphore, #tpu.memory_space<semaphore_mem>>
    %dma_start3A_125 = tpu.memref_squeeze %dma_start3A_124 : memref<1x1x!tpu.dma_semaphore, #tpu.memory_space<semaphore_mem>> -> memref<!tpu.dma_semaphore, #tpu.memory_space<semaphore_mem>>
    %dma_start3A_126 = arith.constant 0 : i32
    %dma_start3A_127 = arith.constant 0 : i32
    %dma_start3A_128 = arith.constant 0 : i32
    %dma_start3A_129 = tpu.memref_slice %arg12[%dma_start3A_113, %dma_start3A_126, %dma_start3A_127, %dma_start3A_128] : memref<2x16x2x128xf32, #tpu.memory_space<vmem>> -> memref<1x16x2x128xf32, #tpu.memory_space<vmem>>
    %dma_start3A_130 = tpu.memref_squeeze %dma_start3A_129 : memref<1x16x2x128xf32, #tpu.memory_space<vmem>> -> memref<16x2x128xf32, #tpu.memory_space<vmem>>
    %dma_start3A_131 = arith.constant 0 : i32
    %dma_start3A_132 = arith.constant 0 : i32
    %dma_start3A_133 = tpu.memref_slice %arg3[%multiple_of3A_100, %dma_start3A_131, %dma_start3A_132] : memref<16384x2x128xf32, #tpu.memory_space<hbm>> -> memref<16x2x128xf32, #tpu.memory_space<hbm>>
    tpu.enqueue_dma source(%dma_start3A_133 : memref<16x2x128xf32, #tpu.memory_space<hbm>>) target(%dma_start3A_130 : memref<16x2x128xf32, #tpu.memory_space<vmem>>) target_semaphore(%dma_start3A_125 : memref<!tpu.dma_semaphore, #tpu.memory_space<semaphore_mem>>)
    %dma_start3A_134 = arith.constant 0 : i32
    %dma_start3A_135 = arith.constant 0 : i32
    %dma_start3A_136 = arith.constant 2 : i32
    %dma_start3A_137 = arith.constant 0 : i32
    %dma_start3A_138 = arith.constant 0 : i32
    %dma_start3A_139 = arith.constant 0 : i32
    %dma_start3A_140 = tpu.memref_slice %arg13[%dma_start3A_134, %dma_start3A_137, %dma_start3A_138, %dma_start3A_139] : memref<2x16x3x128xf32, #tpu.memory_space<vmem>> -> memref<1x16x3x128xf32, #tpu.memory_space<vmem>>
    %dma_start3A_141 = tpu.memref_squeeze %dma_start3A_140 : memref<1x16x3x128xf32, #tpu.memory_space<vmem>> -> memref<16x3x128xf32, #tpu.memory_space<vmem>>
    %dma_start3A_142 = arith.constant 0 : i32
    %dma_start3A_143 = arith.constant 0 : i32
    %dma_start3A_144 = tpu.memref_slice %arg4[%multiple_of3A_100, %dma_start3A_142, %dma_start3A_143] : memref<16384x3x128xf32, #tpu.memory_space<hbm>> -> memref<16x3x128xf32, #tpu.memory_space<hbm>>
    %dma_start3A_145 = tpu.memref_slice %arg21[%dma_start3A_135, %dma_start3A_136] : memref<2x3x!tpu.dma_semaphore, #tpu.memory_space<semaphore_mem>> -> memref<1x1x!tpu.dma_semaphore, #tpu.memory_space<semaphore_mem>>
    %dma_start3A_146 = tpu.memref_squeeze %dma_start3A_145 : memref<1x1x!tpu.dma_semaphore, #tpu.memory_space<semaphore_mem>> -> memref<!tpu.dma_semaphore, #tpu.memory_space<semaphore_mem>>
    %dma_start3A_147 = arith.constant 0 : i32
    %dma_start3A_148 = arith.constant 0 : i32
    %dma_start3A_149 = arith.constant 0 : i32
    %dma_start3A_150 = tpu.memref_slice %arg13[%dma_start3A_134, %dma_start3A_147, %dma_start3A_148, %dma_start3A_149] : memref<2x16x3x128xf32, #tpu.memory_space<vmem>> -> memref<1x16x3x128xf32, #tpu.memory_space<vmem>>
    %dma_start3A_151 = tpu.memref_squeeze %dma_start3A_150 : memref<1x16x3x128xf32, #tpu.memory_space<vmem>> -> memref<16x3x128xf32, #tpu.memory_space<vmem>>
    %dma_start3A_152 = arith.constant 0 : i32
    %dma_start3A_153 = arith.constant 0 : i32
    %dma_start3A_154 = tpu.memref_slice %arg4[%multiple_of3A_100, %dma_start3A_152, %dma_start3A_153] : memref<16384x3x128xf32, #tpu.memory_space<hbm>> -> memref<16x3x128xf32, #tpu.memory_space<hbm>>
    tpu.enqueue_dma source(%dma_start3A_154 : memref<16x3x128xf32, #tpu.memory_space<hbm>>) target(%dma_start3A_151 : memref<16x3x128xf32, #tpu.memory_space<vmem>>) target_semaphore(%dma_start3A_146 : memref<!tpu.dma_semaphore, #tpu.memory_space<semaphore_mem>>)
    %while3A = arith.constant 1.000000e+00 : f32
    %while3A_155 = arith.subi %max3A, %min3A_25 : i32
    %while3A_156 = arith.addi %min3A_25, %while3A_155 : i32
    %while3A_157 = arith.constant 1 : i32
    %while3A_158 = arith.divsi %while3A_155, %while3A_157 : i32
    %while3A_159 = arith.muli %while3A_158, %while3A_157 : i32
    %while3A_160 = arith.addi %min3A_25, %while3A_159 : i32
    %while3A_161 = arith.constant 1 : i32
    %while3A_162:9 = scf.for %while3A_187 = %min3A_25 to %while3A_160 step %while3A_161 iter_args(%while3A_188 = %sub3A_85, %while3A_189 = %squeeze3A, %while3A_190 = %squeeze3A, %while3A_191 = %while3A, %while3A_192 = %broadcast_in_dim3A_87, %while3A_193 = %broadcast_in_dim3A_89, %while3A_194 = %broadcast_in_dim3A_91, %while3A_195 = %broadcast_in_dim3A_93, %while3A_196 = %broadcast_in_dim3A_95) -> (i32, i32, i32, f32, vector<16xf32>, vector<16xf32>, vector<16xf32>, vector<16xf32>, vector<16xf32>)  : i32 {
      %sub3A_197 = arith.subi %while3A_187, %min3A_25 : i32
      %jit3A_198 = arith.constant 2 : i32
      %eq3A = arith.constant 0 : i32
      %eq3A_199 = arith.cmpi eq, %jit3A_198, %eq3A : i32
      %jit3A_200 = arith.constant 1 : i32
      %select_n3A_201 = arith.select %eq3A_199, %jit3A_200, %jit3A_198 : i32
      %rem3A_202 = arith.remsi %sub3A_197, %select_n3A_201 : i32
      %ne3A_203 = arith.constant 0 : i32
      %ne3A_204 = arith.cmpi ne, %rem3A_202, %ne3A_203 : i32
      %lt3A_205 = arith.constant 0 : i32
      %lt3A_206 = arith.cmpi slt, %rem3A_202, %lt3A_205 : i32
      %lt3A_207 = arith.constant 0 : i32
      %lt3A_208 = arith.cmpi slt, %select_n3A_201, %lt3A_207 : i32
      %ne3A_209 = arith.xori %lt3A_206, %lt3A_208 : i1
      %and3A_210 = arith.andi %ne3A_209, %ne3A_204 : i1
      %add3A_211 = arith.addi %rem3A_202, %select_n3A_201 : i32
      %select_n3A_212 = arith.select %and3A_210, %add3A_211, %rem3A_202 : i32
      %sub3A_213 = arith.constant 1 : i32
      %sub3A_214 = arith.subi %sub3A_213, %select_n3A_212 : i32
      %add3A_215 = arith.constant 1 : i32
      %add3A_216 = arith.addi %while3A_187, %add3A_215 : i32
      %lt3A_217 = arith.cmpi slt, %add3A_216, %max3A : i32
      %convert_element_type3A_218 = arith.extui %lt3A_217 : i1 to i32
      %cond3A_219 = arith.constant 0 : i32
      %cond3A_220 = arith.cmpi ne, %convert_element_type3A_218, %cond3A_219 : i32
      scf.if %cond3A_220 {
        %add3A_461 = arith.constant 1 : i32
        %add3A_462 = arith.addi %while3A_187, %add3A_461 : i32
        %mul3A_463 = arith.constant 2048 : i32
        %mul3A_464 = arith.muli %add3A_462, %mul3A_463 : i32
        %multiple_of3A_465 = tpu.assume_multiple %mul3A_464, 2048 : i32
        %mul3A_466 = arith.constant 16 : i32
        %mul3A_467 = arith.muli %add3A_462, %mul3A_466 : i32
        %multiple_of3A_468 = tpu.assume_multiple %mul3A_467, 16 : i32
        %dma_start3A_469 = arith.constant 0 : i32
        %dma_start3A_470 = arith.constant 0 : i32
        %dma_start3A_471 = tpu.memref_slice %arg11[%sub3A_214, %dma_start3A_470] : memref<2x2048xf32, #tpu.memory_space<vmem>> -> memref<1x2048xf32, #tpu.memory_space<vmem>>
        %dma_start3A_472 = tpu.memref_squeeze %dma_start3A_471 : memref<1x2048xf32, #tpu.memory_space<vmem>> -> memref<2048xf32, #tpu.memory_space<vmem>>
        %dma_start3A_473 = tpu.memref_slice %arg2[%multiple_of3A_465] : memref<2097152xf32, #tpu.memory_space<hbm>> -> memref<2048xf32, #tpu.memory_space<hbm>>
        %dma_start3A_474 = tpu.memref_slice %arg21[%sub3A_214, %dma_start3A_469] : memref<2x3x!tpu.dma_semaphore, #tpu.memory_space<semaphore_mem>> -> memref<1x1x!tpu.dma_semaphore, #tpu.memory_space<semaphore_mem>>
        %dma_start3A_475 = tpu.memref_squeeze %dma_start3A_474 : memref<1x1x!tpu.dma_semaphore, #tpu.memory_space<semaphore_mem>> -> memref<!tpu.dma_semaphore, #tpu.memory_space<semaphore_mem>>
        %dma_start3A_476 = arith.constant 0 : i32
        %dma_start3A_477 = tpu.memref_slice %arg11[%sub3A_214, %dma_start3A_476] : memref<2x2048xf32, #tpu.memory_space<vmem>> -> memref<1x2048xf32, #tpu.memory_space<vmem>>
        %dma_start3A_478 = tpu.memref_squeeze %dma_start3A_477 : memref<1x2048xf32, #tpu.memory_space<vmem>> -> memref<2048xf32, #tpu.memory_space<vmem>>
        %dma_start3A_479 = tpu.memref_slice %arg2[%multiple_of3A_465] : memref<2097152xf32, #tpu.memory_space<hbm>> -> memref<2048xf32, #tpu.memory_space<hbm>>
        tpu.enqueue_dma source(%dma_start3A_479 : memref<2048xf32, #tpu.memory_space<hbm>>) target(%dma_start3A_478 : memref<2048xf32, #tpu.memory_space<vmem>>) target_semaphore(%dma_start3A_475 : memref<!tpu.dma_semaphore, #tpu.memory_space<semaphore_mem>>)
        %dma_start3A_480 = arith.constant 1 : i32
        %dma_start3A_481 = arith.constant 0 : i32
        %dma_start3A_482 = arith.constant 0 : i32
        %dma_start3A_483 = arith.constant 0 : i32
        %dma_start3A_484 = tpu.memref_slice %arg12[%sub3A_214, %dma_start3A_481, %dma_start3A_482, %dma_start3A_483] : memref<2x16x2x128xf32, #tpu.memory_space<vmem>> -> memref<1x16x2x128xf32, #tpu.memory_space<vmem>>
        %dma_start3A_485 = tpu.memref_squeeze %dma_start3A_484 : memref<1x16x2x128xf32, #tpu.memory_space<vmem>> -> memref<16x2x128xf32, #tpu.memory_space<vmem>>
        %dma_start3A_486 = arith.constant 0 : i32
        %dma_start3A_487 = arith.constant 0 : i32
        %dma_start3A_488 = tpu.memref_slice %arg3[%multiple_of3A_468, %dma_start3A_486, %dma_start3A_487] : memref<16384x2x128xf32, #tpu.memory_space<hbm>> -> memref<16x2x128xf32, #tpu.memory_space<hbm>>
        %dma_start3A_489 = tpu.memref_slice %arg21[%sub3A_214, %dma_start3A_480] : memref<2x3x!tpu.dma_semaphore, #tpu.memory_space<semaphore_mem>> -> memref<1x1x!tpu.dma_semaphore, #tpu.memory_space<semaphore_mem>>
        %dma_start3A_490 = tpu.memref_squeeze %dma_start3A_489 : memref<1x1x!tpu.dma_semaphore, #tpu.memory_space<semaphore_mem>> -> memref<!tpu.dma_semaphore, #tpu.memory_space<semaphore_mem>>
        %dma_start3A_491 = arith.constant 0 : i32
        %dma_start3A_492 = arith.constant 0 : i32
        %dma_start3A_493 = arith.constant 0 : i32
        %dma_start3A_494 = tpu.memref_slice %arg12[%sub3A_214, %dma_start3A_491, %dma_start3A_492, %dma_start3A_493] : memref<2x16x2x128xf32, #tpu.memory_space<vmem>> -> memref<1x16x2x128xf32, #tpu.memory_space<vmem>>
        %dma_start3A_495 = tpu.memref_squeeze %dma_start3A_494 : memref<1x16x2x128xf32, #tpu.memory_space<vmem>> -> memref<16x2x128xf32, #tpu.memory_space<vmem>>
        %dma_start3A_496 = arith.constant 0 : i32
        %dma_start3A_497 = arith.constant 0 : i32
        %dma_start3A_498 = tpu.memref_slice %arg3[%multiple_of3A_468, %dma_start3A_496, %dma_start3A_497] : memref<16384x2x128xf32, #tpu.memory_space<hbm>> -> memref<16x2x128xf32, #tpu.memory_space<hbm>>
        tpu.enqueue_dma source(%dma_start3A_498 : memref<16x2x128xf32, #tpu.memory_space<hbm>>) target(%dma_start3A_495 : memref<16x2x128xf32, #tpu.memory_space<vmem>>) target_semaphore(%dma_start3A_490 : memref<!tpu.dma_semaphore, #tpu.memory_space<semaphore_mem>>)
        %dma_start3A_499 = arith.constant 2 : i32
        %dma_start3A_500 = arith.constant 0 : i32
        %dma_start3A_501 = arith.constant 0 : i32
        %dma_start3A_502 = arith.constant 0 : i32
        %dma_start3A_503 = tpu.memref_slice %arg13[%sub3A_214, %dma_start3A_500, %dma_start3A_501, %dma_start3A_502] : memref<2x16x3x128xf32, #tpu.memory_space<vmem>> -> memref<1x16x3x128xf32, #tpu.memory_space<vmem>>
        %dma_start3A_504 = tpu.memref_squeeze %dma_start3A_503 : memref<1x16x3x128xf32, #tpu.memory_space<vmem>> -> memref<16x3x128xf32, #tpu.memory_space<vmem>>
        %dma_start3A_505 = arith.constant 0 : i32
        %dma_start3A_506 = arith.constant 0 : i32
        %dma_start3A_507 = tpu.memref_slice %arg4[%multiple_of3A_468, %dma_start3A_505, %dma_start3A_506] : memref<16384x3x128xf32, #tpu.memory_space<hbm>> -> memref<16x3x128xf32, #tpu.memory_space<hbm>>
        %dma_start3A_508 = tpu.memref_slice %arg21[%sub3A_214, %dma_start3A_499] : memref<2x3x!tpu.dma_semaphore, #tpu.memory_space<semaphore_mem>> -> memref<1x1x!tpu.dma_semaphore, #tpu.memory_space<semaphore_mem>>
        %dma_start3A_509 = tpu.memref_squeeze %dma_start3A_508 : memref<1x1x!tpu.dma_semaphore, #tpu.memory_space<semaphore_mem>> -> memref<!tpu.dma_semaphore, #tpu.memory_space<semaphore_mem>>
        %dma_start3A_510 = arith.constant 0 : i32
        %dma_start3A_511 = arith.constant 0 : i32
        %dma_start3A_512 = arith.constant 0 : i32
        %dma_start3A_513 = tpu.memref_slice %arg13[%sub3A_214, %dma_start3A_510, %dma_start3A_511, %dma_start3A_512] : memref<2x16x3x128xf32, #tpu.memory_space<vmem>> -> memref<1x16x3x128xf32, #tpu.memory_space<vmem>>
        %dma_start3A_514 = tpu.memref_squeeze %dma_start3A_513 : memref<1x16x3x128xf32, #tpu.memory_space<vmem>> -> memref<16x3x128xf32, #tpu.memory_space<vmem>>
        %dma_start3A_515 = arith.constant 0 : i32
        %dma_start3A_516 = arith.constant 0 : i32
        %dma_start3A_517 = tpu.memref_slice %arg4[%multiple_of3A_468, %dma_start3A_515, %dma_start3A_516] : memref<16384x3x128xf32, #tpu.memory_space<hbm>> -> memref<16x3x128xf32, #tpu.memory_space<hbm>>
        tpu.enqueue_dma source(%dma_start3A_517 : memref<16x3x128xf32, #tpu.memory_space<hbm>>) target(%dma_start3A_514 : memref<16x3x128xf32, #tpu.memory_space<vmem>>) target_semaphore(%dma_start3A_509 : memref<!tpu.dma_semaphore, #tpu.memory_space<semaphore_mem>>)
      } else {
      }
      %mul3A_221 = arith.constant 2048 : i32
      %mul3A_222 = arith.muli %while3A_187, %mul3A_221 : i32
      %multiple_of3A_223 = tpu.assume_multiple %mul3A_222, 2048 : i32
      %mul3A_224 = arith.constant 16 : i32
      %mul3A_225 = arith.muli %while3A_187, %mul3A_224 : i32
      %multiple_of3A_226 = tpu.assume_multiple %mul3A_225, 16 : i32
      %dma_wait3A = arith.constant 0 : i32
      %dma_wait3A_227 = arith.constant 0 : i32
      %dma_wait3A_228 = tpu.memref_slice %arg11[%select_n3A_212, %dma_wait3A_227] : memref<2x2048xf32, #tpu.memory_space<vmem>> -> memref<1x2048xf32, #tpu.memory_space<vmem>>
      %dma_wait3A_229 = tpu.memref_squeeze %dma_wait3A_228 : memref<1x2048xf32, #tpu.memory_space<vmem>> -> memref<2048xf32, #tpu.memory_space<vmem>>
      %dma_wait3A_230 = tpu.memref_slice %arg2[%multiple_of3A_223] : memref<2097152xf32, #tpu.memory_space<hbm>> -> memref<2048xf32, #tpu.memory_space<hbm>>
      %dma_wait3A_231 = tpu.memref_slice %arg21[%select_n3A_212, %dma_wait3A] : memref<2x3x!tpu.dma_semaphore, #tpu.memory_space<semaphore_mem>> -> memref<1x1x!tpu.dma_semaphore, #tpu.memory_space<semaphore_mem>>
      %dma_wait3A_232 = tpu.memref_squeeze %dma_wait3A_231 : memref<1x1x!tpu.dma_semaphore, #tpu.memory_space<semaphore_mem>> -> memref<!tpu.dma_semaphore, #tpu.memory_space<semaphore_mem>>
      %dma_wait3A_233 = arith.constant 0 : i32
      %dma_wait3A_234 = tpu.memref_slice %arg11[%select_n3A_212, %dma_wait3A_233] : memref<2x2048xf32, #tpu.memory_space<vmem>> -> memref<1x2048xf32, #tpu.memory_space<vmem>>
      %dma_wait3A_235 = tpu.memref_squeeze %dma_wait3A_234 : memref<1x2048xf32, #tpu.memory_space<vmem>> -> memref<2048xf32, #tpu.memory_space<vmem>>
      %dma_wait3A_236 = tpu.memref_slice %arg2[%multiple_of3A_223] : memref<2097152xf32, #tpu.memory_space<hbm>> -> memref<2048xf32, #tpu.memory_space<hbm>>
      tpu.wait_dma2 semaphore(%dma_wait3A_232 : memref<!tpu.dma_semaphore, #tpu.memory_space<semaphore_mem>>) src(%dma_wait3A_236 : memref<2048xf32, #tpu.memory_space<hbm>>) dst(%dma_wait3A_235 : memref<2048xf32, #tpu.memory_space<vmem>>)
      %dma_wait3A_237 = arith.constant 1 : i32
      %dma_wait3A_238 = arith.constant 0 : i32
      %dma_wait3A_239 = arith.constant 0 : i32
      %dma_wait3A_240 = arith.constant 0 : i32
      %dma_wait3A_241 = tpu.memref_slice %arg12[%select_n3A_212, %dma_wait3A_238, %dma_wait3A_239, %dma_wait3A_240] : memref<2x16x2x128xf32, #tpu.memory_space<vmem>> -> memref<1x16x2x128xf32, #tpu.memory_space<vmem>>
      %dma_wait3A_242 = tpu.memref_squeeze %dma_wait3A_241 : memref<1x16x2x128xf32, #tpu.memory_space<vmem>> -> memref<16x2x128xf32, #tpu.memory_space<vmem>>
      %dma_wait3A_243 = arith.constant 0 : i32
      %dma_wait3A_244 = arith.constant 0 : i32
      %dma_wait3A_245 = tpu.memref_slice %arg3[%multiple_of3A_226, %dma_wait3A_243, %dma_wait3A_244] : memref<16384x2x128xf32, #tpu.memory_space<hbm>> -> memref<16x2x128xf32, #tpu.memory_space<hbm>>
      %dma_wait3A_246 = tpu.memref_slice %arg21[%select_n3A_212, %dma_wait3A_237] : memref<2x3x!tpu.dma_semaphore, #tpu.memory_space<semaphore_mem>> -> memref<1x1x!tpu.dma_semaphore, #tpu.memory_space<semaphore_mem>>
      %dma_wait3A_247 = tpu.memref_squeeze %dma_wait3A_246 : memref<1x1x!tpu.dma_semaphore, #tpu.memory_space<semaphore_mem>> -> memref<!tpu.dma_semaphore, #tpu.memory_space<semaphore_mem>>
      %dma_wait3A_248 = arith.constant 0 : i32
      %dma_wait3A_249 = arith.constant 0 : i32
      %dma_wait3A_250 = arith.constant 0 : i32
      %dma_wait3A_251 = tpu.memref_slice %arg12[%select_n3A_212, %dma_wait3A_248, %dma_wait3A_249, %dma_wait3A_250] : memref<2x16x2x128xf32, #tpu.memory_space<vmem>> -> memref<1x16x2x128xf32, #tpu.memory_space<vmem>>
      %dma_wait3A_252 = tpu.memref_squeeze %dma_wait3A_251 : memref<1x16x2x128xf32, #tpu.memory_space<vmem>> -> memref<16x2x128xf32, #tpu.memory_space<vmem>>
      %dma_wait3A_253 = arith.constant 0 : i32
      %dma_wait3A_254 = arith.constant 0 : i32
      %dma_wait3A_255 = tpu.memref_slice %arg3[%multiple_of3A_226, %dma_wait3A_253, %dma_wait3A_254] : memref<16384x2x128xf32, #tpu.memory_space<hbm>> -> memref<16x2x128xf32, #tpu.memory_space<hbm>>
      tpu.wait_dma2 semaphore(%dma_wait3A_247 : memref<!tpu.dma_semaphore, #tpu.memory_space<semaphore_mem>>) src(%dma_wait3A_255 : memref<16x2x128xf32, #tpu.memory_space<hbm>>) dst(%dma_wait3A_252 : memref<16x2x128xf32, #tpu.memory_space<vmem>>)
      %dma_wait3A_256 = arith.constant 2 : i32
      %dma_wait3A_257 = arith.constant 0 : i32
      %dma_wait3A_258 = arith.constant 0 : i32
      %dma_wait3A_259 = arith.constant 0 : i32
      %dma_wait3A_260 = tpu.memref_slice %arg13[%select_n3A_212, %dma_wait3A_257, %dma_wait3A_258, %dma_wait3A_259] : memref<2x16x3x128xf32, #tpu.memory_space<vmem>> -> memref<1x16x3x128xf32, #tpu.memory_space<vmem>>
      %dma_wait3A_261 = tpu.memref_squeeze %dma_wait3A_260 : memref<1x16x3x128xf32, #tpu.memory_space<vmem>> -> memref<16x3x128xf32, #tpu.memory_space<vmem>>
      %dma_wait3A_262 = arith.constant 0 : i32
      %dma_wait3A_263 = arith.constant 0 : i32
      %dma_wait3A_264 = tpu.memref_slice %arg4[%multiple_of3A_226, %dma_wait3A_262, %dma_wait3A_263] : memref<16384x3x128xf32, #tpu.memory_space<hbm>> -> memref<16x3x128xf32, #tpu.memory_space<hbm>>
      %dma_wait3A_265 = tpu.memref_slice %arg21[%select_n3A_212, %dma_wait3A_256] : memref<2x3x!tpu.dma_semaphore, #tpu.memory_space<semaphore_mem>> -> memref<1x1x!tpu.dma_semaphore, #tpu.memory_space<semaphore_mem>>
      %dma_wait3A_266 = tpu.memref_squeeze %dma_wait3A_265 : memref<1x1x!tpu.dma_semaphore, #tpu.memory_space<semaphore_mem>> -> memref<!tpu.dma_semaphore, #tpu.memory_space<semaphore_mem>>
      %dma_wait3A_267 = arith.constant 0 : i32
      %dma_wait3A_268 = arith.constant 0 : i32
      %dma_wait3A_269 = arith.constant 0 : i32
      %dma_wait3A_270 = tpu.memref_slice %arg13[%select_n3A_212, %dma_wait3A_267, %dma_wait3A_268, %dma_wait3A_269] : memref<2x16x3x128xf32, #tpu.memory_space<vmem>> -> memref<1x16x3x128xf32, #tpu.memory_space<vmem>>
      %dma_wait3A_271 = tpu.memref_squeeze %dma_wait3A_270 : memref<1x16x3x128xf32, #tpu.memory_space<vmem>> -> memref<16x3x128xf32, #tpu.memory_space<vmem>>
      %dma_wait3A_272 = arith.constant 0 : i32
      %dma_wait3A_273 = arith.constant 0 : i32
      %dma_wait3A_274 = tpu.memref_slice %arg4[%multiple_of3A_226, %dma_wait3A_272, %dma_wait3A_273] : memref<16384x3x128xf32, #tpu.memory_space<hbm>> -> memref<16x3x128xf32, #tpu.memory_space<hbm>>
      tpu.wait_dma2 semaphore(%dma_wait3A_266 : memref<!tpu.dma_semaphore, #tpu.memory_space<semaphore_mem>>) src(%dma_wait3A_274 : memref<16x3x128xf32, #tpu.memory_space<hbm>>) dst(%dma_wait3A_271 : memref<16x3x128xf32, #tpu.memory_space<vmem>>)
      %mul3A_275 = arith.constant 2048 : i32
      %mul3A_276 = arith.muli %while3A_187, %mul3A_275 : i32
      %multiple_of3A_277 = tpu.assume_multiple %mul3A_276, 2048 : i32
      %sub3A_278 = arith.subi %while3A_187, %min3A_25 : i32
      %ge3A_279 = arith.constant 2 : i32
      %ge3A_280 = arith.cmpi sge, %sub3A_278, %ge3A_279 : i32
      %sub3A_281 = arith.constant 2 : i32
      %sub3A_282 = arith.subi %while3A_187, %sub3A_281 : i32
      %max3A_283 = arith.constant 0 : i32
      %max3A_284 = arith.maxsi %sub3A_282, %max3A_283 : i32
      %ge3A_285 = arith.cmpi sge, %max3A_284, %select_n3A_53 : i32
      %and3A_286 = arith.andi %ge3A_280, %ge3A_285 : i1
      %convert_element_type3A_287 = arith.extui %and3A_286 : i1 to i32
      %cond3A_288 = arith.constant 0 : i32
      %cond3A_289 = arith.cmpi ne, %convert_element_type3A_287, %cond3A_288 : i32
      scf.if %cond3A_289 {
        %sub3A_461 = arith.constant 2 : i32
        %sub3A_462 = arith.subi %while3A_187, %sub3A_461 : i32
        %max3A_463 = arith.constant 0 : i32
        %max3A_464 = arith.maxsi %sub3A_462, %max3A_463 : i32
        %mul3A_465 = arith.constant 2048 : i32
        %mul3A_466 = arith.muli %max3A_464, %mul3A_465 : i32
        %multiple_of3A_467 = tpu.assume_multiple %mul3A_466, 2048 : i32
        %dma_wait3A_468 = arith.constant 0 : i32
        %dma_wait3A_469 = tpu.memref_slice %arg14[%select_n3A_212, %dma_wait3A_468] : memref<2x2048xf32, #tpu.memory_space<vmem>> -> memref<1x2048xf32, #tpu.memory_space<vmem>>
        %dma_wait3A_470 = tpu.memref_squeeze %dma_wait3A_469 : memref<1x2048xf32, #tpu.memory_space<vmem>> -> memref<2048xf32, #tpu.memory_space<vmem>>
        %dma_wait3A_471 = tpu.memref_slice %arg6[%multiple_of3A_467] : memref<2097152xf32, #tpu.memory_space<hbm>> -> memref<2048xf32, #tpu.memory_space<hbm>>
        %dma_wait3A_472 = tpu.memref_slice %arg22[%select_n3A_212] : memref<2x!tpu.dma_semaphore, #tpu.memory_space<semaphore_mem>> -> memref<1x!tpu.dma_semaphore, #tpu.memory_space<semaphore_mem>>
        %dma_wait3A_473 = tpu.memref_squeeze %dma_wait3A_472 : memref<1x!tpu.dma_semaphore, #tpu.memory_space<semaphore_mem>> -> memref<!tpu.dma_semaphore, #tpu.memory_space<semaphore_mem>>
        %dma_wait3A_474 = tpu.memref_slice %arg6[%multiple_of3A_467] : memref<2097152xf32, #tpu.memory_space<hbm>> -> memref<2048xf32, #tpu.memory_space<hbm>>
        %dma_wait3A_475 = arith.constant 0 : i32
        %dma_wait3A_476 = tpu.memref_slice %arg14[%select_n3A_212, %dma_wait3A_475] : memref<2x2048xf32, #tpu.memory_space<vmem>> -> memref<1x2048xf32, #tpu.memory_space<vmem>>
        %dma_wait3A_477 = tpu.memref_squeeze %dma_wait3A_476 : memref<1x2048xf32, #tpu.memory_space<vmem>> -> memref<2048xf32, #tpu.memory_space<vmem>>
        tpu.wait_dma2 semaphore(%dma_wait3A_473 : memref<!tpu.dma_semaphore, #tpu.memory_space<semaphore_mem>>) src(%dma_wait3A_477 : memref<2048xf32, #tpu.memory_space<vmem>>) dst(%dma_wait3A_474 : memref<2048xf32, #tpu.memory_space<hbm>>)
      } else {
      }
      %parallel_loop3A = arith.constant 0 : i32
      %parallel_loop3A_290 = arith.constant 128 : i32
      %parallel_loop3A_291 = arith.constant 1 : i32
      scf.for %parallel_loop3A_461 = %parallel_loop3A to %parallel_loop3A_290 step %parallel_loop3A_291  : i32 {
        %parallel_loop3A_462 = arith.constant 16 : i32
        %parallel_loop3A_463 = arith.muli %parallel_loop3A_461, %parallel_loop3A_462 : i32
        %parallel_loop3A_464 = tpu.assume_multiple %parallel_loop3A_463, 16 : i32
        %parallel_loop3A_465 = arith.constant 128 : i32
        %parallel_loop3A_466 = arith.divsi %parallel_loop3A_464, %parallel_loop3A_465 : i32
        %parallel_loop3A_467 = arith.constant 0 : i32
        %parallel_loop3A_468 = arith.cmpi sgt, %parallel_loop3A_464, %parallel_loop3A_467 : i32
        %parallel_loop3A_469 = arith.extui %parallel_loop3A_468 : i1 to i32
        %parallel_loop3A_470 = arith.constant 0 : i32
        %parallel_loop3A_471 = arith.cmpi slt, %parallel_loop3A_464, %parallel_loop3A_470 : i32
        %parallel_loop3A_472 = arith.extui %parallel_loop3A_471 : i1 to i32
        %parallel_loop3A_473 = arith.subi %parallel_loop3A_469, %parallel_loop3A_472 : i32
        %parallel_loop3A_474 = arith.constant 0 : i32
        %parallel_loop3A_475 = arith.cmpi sgt, %parallel_loop3A_465, %parallel_loop3A_474 : i32
        %parallel_loop3A_476 = arith.extui %parallel_loop3A_475 : i1 to i32
        %parallel_loop3A_477 = arith.constant 0 : i32
        %parallel_loop3A_478 = arith.cmpi slt, %parallel_loop3A_465, %parallel_loop3A_477 : i32
        %parallel_loop3A_479 = arith.extui %parallel_loop3A_478 : i1 to i32
        %parallel_loop3A_480 = arith.subi %parallel_loop3A_476, %parallel_loop3A_479 : i32
        %parallel_loop3A_481 = arith.cmpi ne, %parallel_loop3A_473, %parallel_loop3A_480 : i32
        %parallel_loop3A_482 = arith.remsi %parallel_loop3A_464, %parallel_loop3A_465 : i32
        %parallel_loop3A_483 = arith.constant 0 : i32
        %parallel_loop3A_484 = arith.cmpi ne, %parallel_loop3A_482, %parallel_loop3A_483 : i32
        %parallel_loop3A_485 = arith.andi %parallel_loop3A_481, %parallel_loop3A_484 : i1
        %parallel_loop3A_486 = arith.constant 1 : i32
        %parallel_loop3A_487 = arith.subi %parallel_loop3A_466, %parallel_loop3A_486 : i32
        %parallel_loop3A_488 = arith.select %parallel_loop3A_485, %parallel_loop3A_487, %parallel_loop3A_466 : i32
        %parallel_loop3A_489 = arith.constant 128 : i32
        %parallel_loop3A_490 = arith.muli %parallel_loop3A_488, %parallel_loop3A_489 : i32
        %parallel_loop3A_491 = arith.subi %parallel_loop3A_464, %parallel_loop3A_490 : i32
        %parallel_loop3A_492 = tpu.assume_multiple %parallel_loop3A_491, 16 : i32
        %parallel_loop3A_493 = arith.index_cast %select_n3A_212 : i32 to index
        %parallel_loop3A_494 = arith.index_cast %parallel_loop3A_464 : i32 to index
        %parallel_loop3A_495 = tpu.vector_load %arg11[%parallel_loop3A_493, %parallel_loop3A_494] {strides = array<i32>} : memref<2x2048xf32, #tpu.memory_space<vmem>>, vector<16xf32>,
        %parallel_loop3A_496 = arith.constant 1 : i32
        %parallel_loop3A_497 = arith.index_cast %select_n3A_212 : i32 to index
        %parallel_loop3A_498 = arith.index_cast %parallel_loop3A_488 : i32 to index
        %parallel_loop3A_499 = arith.index_cast %parallel_loop3A_496 : i32 to index
        %parallel_loop3A_500 = arith.index_cast %parallel_loop3A_492 : i32 to index
        %parallel_loop3A_501 = tpu.vector_load %arg12[%parallel_loop3A_497, %parallel_loop3A_498, %parallel_loop3A_499, %parallel_loop3A_500] {strides = array<i32>} : memref<2x16x2x128xf32, #tpu.memory_space<vmem>>, vector<16xf32>,
        %parallel_loop3A_502 = arith.mulf %parallel_loop3A_495, %parallel_loop3A_501 : vector<16xf32>
        %parallel_loop3A_503 = arith.constant true
        %parallel_loop3A_504 = vector.broadcast %parallel_loop3A_503 : i1 to vector<16xi1>
        %parallel_loop3A_505 = tpu.scan <sum>, %parallel_loop3A_502 masked %parallel_loop3A_504 : vector<16xf32>, vector<16xi1> -> vector<16xf32>
        %parallel_loop3A_506 = arith.index_cast %parallel_loop3A_464 : i32 to index
        %parallel_loop3A_507 = tpu.vector_load %arg15[%parallel_loop3A_506] {strides = array<i32>} : memref<2048xf32, #tpu.memory_space<vmem>>, vector<16xf32>,
        tpu.vector_store %arg15[%parallel_loop3A_506], %parallel_loop3A_505 {strides = array<i32>} : memref<2048xf32, #tpu.memory_space<vmem>>, vector<16xf32>,
        %parallel_loop3A_508 = arith.index_cast %parallel_loop3A_464 : i32 to index
        %parallel_loop3A_509 = tpu.vector_load %arg16[%parallel_loop3A_508] {strides = array<i32>} : memref<2048xf32, #tpu.memory_space<vmem>>, vector<16xf32>,
        tpu.vector_store %arg16[%parallel_loop3A_508], %parallel_loop3A_502 {strides = array<i32>} : memref<2048xf32, #tpu.memory_space<vmem>>, vector<16xf32>,
        %parallel_loop3A_510 = arith.constant 0.000000e+00 : f32
        %parallel_loop3A_511 = vector.broadcast %parallel_loop3A_510 : f32 to vector<16xf32>
        %parallel_loop3A_512 = arith.index_cast %select_n3A_212 : i32 to index
        %parallel_loop3A_513 = arith.index_cast %parallel_loop3A_464 : i32 to index
        %parallel_loop3A_514 = tpu.vector_load %arg14[%parallel_loop3A_512, %parallel_loop3A_513] {strides = array<i32>} : memref<2x2048xf32, #tpu.memory_space<vmem>>, vector<16xf32>,
        tpu.vector_store %arg14[%parallel_loop3A_512, %parallel_loop3A_513], %parallel_loop3A_511 {strides = array<i32>} : memref<2x2048xf32, #tpu.memory_space<vmem>>, vector<16xf32>,
      } {sc.loop_unroll_factor = 4 : i64, sc.parallel_access}
      %iota3A_292 = tpu.iota {dimensions = array<i32: 0>} : vector<16xi32>
      %mul3A_293 = arith.constant 16 : i32
      %mul3A_294 = vector.broadcast %mul3A_293 : i32 to vector<16xi32>
      %mul3A_295 = arith.muli %iota3A_292, %mul3A_294 : vector<16xi32>
      %add3A_296 = arith.constant 15 : i32
      %add3A_297 = vector.broadcast %add3A_296 : i32 to vector<16xi32>
      %add3A_298 = arith.addi %mul3A_295, %add3A_297 : vector<16xi32>
      %gather3A_299 = tpu.vector_load_idx %arg15[%add3A_298] : memref<2048xf32, #tpu.memory_space<vmem>>[vector<16xi32>], vector<16xf32>,
      %broadcast_in_dim3A_300 = arith.constant true
      %broadcast_in_dim3A_301 = vector.broadcast %broadcast_in_dim3A_300 : i1 to vector<16xi1>
      %masked_cumsum3A = tpu.scan <sum>, %gather3A_299 masked %broadcast_in_dim3A_301 : vector<16xf32>, vector<16xi1> -> vector<16xf32>
      %sub3A_302 = arith.subf %masked_cumsum3A, %gather3A_299 : vector<16xf32>
      %add3A_303 = arith.constant 0.000000e+00 : f32
      %add3A_304 = vector.broadcast %add3A_303 : f32 to vector<16xf32>
      %add3A_305 = arith.addf %sub3A_302, %add3A_304 : vector<16xf32>
      %swap3A = arith.constant 0 : index
      %swap3A_306 = tpu.vector_load %arg17[%swap3A] {strides = array<i32>} : memref<128xf32, #tpu.memory_space<vmem>>, vector<16xf32>,
      tpu.vector_store %arg17[%swap3A], %add3A_305 {strides = array<i32>} : memref<128xf32, #tpu.memory_space<vmem>>, vector<16xf32>,
      %slice3A_307 = vector.extract_strided_slice %masked_cumsum3A {offsets = [15], sizes = [1], strides = [1]} : vector<16xf32> to vector<1xf32>
      %squeeze3A_308 = vector.extract %slice3A_307[0] : f32 from vector<1xf32>
      %add3A_309 = arith.constant 0.000000e+00 : f32
      %add3A_310 = arith.addf %add3A_309, %squeeze3A_308 : f32
      %iota3A_311 = tpu.iota {dimensions = array<i32: 0>} : vector<16xi32>
      %mul3A_312 = arith.constant 16 : i32
      %mul3A_313 = vector.broadcast %mul3A_312 : i32 to vector<16xi32>
      %mul3A_314 = arith.muli %iota3A_311, %mul3A_313 : vector<16xi32>
      %add3A_315 = arith.constant 271 : i32
      %add3A_316 = vector.broadcast %add3A_315 : i32 to vector<16xi32>
      %add3A_317 = arith.addi %mul3A_314, %add3A_316 : vector<16xi32>
      %gather3A_318 = tpu.vector_load_idx %arg15[%add3A_317] : memref<2048xf32, #tpu.memory_space<vmem>>[vector<16xi32>], vector<16xf32>,
      %broadcast_in_dim3A_319 = arith.constant true
      %broadcast_in_dim3A_320 = vector.broadcast %broadcast_in_dim3A_319 : i1 to vector<16xi1>
      %masked_cumsum3A_321 = tpu.scan <sum>, %gather3A_318 masked %broadcast_in_dim3A_320 : vector<16xf32>, vector<16xi1> -> vector<16xf32>
      %sub3A_322 = arith.subf %masked_cumsum3A_321, %gather3A_318 : vector<16xf32>
      %add3A_323 = vector.broadcast %add3A_310 : f32 to vector<16xf32>
      %add3A_324 = arith.addf %sub3A_322, %add3A_323 : vector<16xf32>
      %swap3A_325 = arith.constant 16 : index
      %swap3A_326 = tpu.vector_load %arg17[%swap3A_325] {strides = array<i32>} : memref<128xf32, #tpu.memory_space<vmem>>, vector<16xf32>,
      tpu.vector_store %arg17[%swap3A_325], %add3A_324 {strides = array<i32>} : memref<128xf32, #tpu.memory_space<vmem>>, vector<16xf32>,
      %slice3A_327 = vector.extract_strided_slice %masked_cumsum3A_321 {offsets = [15], sizes = [1], strides = [1]} : vector<16xf32> to vector<1xf32>
      %squeeze3A_328 = vector.extract %slice3A_327[0] : f32 from vector<1xf32>
      %add3A_329 = arith.addf %add3A_310, %squeeze3A_328 : f32
      %iota3A_330 = tpu.iota {dimensions = array<i32: 0>} : vector<16xi32>
      %mul3A_331 = arith.constant 16 : i32
      %mul3A_332 = vector.broadcast %mul3A_331 : i32 to vector<16xi32>
      %mul3A_333 = arith.muli %iota3A_330, %mul3A_332 : vector<16xi32>
      %add3A_334 = arith.constant 527 : i32
      %add3A_335 = vector.broadcast %add3A_334 : i32 to vector<16xi32>
      %add3A_336 = arith.addi %mul3A_333, %add3A_335 : vector<16xi32>
      %gather3A_337 = tpu.vector_load_idx %arg15[%add3A_336] : memref<2048xf32, #tpu.memory_space<vmem>>[vector<16xi32>], vector<16xf32>,
      %broadcast_in_dim3A_338 = arith.constant true
      %broadcast_in_dim3A_339 = vector.broadcast %broadcast_in_dim3A_338 : i1 to vector<16xi1>
      %masked_cumsum3A_340 = tpu.scan <sum>, %gather3A_337 masked %broadcast_in_dim3A_339 : vector<16xf32>, vector<16xi1> -> vector<16xf32>
      %sub3A_341 = arith.subf %masked_cumsum3A_340, %gather3A_337 : vector<16xf32>
      %add3A_342 = vector.broadcast %add3A_329 : f32 to vector<16xf32>
      %add3A_343 = arith.addf %sub3A_341, %add3A_342 : vector<16xf32>
      %swap3A_344 = arith.constant 32 : index
      %swap3A_345 = tpu.vector_load %arg17[%swap3A_344] {strides = array<i32>} : memref<128xf32, #tpu.memory_space<vmem>>, vector<16xf32>,
      tpu.vector_store %arg17[%swap3A_344], %add3A_343 {strides = array<i32>} : memref<128xf32, #tpu.memory_space<vmem>>, vector<16xf32>,
      %slice3A_346 = vector.extract_strided_slice %masked_cumsum3A_340 {offsets = [15], sizes = [1], strides = [1]} : vector<16xf32> to vector<1xf32>
      %squeeze3A_347 = vector.extract %slice3A_346[0] : f32 from vector<1xf32>
      %add3A_348 = arith.addf %add3A_329, %squeeze3A_347 : f32
      %iota3A_349 = tpu.iota {dimensions = array<i32: 0>} : vector<16xi32>
      %mul3A_350 = arith.constant 16 : i32
      %mul3A_351 = vector.broadcast %mul3A_350 : i32 to vector<16xi32>
      %mul3A_352 = arith.muli %iota3A_349, %mul3A_351 : vector<16xi32>
      %add3A_353 = arith.constant 783 : i32
      %add3A_354 = vector.broadcast %add3A_353 : i32 to vector<16xi32>
      %add3A_355 = arith.addi %mul3A_352, %add3A_354 : vector<16xi32>
      %gather3A_356 = tpu.vector_load_idx %arg15[%add3A_355] : memref<2048xf32, #tpu.memory_space<vmem>>[vector<16xi32>], vector<16xf32>,
      %broadcast_in_dim3A_357 = arith.constant true
      %broadcast_in_dim3A_358 = vector.broadcast %broadcast_in_dim3A_357 : i1 to vector<16xi1>
      %masked_cumsum3A_359 = tpu.scan <sum>, %gather3A_356 masked %broadcast_in_dim3A_358 : vector<16xf32>, vector<16xi1> -> vector<16xf32>
      %sub3A_360 = arith.subf %masked_cumsum3A_359, %gather3A_356 : vector<16xf32>
      %add3A_361 = vector.broadcast %add3A_348 : f32 to vector<16xf32>
      %add3A_362 = arith.addf %sub3A_360, %add3A_361 : vector<16xf32>
      %swap3A_363 = arith.constant 48 : index
      %swap3A_364 = tpu.vector_load %arg17[%swap3A_363] {strides = array<i32>} : memref<128xf32, #tpu.memory_space<vmem>>, vector<16xf32>,
      tpu.vector_store %arg17[%swap3A_363], %add3A_362 {strides = array<i32>} : memref<128xf32, #tpu.memory_space<vmem>>, vector<16xf32>,
      %slice3A_365 = vector.extract_strided_slice %masked_cumsum3A_359 {offsets = [15], sizes = [1], strides = [1]} : vector<16xf32> to vector<1xf32>
      %squeeze3A_366 = vector.extract %slice3A_365[0] : f32 from vector<1xf32>
      %add3A_367 = arith.addf %add3A_348, %squeeze3A_366 : f32
      %iota3A_368 = tpu.iota {dimensions = array<i32: 0>} : vector<16xi32>
      %mul3A_369 = arith.constant 16 : i32
      %mul3A_370 = vector.broadcast %mul3A_369 : i32 to vector<16xi32>
      %mul3A_371 = arith.muli %iota3A_368, %mul3A_370 : vector<16xi32>
      %add3A_372 = arith.constant 1039 : i32
      %add3A_373 = vector.broadcast %add3A_372 : i32 to vector<16xi32>
      %add3A_374 = arith.addi %mul3A_371, %add3A_373 : vector<16xi32>
      %gather3A_375 = tpu.vector_load_idx %arg15[%add3A_374] : memref<2048xf32, #tpu.memory_space<vmem>>[vector<16xi32>], vector<16xf32>,
      %broadcast_in_dim3A_376 = arith.constant true
      %broadcast_in_dim3A_377 = vector.broadcast %broadcast_in_dim3A_376 : i1 to vector<16xi1>
      %masked_cumsum3A_378 = tpu.scan <sum>, %gather3A_375 masked %broadcast_in_dim3A_377 : vector<16xf32>, vector<16xi1> -> vector<16xf32>
      %sub3A_379 = arith.subf %masked_cumsum3A_378, %gather3A_375 : vector<16xf32>
      %add3A_380 = vector.broadcast %add3A_367 : f32 to vector<16xf32>
      %add3A_381 = arith.addf %sub3A_379, %add3A_380 : vector<16xf32>
      %swap3A_382 = arith.constant 64 : index
      %swap3A_383 = tpu.vector_load %arg17[%swap3A_382] {strides = array<i32>} : memref<128xf32, #tpu.memory_space<vmem>>, vector<16xf32>,
      tpu.vector_store %arg17[%swap3A_382], %add3A_381 {strides = array<i32>} : memref<128xf32, #tpu.memory_space<vmem>>, vector<16xf32>,
      %slice3A_384 = vector.extract_strided_slice %masked_cumsum3A_378 {offsets = [15], sizes = [1], strides = [1]} : vector<16xf32> to vector<1xf32>
      %squeeze3A_385 = vector.extract %slice3A_384[0] : f32 from vector<1xf32>
      %add3A_386 = arith.addf %add3A_367, %squeeze3A_385 : f32
      %iota3A_387 = tpu.iota {dimensions = array<i32: 0>} : vector<16xi32>
      %mul3A_388 = arith.constant 16 : i32
      %mul3A_389 = vector.broadcast %mul3A_388 : i32 to vector<16xi32>
      %mul3A_390 = arith.muli %iota3A_387, %mul3A_389 : vector<16xi32>
      %add3A_391 = arith.constant 1295 : i32
      %add3A_392 = vector.broadcast %add3A_391 : i32 to vector<16xi32>
      %add3A_393 = arith.addi %mul3A_390, %add3A_392 : vector<16xi32>
      %gather3A_394 = tpu.vector_load_idx %arg15[%add3A_393] : memref<2048xf32, #tpu.memory_space<vmem>>[vector<16xi32>], vector<16xf32>,
      %broadcast_in_dim3A_395 = arith.constant true
      %broadcast_in_dim3A_396 = vector.broadcast %broadcast_in_dim3A_395 : i1 to vector<16xi1>
      %masked_cumsum3A_397 = tpu.scan <sum>, %gather3A_394 masked %broadcast_in_dim3A_396 : vector<16xf32>, vector<16xi1> -> vector<16xf32>
      %sub3A_398 = arith.subf %masked_cumsum3A_397, %gather3A_394 : vector<16xf32>
      %add3A_399 = vector.broadcast %add3A_386 : f32 to vector<16xf32>
      %add3A_400 = arith.addf %sub3A_398, %add3A_399 : vector<16xf32>
      %swap3A_401 = arith.constant 80 : index
      %swap3A_402 = tpu.vector_load %arg17[%swap3A_401] {strides = array<i32>} : memref<128xf32, #tpu.memory_space<vmem>>, vector<16xf32>,
      tpu.vector_store %arg17[%swap3A_401], %add3A_400 {strides = array<i32>} : memref<128xf32, #tpu.memory_space<vmem>>, vector<16xf32>,
      %slice3A_403 = vector.extract_strided_slice %masked_cumsum3A_397 {offsets = [15], sizes = [1], strides = [1]} : vector<16xf32> to vector<1xf32>
      %squeeze3A_404 = vector.extract %slice3A_403[0] : f32 from vector<1xf32>
      %add3A_405 = arith.addf %add3A_386, %squeeze3A_404 : f32
      %iota3A_406 = tpu.iota {dimensions = array<i32: 0>} : vector<16xi32>
      %mul3A_407 = arith.constant 16 : i32
      %mul3A_408 = vector.broadcast %mul3A_407 : i32 to vector<16xi32>
      %mul3A_409 = arith.muli %iota3A_406, %mul3A_408 : vector<16xi32>
      %add3A_410 = arith.constant 1551 : i32
      %add3A_411 = vector.broadcast %add3A_410 : i32 to vector<16xi32>
      %add3A_412 = arith.addi %mul3A_409, %add3A_411 : vector<16xi32>
      %gather3A_413 = tpu.vector_load_idx %arg15[%add3A_412] : memref<2048xf32, #tpu.memory_space<vmem>>[vector<16xi32>], vector<16xf32>,
      %broadcast_in_dim3A_414 = arith.constant true
      %broadcast_in_dim3A_415 = vector.broadcast %broadcast_in_dim3A_414 : i1 to vector<16xi1>
      %masked_cumsum3A_416 = tpu.scan <sum>, %gather3A_413 masked %broadcast_in_dim3A_415 : vector<16xf32>, vector<16xi1> -> vector<16xf32>
      %sub3A_417 = arith.subf %masked_cumsum3A_416, %gather3A_413 : vector<16xf32>
      %add3A_418 = vector.broadcast %add3A_405 : f32 to vector<16xf32>
      %add3A_419 = arith.addf %sub3A_417, %add3A_418 : vector<16xf32>
      %swap3A_420 = arith.constant 96 : index
      %swap3A_421 = tpu.vector_load %arg17[%swap3A_420] {strides = array<i32>} : memref<128xf32, #tpu.memory_space<vmem>>, vector<16xf32>,
      tpu.vector_store %arg17[%swap3A_420], %add3A_419 {strides = array<i32>} : memref<128xf32, #tpu.memory_space<vmem>>, vector<16xf32>,
      %slice3A_422 = vector.extract_strided_slice %masked_cumsum3A_416 {offsets = [15], sizes = [1], strides = [1]} : vector<16xf32> to vector<1xf32>
      %squeeze3A_423 = vector.extract %slice3A_422[0] : f32 from vector<1xf32>
      %add3A_424 = arith.addf %add3A_405, %squeeze3A_423 : f32
      %iota3A_425 = tpu.iota {dimensions = array<i32: 0>} : vector<16xi32>
      %mul3A_426 = arith.constant 16 : i32
      %mul3A_427 = vector.broadcast %mul3A_426 : i32 to vector<16xi32>
      %mul3A_428 = arith.muli %iota3A_425, %mul3A_427 : vector<16xi32>
      %add3A_429 = arith.constant 1807 : i32
      %add3A_430 = vector.broadcast %add3A_429 : i32 to vector<16xi32>
      %add3A_431 = arith.addi %mul3A_428, %add3A_430 : vector<16xi32>
      %gather3A_432 = tpu.vector_load_idx %arg15[%add3A_431] : memref<2048xf32, #tpu.memory_space<vmem>>[vector<16xi32>], vector<16xf32>,
      %broadcast_in_dim3A_433 = arith.constant true
      %broadcast_in_dim3A_434 = vector.broadcast %broadcast_in_dim3A_433 : i1 to vector<16xi1>
      %masked_cumsum3A_435 = tpu.scan <sum>, %gather3A_432 masked %broadcast_in_dim3A_434 : vector<16xf32>, vector<16xi1> -> vector<16xf32>
      %sub3A_436 = arith.subf %masked_cumsum3A_435, %gather3A_432 : vector<16xf32>
      %add3A_437 = vector.broadcast %add3A_424 : f32 to vector<16xf32>
      %add3A_438 = arith.addf %sub3A_436, %add3A_437 : vector<16xf32>
      %swap3A_439 = arith.constant 112 : index
      %swap3A_440 = tpu.vector_load %arg17[%swap3A_439] {strides = array<i32>} : memref<128xf32, #tpu.memory_space<vmem>>, vector<16xf32>,
      tpu.vector_store %arg17[%swap3A_439], %add3A_438 {strides = array<i32>} : memref<128xf32, #tpu.memory_space<vmem>>, vector<16xf32>,
      %slice3A_441 = vector.extract_strided_slice %masked_cumsum3A_435 {offsets = [15], sizes = [1], strides = [1]} : vector<16xf32> to vector<1xf32>
      %squeeze3A_442 = vector.extract %slice3A_441[0] : f32 from vector<1xf32>
      %add3A_443 = arith.addf %add3A_424, %squeeze3A_442 : f32
      %parallel_loop3A_444 = arith.constant 0 : i32
      %parallel_loop3A_445 = arith.constant 128 : i32
      %parallel_loop3A_446 = arith.constant 1 : i32
      scf.for %parallel_loop3A_461 = %parallel_loop3A_444 to %parallel_loop3A_445 step %parallel_loop3A_446  : i32 {
        %parallel_loop3A_462 = arith.constant 16 : i32
        %parallel_loop3A_463 = arith.muli %parallel_loop3A_461, %parallel_loop3A_462 : i32
        %parallel_loop3A_464 = tpu.assume_multiple %parallel_loop3A_463, 16 : i32
        %parallel_loop3A_465 = arith.index_cast %parallel_loop3A_464 : i32 to index
        %parallel_loop3A_466 = tpu.vector_load %arg16[%parallel_loop3A_465] {strides = array<i32>} : memref<2048xf32, #tpu.memory_space<vmem>>, vector<16xf32>,
        %parallel_loop3A_467 = arith.index_cast %parallel_loop3A_464 : i32 to index
        %parallel_loop3A_468 = tpu.vector_load %arg15[%parallel_loop3A_467] {strides = array<i32>} : memref<2048xf32, #tpu.memory_space<vmem>>, vector<16xf32>,
        %parallel_loop3A_469 = vector.broadcast %parallel_loop3A_461 : i32 to vector<16xi32>
        %parallel_loop3A_470 = tpu.vector_load_idx %arg17[%parallel_loop3A_469] : memref<128xf32, #tpu.memory_space<vmem>>[vector<16xi32>], vector<16xf32>,
        %parallel_loop3A_471 = arith.addf %parallel_loop3A_468, %parallel_loop3A_470 : vector<16xf32>
        %parallel_loop3A_472 = arith.constant 0.000000e+00 : f32
        %parallel_loop3A_473 = vector.broadcast %parallel_loop3A_472 : f32 to vector<16xf32>
        %parallel_loop3A_474 = arith.subf %parallel_loop3A_473, %parallel_loop3A_471 : vector<16xf32>
        %parallel_loop3A_475 = math.exp %parallel_loop3A_474 : vector<16xf32>
        %parallel_loop3A_476 = arith.subf %parallel_loop3A_471, %parallel_loop3A_466 : vector<16xf32>
        %parallel_loop3A_477 = arith.constant 0.000000e+00 : f32
        %parallel_loop3A_478 = vector.broadcast %parallel_loop3A_477 : f32 to vector<16xf32>
        %parallel_loop3A_479 = arith.subf %parallel_loop3A_478, %parallel_loop3A_476 : vector<16xf32>
        %parallel_loop3A_480 = math.exp %parallel_loop3A_479 : vector<16xf32>
        %parallel_loop3A_481 = arith.index_cast %parallel_loop3A_464 : i32 to index
        %parallel_loop3A_482 = tpu.vector_load %arg15[%parallel_loop3A_481] {strides = array<i32>} : memref<2048xf32, #tpu.memory_space<vmem>>, vector<16xf32>,
        tpu.vector_store %arg15[%parallel_loop3A_481], %parallel_loop3A_480 {strides = array<i32>} : memref<2048xf32, #tpu.memory_space<vmem>>, vector<16xf32>,
        %parallel_loop3A_483 = arith.subf %parallel_loop3A_480, %parallel_loop3A_475 : vector<16xf32>
        %parallel_loop3A_484 = arith.index_cast %parallel_loop3A_464 : i32 to index
        %parallel_loop3A_485 = tpu.vector_load %arg16[%parallel_loop3A_484] {strides = array<i32>} : memref<2048xf32, #tpu.memory_space<vmem>>, vector<16xf32>,
        tpu.vector_store %arg16[%parallel_loop3A_484], %parallel_loop3A_483 {strides = array<i32>} : memref<2048xf32, #tpu.memory_space<vmem>>, vector<16xf32>,
      } {sc.loop_unroll_factor = 4 : i64, sc.parallel_access}
      %broadcast_in_dim3A_447 = vector.broadcast %add3A_443 : f32 to vector<16xf32>
      %neg3A = arith.constant 0.000000e+00 : f32
      %neg3A_448 = vector.broadcast %neg3A : f32 to vector<16xf32>
      %neg3A_449 = arith.subf %neg3A_448, %broadcast_in_dim3A_447 : vector<16xf32>
      %exp3A = math.exp %neg3A_449 : vector<16xf32>
      %slice3A_450 = vector.extract_strided_slice %exp3A {offsets = [0], sizes = [1], strides = [1]} : vector<16xf32> to vector<1xf32>
      %squeeze3A_451 = vector.extract %slice3A_450[0] : f32 from vector<1xf32>
      %while3A_452 = arith.constant 0 : i32
      %while3A_453:10 = scf.while (%while3A_461 = %while3A_452, %while3A_462 = %while3A_188, %while3A_463 = %while3A_189, %while3A_464 = %while3A_190, %while3A_465 = %while3A_191, %while3A_466 = %while3A_192, %while3A_467 = %while3A_193, %while3A_468 = %while3A_194, %while3A_469 = %while3A_195, %while3A_470 = %while3A_196) : (i32, i32, i32, i32, f32, vector<16xf32>, vector<16xf32>, vector<16xf32>, vector<16xf32>, vector<16xf32>) -> (i32, i32, i32, i32, f32, vector<16xf32>, vector<16xf32>, vector<16xf32>, vector<16xf32>, vector<16xf32>) {
        %lt3A_471 = arith.constant 128 : i32
        %lt3A_472 = arith.cmpi slt, %while3A_461, %lt3A_471 : i32
        scf.condition(%lt3A_472) %while3A_461, %while3A_462, %while3A_463, %while3A_464, %while3A_465, %while3A_466, %while3A_467, %while3A_468, %while3A_469, %while3A_470 : i32, i32, i32, i32, f32, vector<16xf32>, vector<16xf32>, vector<16xf32>, vector<16xf32>, vector<16xf32>
      } do {
      ^bb0(%while3A_461: i32, %while3A_462: i32, %while3A_463: i32, %while3A_464: i32, %while3A_465: f32, %while3A_466: vector<16xf32>, %while3A_467: vector<16xf32>, %while3A_468: vector<16xf32>, %while3A_469: vector<16xf32>, %while3A_470: vector<16xf32>):
        %sub3A_471 = arith.subi %while3A_464, %multiple_of3A_277 : i32
        %add3A_472 = arith.constant 15 : i32
        %add3A_473 = arith.addi %sub3A_471, %add3A_472 : i32
        %jit3A_474 = arith.constant 16 : i32
        %div3A_475 = arith.divsi %add3A_473, %jit3A_474 : i32
        %sign3A_476 = arith.constant 0 : i32
        %sign3A_477 = arith.cmpi sgt, %add3A_473, %sign3A_476 : i32
        %sign3A_478 = arith.extui %sign3A_477 : i1 to i32
        %sign3A_479 = arith.constant 0 : i32
        %sign3A_480 = arith.cmpi slt, %add3A_473, %sign3A_479 : i32
        %sign3A_481 = arith.extui %sign3A_480 : i1 to i32
        %sign3A_482 = arith.subi %sign3A_478, %sign3A_481 : i32
        %sign3A_483 = arith.constant 0 : i32
        %sign3A_484 = arith.cmpi sgt, %jit3A_474, %sign3A_483 : i32
        %sign3A_485 = arith.extui %sign3A_484 : i1 to i32
        %sign3A_486 = arith.constant 0 : i32
        %sign3A_487 = arith.cmpi slt, %jit3A_474, %sign3A_486 : i32
        %sign3A_488 = arith.extui %sign3A_487 : i1 to i32
        %sign3A_489 = arith.subi %sign3A_485, %sign3A_488 : i32
        %ne3A_490 = arith.cmpi ne, %sign3A_482, %sign3A_489 : i32
        %rem3A_491 = arith.remsi %add3A_473, %jit3A_474 : i32
        %ne3A_492 = arith.constant 0 : i32
        %ne3A_493 = arith.cmpi ne, %rem3A_491, %ne3A_492 : i32
        %and3A_494 = arith.andi %ne3A_490, %ne3A_493 : i1
        %sub3A_495 = arith.constant 1 : i32
        %sub3A_496 = arith.subi %div3A_475, %sub3A_495 : i32
        %select_n3A_497 = arith.select %and3A_494, %sub3A_496, %div3A_475 : i32
        %jit3A_498 = arith.constant 128 : i32
        %max3A_499 = arith.maxsi %while3A_461, %select_n3A_497 : i32
        %min3A_500 = arith.minsi %jit3A_498, %max3A_499 : i32
        %while3A_501 = arith.subi %min3A_500, %while3A_461 : i32
        %while3A_502 = arith.addi %while3A_461, %while3A_501 : i32
        %while3A_503 = arith.constant 1 : i32
        %while3A_504 = arith.divsi %while3A_501, %while3A_503 : i32
        %while3A_505 = arith.muli %while3A_504, %while3A_503 : i32
        %while3A_506 = arith.addi %while3A_461, %while3A_505 : i32
        %while3A_507 = arith.constant 1 : i32
        %while3A_508:5 = scf.for %while3A_518 = %while3A_461 to %while3A_506 step %while3A_507 iter_args(%while3A_519 = %while3A_466, %while3A_520 = %while3A_467, %while3A_521 = %while3A_468, %while3A_522 = %while3A_469, %while3A_523 = %while3A_470) -> (vector<16xf32>, vector<16xf32>, vector<16xf32>, vector<16xf32>, vector<16xf32>)  : i32 {
          %mul3A_524 = arith.constant 16 : i32
          %mul3A_525 = arith.muli %while3A_518, %mul3A_524 : i32
          %jit3A_526 = arith.constant 128 : i32
          %div3A_527 = arith.divsi %mul3A_525, %jit3A_526 : i32
          %sign3A_528 = arith.constant 0 : i32
          %sign3A_529 = arith.cmpi sgt, %mul3A_525, %sign3A_528 : i32
          %sign3A_530 = arith.extui %sign3A_529 : i1 to i32
          %sign3A_531 = arith.constant 0 : i32
          %sign3A_532 = arith.cmpi slt, %mul3A_525, %sign3A_531 : i32
          %sign3A_533 = arith.extui %sign3A_532 : i1 to i32
          %sign3A_534 = arith.subi %sign3A_530, %sign3A_533 : i32
          %sign3A_535 = arith.constant 0 : i32
          %sign3A_536 = arith.cmpi sgt, %jit3A_526, %sign3A_535 : i32
          %sign3A_537 = arith.extui %sign3A_536 : i1 to i32
          %sign3A_538 = arith.constant 0 : i32
          %sign3A_539 = arith.cmpi slt, %jit3A_526, %sign3A_538 : i32
          %sign3A_540 = arith.extui %sign3A_539 : i1 to i32
          %sign3A_541 = arith.subi %sign3A_537, %sign3A_540 : i32
          %ne3A_542 = arith.cmpi ne, %sign3A_534, %sign3A_541 : i32
          %rem3A_543 = arith.remsi %mul3A_525, %jit3A_526 : i32
          %ne3A_544 = arith.constant 0 : i32
          %ne3A_545 = arith.cmpi ne, %rem3A_543, %ne3A_544 : i32
          %and3A_546 = arith.andi %ne3A_542, %ne3A_545 : i1
          %sub3A_547 = arith.constant 1 : i32
          %sub3A_548 = arith.subi %div3A_527, %sub3A_547 : i32
          %select_n3A_549 = arith.select %and3A_546, %sub3A_548, %div3A_527 : i32
          %mul3A_550 = arith.constant 128 : i32
          %mul3A_551 = arith.muli %select_n3A_549, %mul3A_550 : i32
          %sub3A_552 = arith.subi %mul3A_525, %mul3A_551 : i32
          %multiple_of3A_553 = tpu.assume_multiple %sub3A_552, 16 : i32
          %add3A_554 = arith.addi %multiple_of3A_277, %mul3A_525 : i32
          %add3A_555 = vector.broadcast %add3A_554 : i32 to vector<16xi32>
          %add3A_556 = arith.addi %iota3A, %add3A_555 : vector<16xi32>
          %ge3A_557 = vector.broadcast %while3A_463 : i32 to vector<16xi32>
          %ge3A_558 = arith.cmpi sge, %add3A_556, %ge3A_557 : vector<16xi32>
          %lt3A_559 = vector.broadcast %while3A_464 : i32 to vector<16xi32>
          %lt3A_560 = arith.cmpi slt, %add3A_556, %lt3A_559 : vector<16xi32>
          %and3A_561 = arith.andi %ge3A_558, %lt3A_560 : vector<16xi1>
          %get3A = arith.index_cast %mul3A_525 : i32 to index
          %get3A_562 = tpu.vector_load %arg15[%get3A] {strides = array<i32>} : memref<2048xf32, #tpu.memory_space<vmem>>, vector<16xf32>,
          %get3A_563 = arith.index_cast %mul3A_525 : i32 to index
          %get3A_564 = tpu.vector_load %arg16[%get3A_563] {strides = array<i32>} : memref<2048xf32, #tpu.memory_space<vmem>>, vector<16xf32>,
          %mul3A_565 = vector.broadcast %while3A_465 : f32 to vector<16xf32>
          %mul3A_566 = arith.mulf %get3A_562, %mul3A_565 : vector<16xf32>
          %ge3A_567 = arith.constant 9.99999974E-5 : f32
          %ge3A_568 = vector.broadcast %ge3A_567 : f32 to vector<16xf32>
          %ge3A_569 = arith.cmpf oge, %mul3A_566, %ge3A_568 : vector<16xf32>
          %and3A_570 = arith.andi %and3A_561, %ge3A_569 : vector<16xi1>
          %mul3A_571 = vector.broadcast %while3A_465 : f32 to vector<16xf32>
          %mul3A_572 = arith.mulf %get3A_564, %mul3A_571 : vector<16xf32>
          %jit3A_573 = arith.constant 0.000000e+00 : f32
          %broadcast_in_dim3A_574 = vector.broadcast %jit3A_573 : f32 to vector<16xf32>
          %select_n3A_575 = arith.select %and3A_570, %mul3A_572, %broadcast_in_dim3A_574 : vector<16xi1>, vector<16xf32>
          %swap3A_576 = arith.index_cast %select_n3A_212 : i32 to index
          %swap3A_577 = arith.index_cast %mul3A_525 : i32 to index
          %swap3A_578 = tpu.vector_load %arg14[%swap3A_576, %swap3A_577] {strides = array<i32>} : memref<2x2048xf32, #tpu.memory_space<vmem>>, vector<16xf32>,
          tpu.vector_store %arg14[%swap3A_576, %swap3A_577], %select_n3A_575 {add = true, strides = array<i32>} : memref<2x2048xf32, #tpu.memory_space<vmem>>, vector<16xf32>,
          %get3A_579 = arith.constant 0 : i32
          %get3A_580 = arith.index_cast %select_n3A_212 : i32 to index
          %get3A_581 = arith.index_cast %select_n3A_549 : i32 to index
          %get3A_582 = arith.index_cast %get3A_579 : i32 to index
          %get3A_583 = arith.index_cast %multiple_of3A_553 : i32 to index
          %get3A_584 = tpu.vector_load %arg12[%get3A_580, %get3A_581, %get3A_582, %get3A_583] {strides = array<i32>} : memref<2x16x2x128xf32, #tpu.memory_space<vmem>>, vector<16xf32>,
          %get3A_585 = arith.constant 0 : i32
          %get3A_586 = arith.index_cast %select_n3A_212 : i32 to index
          %get3A_587 = arith.index_cast %select_n3A_549 : i32 to index
          %get3A_588 = arith.index_cast %get3A_585 : i32 to index
          %get3A_589 = arith.index_cast %multiple_of3A_553 : i32 to index
          %get3A_590 = tpu.vector_load %arg13[%get3A_586, %get3A_587, %get3A_588, %get3A_589] {strides = array<i32>} : memref<2x16x3x128xf32, #tpu.memory_space<vmem>>, vector<16xf32>,
          %get3A_591 = arith.constant 1 : i32
          %get3A_592 = arith.index_cast %select_n3A_212 : i32 to index
          %get3A_593 = arith.index_cast %select_n3A_549 : i32 to index
          %get3A_594 = arith.index_cast %get3A_591 : i32 to index
          %get3A_595 = arith.index_cast %multiple_of3A_553 : i32 to index
          %get3A_596 = tpu.vector_load %arg13[%get3A_592, %get3A_593, %get3A_594, %get3A_595] {strides = array<i32>} : memref<2x16x3x128xf32, #tpu.memory_space<vmem>>, vector<16xf32>,
          %get3A_597 = arith.constant 2 : i32
          %get3A_598 = arith.index_cast %select_n3A_212 : i32 to index
          %get3A_599 = arith.index_cast %select_n3A_549 : i32 to index
          %get3A_600 = arith.index_cast %get3A_597 : i32 to index
          %get3A_601 = arith.index_cast %multiple_of3A_553 : i32 to index
          %get3A_602 = tpu.vector_load %arg13[%get3A_598, %get3A_599, %get3A_600, %get3A_601] {strides = array<i32>} : memref<2x16x3x128xf32, #tpu.memory_space<vmem>>, vector<16xf32>,
          %add3A_603 = arith.addf %while3A_519, %select_n3A_575 : vector<16xf32>
          %mul3A_604 = arith.mulf %select_n3A_575, %get3A_584 : vector<16xf32>
          %add3A_605 = arith.addf %while3A_520, %mul3A_604 : vector<16xf32>
          %mul3A_606 = arith.mulf %select_n3A_575, %get3A_590 : vector<16xf32>
          %add3A_607 = arith.addf %while3A_521, %mul3A_606 : vector<16xf32>
          %mul3A_608 = arith.mulf %select_n3A_575, %get3A_596 : vector<16xf32>
          %add3A_609 = arith.addf %while3A_522, %mul3A_608 : vector<16xf32>
          %mul3A_610 = arith.mulf %select_n3A_575, %get3A_602 : vector<16xf32>
          %add3A_611 = arith.addf %while3A_523, %mul3A_610 : vector<16xf32>
          scf.yield %add3A_603, %add3A_605, %add3A_607, %add3A_609, %add3A_611 : vector<16xf32>, vector<16xf32>, vector<16xf32>, vector<16xf32>, vector<16xf32>
        }
        %while3A_509 = arith.constant 1 : i32
        %while3A_510:5 = scf.for %while3A_518 = %while3A_506 to %while3A_502 step %while3A_509 iter_args(%while3A_519 = %while3A_508#0, %while3A_520 = %while3A_508#1, %while3A_521 = %while3A_508#2, %while3A_522 = %while3A_508#3, %while3A_523 = %while3A_508#4) -> (vector<16xf32>, vector<16xf32>, vector<16xf32>, vector<16xf32>, vector<16xf32>)  : i32 {
          %mul3A_524 = arith.constant 16 : i32
          %mul3A_525 = arith.muli %while3A_518, %mul3A_524 : i32
          %jit3A_526 = arith.constant 128 : i32
          %div3A_527 = arith.divsi %mul3A_525, %jit3A_526 : i32
          %sign3A_528 = arith.constant 0 : i32
          %sign3A_529 = arith.cmpi sgt, %mul3A_525, %sign3A_528 : i32
          %sign3A_530 = arith.extui %sign3A_529 : i1 to i32
          %sign3A_531 = arith.constant 0 : i32
          %sign3A_532 = arith.cmpi slt, %mul3A_525, %sign3A_531 : i32
          %sign3A_533 = arith.extui %sign3A_532 : i1 to i32
          %sign3A_534 = arith.subi %sign3A_530, %sign3A_533 : i32
          %sign3A_535 = arith.constant 0 : i32
          %sign3A_536 = arith.cmpi sgt, %jit3A_526, %sign3A_535 : i32
          %sign3A_537 = arith.extui %sign3A_536 : i1 to i32
          %sign3A_538 = arith.constant 0 : i32
          %sign3A_539 = arith.cmpi slt, %jit3A_526, %sign3A_538 : i32
          %sign3A_540 = arith.extui %sign3A_539 : i1 to i32
          %sign3A_541 = arith.subi %sign3A_537, %sign3A_540 : i32
          %ne3A_542 = arith.cmpi ne, %sign3A_534, %sign3A_541 : i32
          %rem3A_543 = arith.remsi %mul3A_525, %jit3A_526 : i32
          %ne3A_544 = arith.constant 0 : i32
          %ne3A_545 = arith.cmpi ne, %rem3A_543, %ne3A_544 : i32
          %and3A_546 = arith.andi %ne3A_542, %ne3A_545 : i1
          %sub3A_547 = arith.constant 1 : i32
          %sub3A_548 = arith.subi %div3A_527, %sub3A_547 : i32
          %select_n3A_549 = arith.select %and3A_546, %sub3A_548, %div3A_527 : i32
          %mul3A_550 = arith.constant 128 : i32
          %mul3A_551 = arith.muli %select_n3A_549, %mul3A_550 : i32
          %sub3A_552 = arith.subi %mul3A_525, %mul3A_551 : i32
          %multiple_of3A_553 = tpu.assume_multiple %sub3A_552, 16 : i32
          %add3A_554 = arith.addi %multiple_of3A_277, %mul3A_525 : i32
          %add3A_555 = vector.broadcast %add3A_554 : i32 to vector<16xi32>
          %add3A_556 = arith.addi %iota3A, %add3A_555 : vector<16xi32>
          %ge3A_557 = vector.broadcast %while3A_463 : i32 to vector<16xi32>
          %ge3A_558 = arith.cmpi sge, %add3A_556, %ge3A_557 : vector<16xi32>
          %lt3A_559 = vector.broadcast %while3A_464 : i32 to vector<16xi32>
          %lt3A_560 = arith.cmpi slt, %add3A_556, %lt3A_559 : vector<16xi32>
          %and3A_561 = arith.andi %ge3A_558, %lt3A_560 : vector<16xi1>
          %get3A = arith.index_cast %mul3A_525 : i32 to index
          %get3A_562 = tpu.vector_load %arg15[%get3A] {strides = array<i32>} : memref<2048xf32, #tpu.memory_space<vmem>>, vector<16xf32>,
          %get3A_563 = arith.index_cast %mul3A_525 : i32 to index
          %get3A_564 = tpu.vector_load %arg16[%get3A_563] {strides = array<i32>} : memref<2048xf32, #tpu.memory_space<vmem>>, vector<16xf32>,
          %mul3A_565 = vector.broadcast %while3A_465 : f32 to vector<16xf32>
          %mul3A_566 = arith.mulf %get3A_562, %mul3A_565 : vector<16xf32>
          %ge3A_567 = arith.constant 9.99999974E-5 : f32
          %ge3A_568 = vector.broadcast %ge3A_567 : f32 to vector<16xf32>
          %ge3A_569 = arith.cmpf oge, %mul3A_566, %ge3A_568 : vector<16xf32>
          %and3A_570 = arith.andi %and3A_561, %ge3A_569 : vector<16xi1>
          %mul3A_571 = vector.broadcast %while3A_465 : f32 to vector<16xf32>
          %mul3A_572 = arith.mulf %get3A_564, %mul3A_571 : vector<16xf32>
          %jit3A_573 = arith.constant 0.000000e+00 : f32
          %broadcast_in_dim3A_574 = vector.broadcast %jit3A_573 : f32 to vector<16xf32>
          %select_n3A_575 = arith.select %and3A_570, %mul3A_572, %broadcast_in_dim3A_574 : vector<16xi1>, vector<16xf32>
          %swap3A_576 = arith.index_cast %select_n3A_212 : i32 to index
          %swap3A_577 = arith.index_cast %mul3A_525 : i32 to index
          %swap3A_578 = tpu.vector_load %arg14[%swap3A_576, %swap3A_577] {strides = array<i32>} : memref<2x2048xf32, #tpu.memory_space<vmem>>, vector<16xf32>,
          tpu.vector_store %arg14[%swap3A_576, %swap3A_577], %select_n3A_575 {add = true, strides = array<i32>} : memref<2x2048xf32, #tpu.memory_space<vmem>>, vector<16xf32>,
          %get3A_579 = arith.constant 0 : i32
          %get3A_580 = arith.index_cast %select_n3A_212 : i32 to index
          %get3A_581 = arith.index_cast %select_n3A_549 : i32 to index
          %get3A_582 = arith.index_cast %get3A_579 : i32 to index
          %get3A_583 = arith.index_cast %multiple_of3A_553 : i32 to index
          %get3A_584 = tpu.vector_load %arg12[%get3A_580, %get3A_581, %get3A_582, %get3A_583] {strides = array<i32>} : memref<2x16x2x128xf32, #tpu.memory_space<vmem>>, vector<16xf32>,
          %get3A_585 = arith.constant 0 : i32
          %get3A_586 = arith.index_cast %select_n3A_212 : i32 to index
          %get3A_587 = arith.index_cast %select_n3A_549 : i32 to index
          %get3A_588 = arith.index_cast %get3A_585 : i32 to index
          %get3A_589 = arith.index_cast %multiple_of3A_553 : i32 to index
          %get3A_590 = tpu.vector_load %arg13[%get3A_586, %get3A_587, %get3A_588, %get3A_589] {strides = array<i32>} : memref<2x16x3x128xf32, #tpu.memory_space<vmem>>, vector<16xf32>,
          %get3A_591 = arith.constant 1 : i32
          %get3A_592 = arith.index_cast %select_n3A_212 : i32 to index
          %get3A_593 = arith.index_cast %select_n3A_549 : i32 to index
          %get3A_594 = arith.index_cast %get3A_591 : i32 to index
          %get3A_595 = arith.index_cast %multiple_of3A_553 : i32 to index
          %get3A_596 = tpu.vector_load %arg13[%get3A_592, %get3A_593, %get3A_594, %get3A_595] {strides = array<i32>} : memref<2x16x3x128xf32, #tpu.memory_space<vmem>>, vector<16xf32>,
          %get3A_597 = arith.constant 2 : i32
          %get3A_598 = arith.index_cast %select_n3A_212 : i32 to index
          %get3A_599 = arith.index_cast %select_n3A_549 : i32 to index
          %get3A_600 = arith.index_cast %get3A_597 : i32 to index
          %get3A_601 = arith.index_cast %multiple_of3A_553 : i32 to index
          %get3A_602 = tpu.vector_load %arg13[%get3A_598, %get3A_599, %get3A_600, %get3A_601] {strides = array<i32>} : memref<2x16x3x128xf32, #tpu.memory_space<vmem>>, vector<16xf32>,
          %add3A_603 = arith.addf %while3A_519, %select_n3A_575 : vector<16xf32>
          %mul3A_604 = arith.mulf %select_n3A_575, %get3A_584 : vector<16xf32>
          %add3A_605 = arith.addf %while3A_520, %mul3A_604 : vector<16xf32>
          %mul3A_606 = arith.mulf %select_n3A_575, %get3A_590 : vector<16xf32>
          %add3A_607 = arith.addf %while3A_521, %mul3A_606 : vector<16xf32>
          %mul3A_608 = arith.mulf %select_n3A_575, %get3A_596 : vector<16xf32>
          %add3A_609 = arith.addf %while3A_522, %mul3A_608 : vector<16xf32>
          %mul3A_610 = arith.mulf %select_n3A_575, %get3A_602 : vector<16xf32>
          %add3A_611 = arith.addf %while3A_523, %mul3A_610 : vector<16xf32>
          scf.yield %add3A_603, %add3A_605, %add3A_607, %add3A_609, %add3A_611 : vector<16xf32>, vector<16xf32>, vector<16xf32>, vector<16xf32>, vector<16xf32>
        }
        %add3A_511 = arith.constant 2048 : i32
        %add3A_512 = arith.addi %multiple_of3A_277, %add3A_511 : i32
        %le3A = arith.cmpi sle, %while3A_464, %add3A_512 : i32
        %convert_element_type3A_513 = arith.extui %le3A : i1 to i32
        %cond3A_514 = arith.constant 0 : i32
        %cond3A_515 = arith.constant 0 : i32
        %cond3A_516 = arith.cmpi ne, %convert_element_type3A_513, %cond3A_515 : i32
        %cond3A_517:10 = scf.if %cond3A_516 -> (i32, i32, i32, i32, f32, vector<16xf32>, vector<16xf32>, vector<16xf32>, vector<16xf32>, vector<16xf32>) {
          %ge3A_518 = arith.cmpi sge, %while3A_462, %mul3A_2 : i32
          %lt3A_519 = arith.cmpi slt, %while3A_462, %add3A_4 : i32
          %and3A_520 = arith.andi %ge3A_518, %lt3A_519 : i1
          %sub3A_521 = arith.subi %while3A_462, %mul3A_2 : i32
          %jit3A_522 = arith.constant 0 : i32
          %jit3A_523 = arith.constant 511 : i32
          %max3A_524 = arith.maxsi %jit3A_522, %sub3A_521 : i32
          %min3A_525 = arith.minsi %jit3A_523, %max3A_524 : i32
          %eq3A_526 = arith.constant 0 : i32
          %eq3A_527 = vector.broadcast %eq3A_526 : i32 to vector<16xi32>
          %eq3A_528 = arith.cmpi eq, %iota3A, %eq3A_527 : vector<16xi32>
          %and3A_529 = vector.broadcast %and3A_520 : i1 to vector<16xi1>
          %and3A_530 = arith.andi %eq3A_528, %and3A_529 : vector<16xi1>
          %broadcast_in_dim3A_531 = vector.broadcast %min3A_525 : i32 to vector<16xi32>
          %reduce_sum3A = arith.constant true
          %reduce_sum3A_532 = vector.broadcast %reduce_sum3A : i1 to vector<16xi1>
          %reduce_sum3A_533 = tpu.scan <sum>, %while3A_510#0 masked %reduce_sum3A_532 : vector<16xf32>, vector<16xi1> -> vector<16xf32>
          %reduce_sum3A_534 = vector.extract %reduce_sum3A_533[15] : f32 from vector<16xf32>
          %broadcast_in_dim3A_535 = vector.broadcast %reduce_sum3A_534 : f32 to vector<16xf32>
          tpu.vector_store_idx %arg18[%broadcast_in_dim3A_531], %broadcast_in_dim3A_535 masked %and3A_530 : memref<512xf32, #tpu.memory_space<vmem>>[vector<16xi32>], vector<16xf32>, vector<16xi1>
          %broadcast_in_dim3A_536 = vector.broadcast %min3A_525 : i32 to vector<16xi32>
          %reduce_sum3A_537 = arith.constant true
          %reduce_sum3A_538 = vector.broadcast %reduce_sum3A_537 : i1 to vector<16xi1>
          %reduce_sum3A_539 = tpu.scan <sum>, %while3A_510#1 masked %reduce_sum3A_538 : vector<16xf32>, vector<16xi1> -> vector<16xf32>
          %reduce_sum3A_540 = vector.extract %reduce_sum3A_539[15] : f32 from vector<16xf32>
          %broadcast_in_dim3A_541 = vector.broadcast %reduce_sum3A_540 : f32 to vector<16xf32>
          tpu.vector_store_idx %arg19[%broadcast_in_dim3A_536], %broadcast_in_dim3A_541 masked %and3A_530 : memref<512xf32, #tpu.memory_space<vmem>>[vector<16xi32>], vector<16xf32>, vector<16xi1>
          %eq3A_542 = arith.constant 0 : i32
          %eq3A_543 = vector.broadcast %eq3A_542 : i32 to vector<16xi32>
          %eq3A_544 = arith.cmpi eq, %iota3A, %eq3A_543 : vector<16xi32>
          %reduce_sum3A_545 = arith.constant true
          %reduce_sum3A_546 = vector.broadcast %reduce_sum3A_545 : i1 to vector<16xi1>
          %reduce_sum3A_547 = tpu.scan <sum>, %while3A_510#2 masked %reduce_sum3A_546 : vector<16xf32>, vector<16xi1> -> vector<16xf32>
          %reduce_sum3A_548 = vector.extract %reduce_sum3A_547[15] : f32 from vector<16xf32>
          %eq3A_549 = arith.constant 1 : i32
          %eq3A_550 = vector.broadcast %eq3A_549 : i32 to vector<16xi32>
          %eq3A_551 = arith.cmpi eq, %iota3A, %eq3A_550 : vector<16xi32>
          %reduce_sum3A_552 = arith.constant true
          %reduce_sum3A_553 = vector.broadcast %reduce_sum3A_552 : i1 to vector<16xi1>
          %reduce_sum3A_554 = tpu.scan <sum>, %while3A_510#3 masked %reduce_sum3A_553 : vector<16xf32>, vector<16xi1> -> vector<16xf32>
          %reduce_sum3A_555 = vector.extract %reduce_sum3A_554[15] : f32 from vector<16xf32>
          %reduce_sum3A_556 = arith.constant true
          %reduce_sum3A_557 = vector.broadcast %reduce_sum3A_556 : i1 to vector<16xi1>
          %reduce_sum3A_558 = tpu.scan <sum>, %while3A_510#4 masked %reduce_sum3A_557 : vector<16xf32>, vector<16xi1> -> vector<16xf32>
          %reduce_sum3A_559 = vector.extract %reduce_sum3A_558[15] : f32 from vector<16xf32>
          %broadcast_in_dim3A_560 = vector.broadcast %reduce_sum3A_555 : f32 to vector<16xf32>
          %broadcast_in_dim3A_561 = vector.broadcast %reduce_sum3A_559 : f32 to vector<16xf32>
          %select_n3A_562 = arith.select %eq3A_551, %broadcast_in_dim3A_560, %broadcast_in_dim3A_561 : vector<16xi1>, vector<16xf32>
          %broadcast_in_dim3A_563 = vector.broadcast %reduce_sum3A_548 : f32 to vector<16xf32>
          %select_n3A_564 = arith.select %eq3A_544, %broadcast_in_dim3A_563, %select_n3A_562 : vector<16xi1>, vector<16xf32>
          %broadcast_in_dim3A_565 = vector.broadcast %min3A_525 : i32 to vector<16xi32>
          %lt3A_566 = arith.constant 3 : i32
          %lt3A_567 = vector.broadcast %lt3A_566 : i32 to vector<16xi32>
          %lt3A_568 = arith.cmpi slt, %iota3A, %lt3A_567 : vector<16xi32>
          %and3A_569 = vector.broadcast %and3A_520 : i1 to vector<16xi1>
          %and3A_570 = arith.andi %lt3A_568, %and3A_569 : vector<16xi1>
          tpu.vector_store_idx %arg20[%broadcast_in_dim3A_565, %iota3A], %select_n3A_564 masked %and3A_570 : memref<512x3xf32, #tpu.memory_space<vmem>>[vector<16xi32>, vector<16xi32>], vector<16xf32>, vector<16xi1>
          %add3A_571 = arith.constant 2 : i32
          %add3A_572 = arith.addi %while3A_462, %add3A_571 : i32
          %min3A_573 = arith.constant 16384 : i32
          %min3A_574 = arith.minsi %add3A_572, %min3A_573 : i32
          %broadcast_in_dim3A_575 = vector.broadcast %min3A_574 : i32 to vector<16xi32>
          %gather3A_576 = tpu.vector_load_idx %arg10[%broadcast_in_dim3A_575] : memref<16392xi32, #tpu.memory_space<vmem>>[vector<16xi32>], vector<16xi32>,
          %slice3A_577 = vector.extract_strided_slice %gather3A_576 {offsets = [0], sizes = [1], strides = [1]} : vector<16xi32> to vector<1xi32>
          %squeeze3A_578 = vector.extract %slice3A_577[0] : i32 from vector<1xi32>
          %sub3A_579 = arith.subi %while3A_464, %multiple_of3A_277 : i32
          %jit3A_580 = arith.constant 0 : i32
          %jit3A_581 = arith.constant 2047 : i32
          %max3A_582 = arith.maxsi %jit3A_580, %sub3A_579 : i32
          %min3A_583 = arith.minsi %jit3A_581, %max3A_582 : i32
          %broadcast_in_dim3A_584 = vector.broadcast %min3A_583 : i32 to vector<16xi32>
          %gather3A_585 = tpu.vector_load_idx %arg15[%broadcast_in_dim3A_584] : memref<2048xf32, #tpu.memory_space<vmem>>[vector<16xi32>], vector<16xf32>,
          %slice3A_586 = vector.extract_strided_slice %gather3A_585 {offsets = [0], sizes = [1], strides = [1]} : vector<16xf32> to vector<1xf32>
          %squeeze3A_587 = vector.extract %slice3A_586[0] : f32 from vector<1xf32>
          %ge3A_588 = arith.constant 2048 : i32
          %ge3A_589 = arith.cmpi sge, %sub3A_579, %ge3A_588 : i32
          %select_n3A_590 = arith.select %ge3A_589, %squeeze3A_451, %squeeze3A_587 : f32
          %broadcast_in_dim3A_591 = vector.broadcast %select_n3A_590 : f32 to vector<16xf32>
          %div3A_592 = arith.constant 1.000000e+00 : f32
          %div3A_593 = vector.broadcast %div3A_592 : f32 to vector<16xf32>
          %div3A_594 = arith.divf %div3A_593, %broadcast_in_dim3A_591 : vector<16xf32>
          %slice3A_595 = vector.extract_strided_slice %div3A_594 {offsets = [0], sizes = [1], strides = [1]} : vector<16xf32> to vector<1xf32>
          %squeeze3A_596 = vector.extract %slice3A_595[0] : f32 from vector<1xf32>
          %broadcast_in_dim3A_597 = arith.constant 0.000000e+00 : f32
          %broadcast_in_dim3A_598 = vector.broadcast %broadcast_in_dim3A_597 : f32 to vector<16xf32>
          %max3A_599 = arith.constant 0 : i32
          %max3A_600 = arith.maxsi %sub3A_579, %max3A_599 : i32
          %jit3A_601 = arith.constant 16 : i32
          %div3A_602 = arith.divsi %max3A_600, %jit3A_601 : i32
          %sign3A_603 = arith.constant 0 : i32
          %sign3A_604 = arith.cmpi sgt, %max3A_600, %sign3A_603 : i32
          %sign3A_605 = arith.extui %sign3A_604 : i1 to i32
          %sign3A_606 = arith.constant 0 : i32
          %sign3A_607 = arith.cmpi slt, %max3A_600, %sign3A_606 : i32
          %sign3A_608 = arith.extui %sign3A_607 : i1 to i32
          %sign3A_609 = arith.subi %sign3A_605, %sign3A_608 : i32
          %sign3A_610 = arith.constant 0 : i32
          %sign3A_611 = arith.cmpi sgt, %jit3A_601, %sign3A_610 : i32
          %sign3A_612 = arith.extui %sign3A_611 : i1 to i32
          %sign3A_613 = arith.constant 0 : i32
          %sign3A_614 = arith.cmpi slt, %jit3A_601, %sign3A_613 : i32
          %sign3A_615 = arith.extui %sign3A_614 : i1 to i32
          %sign3A_616 = arith.subi %sign3A_612, %sign3A_615 : i32
          %ne3A_617 = arith.cmpi ne, %sign3A_609, %sign3A_616 : i32
          %rem3A_618 = arith.remsi %max3A_600, %jit3A_601 : i32
          %ne3A_619 = arith.constant 0 : i32
          %ne3A_620 = arith.cmpi ne, %rem3A_618, %ne3A_619 : i32
          %and3A_621 = arith.andi %ne3A_617, %ne3A_620 : i1
          %sub3A_622 = arith.constant 1 : i32
          %sub3A_623 = arith.subi %div3A_602, %sub3A_622 : i32
          %select_n3A_624 = arith.select %and3A_621, %sub3A_623, %div3A_602 : i32
          %min3A_625 = arith.constant 128 : i32
          %min3A_626 = arith.minsi %select_n3A_624, %min3A_625 : i32
          %add3A_627 = arith.constant 1 : i32
          %add3A_628 = arith.addi %while3A_462, %add3A_627 : i32
          scf.yield %min3A_626, %add3A_628, %while3A_464, %squeeze3A_578, %squeeze3A_596, %broadcast_in_dim3A_598, %broadcast_in_dim3A_598, %broadcast_in_dim3A_598, %broadcast_in_dim3A_598, %broadcast_in_dim3A_598 : i32, i32, i32, i32, f32, vector<16xf32>, vector<16xf32>, vector<16xf32>, vector<16xf32>, vector<16xf32>
        } else {
          %cond3A_518 = arith.constant 128 : i32
          scf.yield %cond3A_518, %while3A_462, %while3A_463, %while3A_464, %while3A_465, %while3A_510#0, %while3A_510#1, %while3A_510#2, %while3A_510#3, %while3A_510#4 : i32, i32, i32, i32, f32, vector<16xf32>, vector<16xf32>, vector<16xf32>, vector<16xf32>, vector<16xf32>
        }
        scf.yield %cond3A_517#0, %cond3A_517#1, %cond3A_517#2, %cond3A_517#3, %cond3A_517#4, %cond3A_517#5, %cond3A_517#6, %cond3A_517#7, %cond3A_517#8, %cond3A_517#9 : i32, i32, i32, i32, f32, vector<16xf32>, vector<16xf32>, vector<16xf32>, vector<16xf32>, vector<16xf32>
      }
      %mul3A_454 = arith.mulf %while3A_453#4, %squeeze3A_451 : f32
      %ge3A_455 = arith.cmpi sge, %while3A_187, %select_n3A_53 : i32
      %lt3A_456 = arith.cmpi slt, %while3A_187, %select_n3A_81 : i32
      %and3A_457 = arith.andi %ge3A_455, %lt3A_456 : i1
      %convert_element_type3A_458 = arith.extui %and3A_457 : i1 to i32
      %cond3A_459 = arith.constant 0 : i32
      %cond3A_460 = arith.cmpi ne, %convert_element_type3A_458, %cond3A_459 : i32
      scf.if %cond3A_460 {
        %dma_start3A_461 = arith.constant 0 : i32
        %dma_start3A_462 = tpu.memref_slice %arg14[%select_n3A_212, %dma_start3A_461] : memref<2x2048xf32, #tpu.memory_space<vmem>> -> memref<1x2048xf32, #tpu.memory_space<vmem>>
        %dma_start3A_463 = tpu.memref_squeeze %dma_start3A_462 : memref<1x2048xf32, #tpu.memory_space<vmem>> -> memref<2048xf32, #tpu.memory_space<vmem>>
        %dma_start3A_464 = tpu.memref_slice %arg6[%multiple_of3A_277] : memref<2097152xf32, #tpu.memory_space<hbm>> -> memref<2048xf32, #tpu.memory_space<hbm>>
        %dma_start3A_465 = tpu.memref_slice %arg22[%select_n3A_212] : memref<2x!tpu.dma_semaphore, #tpu.memory_space<semaphore_mem>> -> memref<1x!tpu.dma_semaphore, #tpu.memory_space<semaphore_mem>>
        %dma_start3A_466 = tpu.memref_squeeze %dma_start3A_465 : memref<1x!tpu.dma_semaphore, #tpu.memory_space<semaphore_mem>> -> memref<!tpu.dma_semaphore, #tpu.memory_space<semaphore_mem>>
        %dma_start3A_467 = tpu.memref_slice %arg6[%multiple_of3A_277] : memref<2097152xf32, #tpu.memory_space<hbm>> -> memref<2048xf32, #tpu.memory_space<hbm>>
        %dma_start3A_468 = arith.constant 0 : i32
        %dma_start3A_469 = tpu.memref_slice %arg14[%select_n3A_212, %dma_start3A_468] : memref<2x2048xf32, #tpu.memory_space<vmem>> -> memref<1x2048xf32, #tpu.memory_space<vmem>>
        %dma_start3A_470 = tpu.memref_squeeze %dma_start3A_469 : memref<1x2048xf32, #tpu.memory_space<vmem>> -> memref<2048xf32, #tpu.memory_space<vmem>>
        tpu.enqueue_dma source(%dma_start3A_470 : memref<2048xf32, #tpu.memory_space<vmem>>) target(%dma_start3A_467 : memref<2048xf32, #tpu.memory_space<hbm>>) target_semaphore(%dma_start3A_466 : memref<!tpu.dma_semaphore, #tpu.memory_space<semaphore_mem>>)
      } else {
      }
      scf.yield %while3A_453#1, %while3A_453#2, %while3A_453#3, %mul3A_454, %while3A_453#5, %while3A_453#6, %while3A_453#7, %while3A_453#8, %while3A_453#9 : i32, i32, i32, f32, vector<16xf32>, vector<16xf32>, vector<16xf32>, vector<16xf32>, vector<16xf32>
    }
    %while3A_163 = arith.constant 1 : i32
    %while3A_164:9 = scf.for %while3A_187 = %while3A_160 to %while3A_156 step %while3A_163 iter_args(%while3A_188 = %while3A_162#0, %while3A_189 = %while3A_162#1, %while3A_190 = %while3A_162#2, %while3A_191 = %while3A_162#3, %while3A_192 = %while3A_162#4, %while3A_193 = %while3A_162#5, %while3A_194 = %while3A_162#6, %while3A_195 = %while3A_162#7, %while3A_196 = %while3A_162#8) -> (i32, i32, i32, f32, vector<16xf32>, vector<16xf32>, vector<16xf32>, vector<16xf32>, vector<16xf32>)  : i32 {
      %sub3A_197 = arith.subi %while3A_187, %min3A_25 : i32
      %jit3A_198 = arith.constant 2 : i32
      %eq3A = arith.constant 0 : i32
      %eq3A_199 = arith.cmpi eq, %jit3A_198, %eq3A : i32
      %jit3A_200 = arith.constant 1 : i32
      %select_n3A_201 = arith.select %eq3A_199, %jit3A_200, %jit3A_198 : i32
      %rem3A_202 = arith.remsi %sub3A_197, %select_n3A_201 : i32
      %ne3A_203 = arith.constant 0 : i32
      %ne3A_204 = arith.cmpi ne, %rem3A_202, %ne3A_203 : i32
      %lt3A_205 = arith.constant 0 : i32
      %lt3A_206 = arith.cmpi slt, %rem3A_202, %lt3A_205 : i32
      %lt3A_207 = arith.constant 0 : i32
      %lt3A_208 = arith.cmpi slt, %select_n3A_201, %lt3A_207 : i32
      %ne3A_209 = arith.xori %lt3A_206, %lt3A_208 : i1
      %and3A_210 = arith.andi %ne3A_209, %ne3A_204 : i1
      %add3A_211 = arith.addi %rem3A_202, %select_n3A_201 : i32
      %select_n3A_212 = arith.select %and3A_210, %add3A_211, %rem3A_202 : i32
      %sub3A_213 = arith.constant 1 : i32
      %sub3A_214 = arith.subi %sub3A_213, %select_n3A_212 : i32
      %add3A_215 = arith.constant 1 : i32
      %add3A_216 = arith.addi %while3A_187, %add3A_215 : i32
      %lt3A_217 = arith.cmpi slt, %add3A_216, %max3A : i32
      %convert_element_type3A_218 = arith.extui %lt3A_217 : i1 to i32
      %cond3A_219 = arith.constant 0 : i32
      %cond3A_220 = arith.cmpi ne, %convert_element_type3A_218, %cond3A_219 : i32
      scf.if %cond3A_220 {
        %add3A_461 = arith.constant 1 : i32
        %add3A_462 = arith.addi %while3A_187, %add3A_461 : i32
        %mul3A_463 = arith.constant 2048 : i32
        %mul3A_464 = arith.muli %add3A_462, %mul3A_463 : i32
        %multiple_of3A_465 = tpu.assume_multiple %mul3A_464, 2048 : i32
        %mul3A_466 = arith.constant 16 : i32
        %mul3A_467 = arith.muli %add3A_462, %mul3A_466 : i32
        %multiple_of3A_468 = tpu.assume_multiple %mul3A_467, 16 : i32
        %dma_start3A_469 = arith.constant 0 : i32
        %dma_start3A_470 = arith.constant 0 : i32
        %dma_start3A_471 = tpu.memref_slice %arg11[%sub3A_214, %dma_start3A_470] : memref<2x2048xf32, #tpu.memory_space<vmem>> -> memref<1x2048xf32, #tpu.memory_space<vmem>>
        %dma_start3A_472 = tpu.memref_squeeze %dma_start3A_471 : memref<1x2048xf32, #tpu.memory_space<vmem>> -> memref<2048xf32, #tpu.memory_space<vmem>>
        %dma_start3A_473 = tpu.memref_slice %arg2[%multiple_of3A_465] : memref<2097152xf32, #tpu.memory_space<hbm>> -> memref<2048xf32, #tpu.memory_space<hbm>>
        %dma_start3A_474 = tpu.memref_slice %arg21[%sub3A_214, %dma_start3A_469] : memref<2x3x!tpu.dma_semaphore, #tpu.memory_space<semaphore_mem>> -> memref<1x1x!tpu.dma_semaphore, #tpu.memory_space<semaphore_mem>>
        %dma_start3A_475 = tpu.memref_squeeze %dma_start3A_474 : memref<1x1x!tpu.dma_semaphore, #tpu.memory_space<semaphore_mem>> -> memref<!tpu.dma_semaphore, #tpu.memory_space<semaphore_mem>>
        %dma_start3A_476 = arith.constant 0 : i32
        %dma_start3A_477 = tpu.memref_slice %arg11[%sub3A_214, %dma_start3A_476] : memref<2x2048xf32, #tpu.memory_space<vmem>> -> memref<1x2048xf32, #tpu.memory_space<vmem>>
        %dma_start3A_478 = tpu.memref_squeeze %dma_start3A_477 : memref<1x2048xf32, #tpu.memory_space<vmem>> -> memref<2048xf32, #tpu.memory_space<vmem>>
        %dma_start3A_479 = tpu.memref_slice %arg2[%multiple_of3A_465] : memref<2097152xf32, #tpu.memory_space<hbm>> -> memref<2048xf32, #tpu.memory_space<hbm>>
        tpu.enqueue_dma source(%dma_start3A_479 : memref<2048xf32, #tpu.memory_space<hbm>>) target(%dma_start3A_478 : memref<2048xf32, #tpu.memory_space<vmem>>) target_semaphore(%dma_start3A_475 : memref<!tpu.dma_semaphore, #tpu.memory_space<semaphore_mem>>)
        %dma_start3A_480 = arith.constant 1 : i32
        %dma_start3A_481 = arith.constant 0 : i32
        %dma_start3A_482 = arith.constant 0 : i32
        %dma_start3A_483 = arith.constant 0 : i32
        %dma_start3A_484 = tpu.memref_slice %arg12[%sub3A_214, %dma_start3A_481, %dma_start3A_482, %dma_start3A_483] : memref<2x16x2x128xf32, #tpu.memory_space<vmem>> -> memref<1x16x2x128xf32, #tpu.memory_space<vmem>>
        %dma_start3A_485 = tpu.memref_squeeze %dma_start3A_484 : memref<1x16x2x128xf32, #tpu.memory_space<vmem>> -> memref<16x2x128xf32, #tpu.memory_space<vmem>>
        %dma_start3A_486 = arith.constant 0 : i32
        %dma_start3A_487 = arith.constant 0 : i32
        %dma_start3A_488 = tpu.memref_slice %arg3[%multiple_of3A_468, %dma_start3A_486, %dma_start3A_487] : memref<16384x2x128xf32, #tpu.memory_space<hbm>> -> memref<16x2x128xf32, #tpu.memory_space<hbm>>
        %dma_start3A_489 = tpu.memref_slice %arg21[%sub3A_214, %dma_start3A_480] : memref<2x3x!tpu.dma_semaphore, #tpu.memory_space<semaphore_mem>> -> memref<1x1x!tpu.dma_semaphore, #tpu.memory_space<semaphore_mem>>
        %dma_start3A_490 = tpu.memref_squeeze %dma_start3A_489 : memref<1x1x!tpu.dma_semaphore, #tpu.memory_space<semaphore_mem>> -> memref<!tpu.dma_semaphore, #tpu.memory_space<semaphore_mem>>
        %dma_start3A_491 = arith.constant 0 : i32
        %dma_start3A_492 = arith.constant 0 : i32
        %dma_start3A_493 = arith.constant 0 : i32
        %dma_start3A_494 = tpu.memref_slice %arg12[%sub3A_214, %dma_start3A_491, %dma_start3A_492, %dma_start3A_493] : memref<2x16x2x128xf32, #tpu.memory_space<vmem>> -> memref<1x16x2x128xf32, #tpu.memory_space<vmem>>
        %dma_start3A_495 = tpu.memref_squeeze %dma_start3A_494 : memref<1x16x2x128xf32, #tpu.memory_space<vmem>> -> memref<16x2x128xf32, #tpu.memory_space<vmem>>
        %dma_start3A_496 = arith.constant 0 : i32
        %dma_start3A_497 = arith.constant 0 : i32
        %dma_start3A_498 = tpu.memref_slice %arg3[%multiple_of3A_468, %dma_start3A_496, %dma_start3A_497] : memref<16384x2x128xf32, #tpu.memory_space<hbm>> -> memref<16x2x128xf32, #tpu.memory_space<hbm>>
        tpu.enqueue_dma source(%dma_start3A_498 : memref<16x2x128xf32, #tpu.memory_space<hbm>>) target(%dma_start3A_495 : memref<16x2x128xf32, #tpu.memory_space<vmem>>) target_semaphore(%dma_start3A_490 : memref<!tpu.dma_semaphore, #tpu.memory_space<semaphore_mem>>)
        %dma_start3A_499 = arith.constant 2 : i32
        %dma_start3A_500 = arith.constant 0 : i32
        %dma_start3A_501 = arith.constant 0 : i32
        %dma_start3A_502 = arith.constant 0 : i32
        %dma_start3A_503 = tpu.memref_slice %arg13[%sub3A_214, %dma_start3A_500, %dma_start3A_501, %dma_start3A_502] : memref<2x16x3x128xf32, #tpu.memory_space<vmem>> -> memref<1x16x3x128xf32, #tpu.memory_space<vmem>>
        %dma_start3A_504 = tpu.memref_squeeze %dma_start3A_503 : memref<1x16x3x128xf32, #tpu.memory_space<vmem>> -> memref<16x3x128xf32, #tpu.memory_space<vmem>>
        %dma_start3A_505 = arith.constant 0 : i32
        %dma_start3A_506 = arith.constant 0 : i32
        %dma_start3A_507 = tpu.memref_slice %arg4[%multiple_of3A_468, %dma_start3A_505, %dma_start3A_506] : memref<16384x3x128xf32, #tpu.memory_space<hbm>> -> memref<16x3x128xf32, #tpu.memory_space<hbm>>
        %dma_start3A_508 = tpu.memref_slice %arg21[%sub3A_214, %dma_start3A_499] : memref<2x3x!tpu.dma_semaphore, #tpu.memory_space<semaphore_mem>> -> memref<1x1x!tpu.dma_semaphore, #tpu.memory_space<semaphore_mem>>
        %dma_start3A_509 = tpu.memref_squeeze %dma_start3A_508 : memref<1x1x!tpu.dma_semaphore, #tpu.memory_space<semaphore_mem>> -> memref<!tpu.dma_semaphore, #tpu.memory_space<semaphore_mem>>
        %dma_start3A_510 = arith.constant 0 : i32
        %dma_start3A_511 = arith.constant 0 : i32
        %dma_start3A_512 = arith.constant 0 : i32
        %dma_start3A_513 = tpu.memref_slice %arg13[%sub3A_214, %dma_start3A_510, %dma_start3A_511, %dma_start3A_512] : memref<2x16x3x128xf32, #tpu.memory_space<vmem>> -> memref<1x16x3x128xf32, #tpu.memory_space<vmem>>
        %dma_start3A_514 = tpu.memref_squeeze %dma_start3A_513 : memref<1x16x3x128xf32, #tpu.memory_space<vmem>> -> memref<16x3x128xf32, #tpu.memory_space<vmem>>
        %dma_start3A_515 = arith.constant 0 : i32
        %dma_start3A_516 = arith.constant 0 : i32
        %dma_start3A_517 = tpu.memref_slice %arg4[%multiple_of3A_468, %dma_start3A_515, %dma_start3A_516] : memref<16384x3x128xf32, #tpu.memory_space<hbm>> -> memref<16x3x128xf32, #tpu.memory_space<hbm>>
        tpu.enqueue_dma source(%dma_start3A_517 : memref<16x3x128xf32, #tpu.memory_space<hbm>>) target(%dma_start3A_514 : memref<16x3x128xf32, #tpu.memory_space<vmem>>) target_semaphore(%dma_start3A_509 : memref<!tpu.dma_semaphore, #tpu.memory_space<semaphore_mem>>)
      } else {
      }
      %mul3A_221 = arith.constant 2048 : i32
      %mul3A_222 = arith.muli %while3A_187, %mul3A_221 : i32
      %multiple_of3A_223 = tpu.assume_multiple %mul3A_222, 2048 : i32
      %mul3A_224 = arith.constant 16 : i32
      %mul3A_225 = arith.muli %while3A_187, %mul3A_224 : i32
      %multiple_of3A_226 = tpu.assume_multiple %mul3A_225, 16 : i32
      %dma_wait3A = arith.constant 0 : i32
      %dma_wait3A_227 = arith.constant 0 : i32
      %dma_wait3A_228 = tpu.memref_slice %arg11[%select_n3A_212, %dma_wait3A_227] : memref<2x2048xf32, #tpu.memory_space<vmem>> -> memref<1x2048xf32, #tpu.memory_space<vmem>>
      %dma_wait3A_229 = tpu.memref_squeeze %dma_wait3A_228 : memref<1x2048xf32, #tpu.memory_space<vmem>> -> memref<2048xf32, #tpu.memory_space<vmem>>
      %dma_wait3A_230 = tpu.memref_slice %arg2[%multiple_of3A_223] : memref<2097152xf32, #tpu.memory_space<hbm>> -> memref<2048xf32, #tpu.memory_space<hbm>>
      %dma_wait3A_231 = tpu.memref_slice %arg21[%select_n3A_212, %dma_wait3A] : memref<2x3x!tpu.dma_semaphore, #tpu.memory_space<semaphore_mem>> -> memref<1x1x!tpu.dma_semaphore, #tpu.memory_space<semaphore_mem>>
      %dma_wait3A_232 = tpu.memref_squeeze %dma_wait3A_231 : memref<1x1x!tpu.dma_semaphore, #tpu.memory_space<semaphore_mem>> -> memref<!tpu.dma_semaphore, #tpu.memory_space<semaphore_mem>>
      %dma_wait3A_233 = arith.constant 0 : i32
      %dma_wait3A_234 = tpu.memref_slice %arg11[%select_n3A_212, %dma_wait3A_233] : memref<2x2048xf32, #tpu.memory_space<vmem>> -> memref<1x2048xf32, #tpu.memory_space<vmem>>
      %dma_wait3A_235 = tpu.memref_squeeze %dma_wait3A_234 : memref<1x2048xf32, #tpu.memory_space<vmem>> -> memref<2048xf32, #tpu.memory_space<vmem>>
      %dma_wait3A_236 = tpu.memref_slice %arg2[%multiple_of3A_223] : memref<2097152xf32, #tpu.memory_space<hbm>> -> memref<2048xf32, #tpu.memory_space<hbm>>
      tpu.wait_dma2 semaphore(%dma_wait3A_232 : memref<!tpu.dma_semaphore, #tpu.memory_space<semaphore_mem>>) src(%dma_wait3A_236 : memref<2048xf32, #tpu.memory_space<hbm>>) dst(%dma_wait3A_235 : memref<2048xf32, #tpu.memory_space<vmem>>)
      %dma_wait3A_237 = arith.constant 1 : i32
      %dma_wait3A_238 = arith.constant 0 : i32
      %dma_wait3A_239 = arith.constant 0 : i32
      %dma_wait3A_240 = arith.constant 0 : i32
      %dma_wait3A_241 = tpu.memref_slice %arg12[%select_n3A_212, %dma_wait3A_238, %dma_wait3A_239, %dma_wait3A_240] : memref<2x16x2x128xf32, #tpu.memory_space<vmem>> -> memref<1x16x2x128xf32, #tpu.memory_space<vmem>>
      %dma_wait3A_242 = tpu.memref_squeeze %dma_wait3A_241 : memref<1x16x2x128xf32, #tpu.memory_space<vmem>> -> memref<16x2x128xf32, #tpu.memory_space<vmem>>
      %dma_wait3A_243 = arith.constant 0 : i32
      %dma_wait3A_244 = arith.constant 0 : i32
      %dma_wait3A_245 = tpu.memref_slice %arg3[%multiple_of3A_226, %dma_wait3A_243, %dma_wait3A_244] : memref<16384x2x128xf32, #tpu.memory_space<hbm>> -> memref<16x2x128xf32, #tpu.memory_space<hbm>>
      %dma_wait3A_246 = tpu.memref_slice %arg21[%select_n3A_212, %dma_wait3A_237] : memref<2x3x!tpu.dma_semaphore, #tpu.memory_space<semaphore_mem>> -> memref<1x1x!tpu.dma_semaphore, #tpu.memory_space<semaphore_mem>>
      %dma_wait3A_247 = tpu.memref_squeeze %dma_wait3A_246 : memref<1x1x!tpu.dma_semaphore, #tpu.memory_space<semaphore_mem>> -> memref<!tpu.dma_semaphore, #tpu.memory_space<semaphore_mem>>
      %dma_wait3A_248 = arith.constant 0 : i32
      %dma_wait3A_249 = arith.constant 0 : i32
      %dma_wait3A_250 = arith.constant 0 : i32
      %dma_wait3A_251 = tpu.memref_slice %arg12[%select_n3A_212, %dma_wait3A_248, %dma_wait3A_249, %dma_wait3A_250] : memref<2x16x2x128xf32, #tpu.memory_space<vmem>> -> memref<1x16x2x128xf32, #tpu.memory_space<vmem>>
      %dma_wait3A_252 = tpu.memref_squeeze %dma_wait3A_251 : memref<1x16x2x128xf32, #tpu.memory_space<vmem>> -> memref<16x2x128xf32, #tpu.memory_space<vmem>>
      %dma_wait3A_253 = arith.constant 0 : i32
      %dma_wait3A_254 = arith.constant 0 : i32
      %dma_wait3A_255 = tpu.memref_slice %arg3[%multiple_of3A_226, %dma_wait3A_253, %dma_wait3A_254] : memref<16384x2x128xf32, #tpu.memory_space<hbm>> -> memref<16x2x128xf32, #tpu.memory_space<hbm>>
      tpu.wait_dma2 semaphore(%dma_wait3A_247 : memref<!tpu.dma_semaphore, #tpu.memory_space<semaphore_mem>>) src(%dma_wait3A_255 : memref<16x2x128xf32, #tpu.memory_space<hbm>>) dst(%dma_wait3A_252 : memref<16x2x128xf32, #tpu.memory_space<vmem>>)
      %dma_wait3A_256 = arith.constant 2 : i32
      %dma_wait3A_257 = arith.constant 0 : i32
      %dma_wait3A_258 = arith.constant 0 : i32
      %dma_wait3A_259 = arith.constant 0 : i32
      %dma_wait3A_260 = tpu.memref_slice %arg13[%select_n3A_212, %dma_wait3A_257, %dma_wait3A_258, %dma_wait3A_259] : memref<2x16x3x128xf32, #tpu.memory_space<vmem>> -> memref<1x16x3x128xf32, #tpu.memory_space<vmem>>
      %dma_wait3A_261 = tpu.memref_squeeze %dma_wait3A_260 : memref<1x16x3x128xf32, #tpu.memory_space<vmem>> -> memref<16x3x128xf32, #tpu.memory_space<vmem>>
      %dma_wait3A_262 = arith.constant 0 : i32
      %dma_wait3A_263 = arith.constant 0 : i32
      %dma_wait3A_264 = tpu.memref_slice %arg4[%multiple_of3A_226, %dma_wait3A_262, %dma_wait3A_263] : memref<16384x3x128xf32, #tpu.memory_space<hbm>> -> memref<16x3x128xf32, #tpu.memory_space<hbm>>
      %dma_wait3A_265 = tpu.memref_slice %arg21[%select_n3A_212, %dma_wait3A_256] : memref<2x3x!tpu.dma_semaphore, #tpu.memory_space<semaphore_mem>> -> memref<1x1x!tpu.dma_semaphore, #tpu.memory_space<semaphore_mem>>
      %dma_wait3A_266 = tpu.memref_squeeze %dma_wait3A_265 : memref<1x1x!tpu.dma_semaphore, #tpu.memory_space<semaphore_mem>> -> memref<!tpu.dma_semaphore, #tpu.memory_space<semaphore_mem>>
      %dma_wait3A_267 = arith.constant 0 : i32
      %dma_wait3A_268 = arith.constant 0 : i32
      %dma_wait3A_269 = arith.constant 0 : i32
      %dma_wait3A_270 = tpu.memref_slice %arg13[%select_n3A_212, %dma_wait3A_267, %dma_wait3A_268, %dma_wait3A_269] : memref<2x16x3x128xf32, #tpu.memory_space<vmem>> -> memref<1x16x3x128xf32, #tpu.memory_space<vmem>>
      %dma_wait3A_271 = tpu.memref_squeeze %dma_wait3A_270 : memref<1x16x3x128xf32, #tpu.memory_space<vmem>> -> memref<16x3x128xf32, #tpu.memory_space<vmem>>
      %dma_wait3A_272 = arith.constant 0 : i32
      %dma_wait3A_273 = arith.constant 0 : i32
      %dma_wait3A_274 = tpu.memref_slice %arg4[%multiple_of3A_226, %dma_wait3A_272, %dma_wait3A_273] : memref<16384x3x128xf32, #tpu.memory_space<hbm>> -> memref<16x3x128xf32, #tpu.memory_space<hbm>>
      tpu.wait_dma2 semaphore(%dma_wait3A_266 : memref<!tpu.dma_semaphore, #tpu.memory_space<semaphore_mem>>) src(%dma_wait3A_274 : memref<16x3x128xf32, #tpu.memory_space<hbm>>) dst(%dma_wait3A_271 : memref<16x3x128xf32, #tpu.memory_space<vmem>>)
      %mul3A_275 = arith.constant 2048 : i32
      %mul3A_276 = arith.muli %while3A_187, %mul3A_275 : i32
      %multiple_of3A_277 = tpu.assume_multiple %mul3A_276, 2048 : i32
      %sub3A_278 = arith.subi %while3A_187, %min3A_25 : i32
      %ge3A_279 = arith.constant 2 : i32
      %ge3A_280 = arith.cmpi sge, %sub3A_278, %ge3A_279 : i32
      %sub3A_281 = arith.constant 2 : i32
      %sub3A_282 = arith.subi %while3A_187, %sub3A_281 : i32
      %max3A_283 = arith.constant 0 : i32
      %max3A_284 = arith.maxsi %sub3A_282, %max3A_283 : i32
      %ge3A_285 = arith.cmpi sge, %max3A_284, %select_n3A_53 : i32
      %and3A_286 = arith.andi %ge3A_280, %ge3A_285 : i1
      %convert_element_type3A_287 = arith.extui %and3A_286 : i1 to i32
      %cond3A_288 = arith.constant 0 : i32
      %cond3A_289 = arith.cmpi ne, %convert_element_type3A_287, %cond3A_288 : i32
      scf.if %cond3A_289 {
        %sub3A_461 = arith.constant 2 : i32
        %sub3A_462 = arith.subi %while3A_187, %sub3A_461 : i32
        %max3A_463 = arith.constant 0 : i32
        %max3A_464 = arith.maxsi %sub3A_462, %max3A_463 : i32
        %mul3A_465 = arith.constant 2048 : i32
        %mul3A_466 = arith.muli %max3A_464, %mul3A_465 : i32
        %multiple_of3A_467 = tpu.assume_multiple %mul3A_466, 2048 : i32
        %dma_wait3A_468 = arith.constant 0 : i32
        %dma_wait3A_469 = tpu.memref_slice %arg14[%select_n3A_212, %dma_wait3A_468] : memref<2x2048xf32, #tpu.memory_space<vmem>> -> memref<1x2048xf32, #tpu.memory_space<vmem>>
        %dma_wait3A_470 = tpu.memref_squeeze %dma_wait3A_469 : memref<1x2048xf32, #tpu.memory_space<vmem>> -> memref<2048xf32, #tpu.memory_space<vmem>>
        %dma_wait3A_471 = tpu.memref_slice %arg6[%multiple_of3A_467] : memref<2097152xf32, #tpu.memory_space<hbm>> -> memref<2048xf32, #tpu.memory_space<hbm>>
        %dma_wait3A_472 = tpu.memref_slice %arg22[%select_n3A_212] : memref<2x!tpu.dma_semaphore, #tpu.memory_space<semaphore_mem>> -> memref<1x!tpu.dma_semaphore, #tpu.memory_space<semaphore_mem>>
        %dma_wait3A_473 = tpu.memref_squeeze %dma_wait3A_472 : memref<1x!tpu.dma_semaphore, #tpu.memory_space<semaphore_mem>> -> memref<!tpu.dma_semaphore, #tpu.memory_space<semaphore_mem>>
        %dma_wait3A_474 = tpu.memref_slice %arg6[%multiple_of3A_467] : memref<2097152xf32, #tpu.memory_space<hbm>> -> memref<2048xf32, #tpu.memory_space<hbm>>
        %dma_wait3A_475 = arith.constant 0 : i32
        %dma_wait3A_476 = tpu.memref_slice %arg14[%select_n3A_212, %dma_wait3A_475] : memref<2x2048xf32, #tpu.memory_space<vmem>> -> memref<1x2048xf32, #tpu.memory_space<vmem>>
        %dma_wait3A_477 = tpu.memref_squeeze %dma_wait3A_476 : memref<1x2048xf32, #tpu.memory_space<vmem>> -> memref<2048xf32, #tpu.memory_space<vmem>>
        tpu.wait_dma2 semaphore(%dma_wait3A_473 : memref<!tpu.dma_semaphore, #tpu.memory_space<semaphore_mem>>) src(%dma_wait3A_477 : memref<2048xf32, #tpu.memory_space<vmem>>) dst(%dma_wait3A_474 : memref<2048xf32, #tpu.memory_space<hbm>>)
      } else {
      }
      %parallel_loop3A = arith.constant 0 : i32
      %parallel_loop3A_290 = arith.constant 128 : i32
      %parallel_loop3A_291 = arith.constant 1 : i32
      scf.for %parallel_loop3A_461 = %parallel_loop3A to %parallel_loop3A_290 step %parallel_loop3A_291  : i32 {
        %parallel_loop3A_462 = arith.constant 16 : i32
        %parallel_loop3A_463 = arith.muli %parallel_loop3A_461, %parallel_loop3A_462 : i32
        %parallel_loop3A_464 = tpu.assume_multiple %parallel_loop3A_463, 16 : i32
        %parallel_loop3A_465 = arith.constant 128 : i32
        %parallel_loop3A_466 = arith.divsi %parallel_loop3A_464, %parallel_loop3A_465 : i32
        %parallel_loop3A_467 = arith.constant 0 : i32
        %parallel_loop3A_468 = arith.cmpi sgt, %parallel_loop3A_464, %parallel_loop3A_467 : i32
        %parallel_loop3A_469 = arith.extui %parallel_loop3A_468 : i1 to i32
        %parallel_loop3A_470 = arith.constant 0 : i32
        %parallel_loop3A_471 = arith.cmpi slt, %parallel_loop3A_464, %parallel_loop3A_470 : i32
        %parallel_loop3A_472 = arith.extui %parallel_loop3A_471 : i1 to i32
        %parallel_loop3A_473 = arith.subi %parallel_loop3A_469, %parallel_loop3A_472 : i32
        %parallel_loop3A_474 = arith.constant 0 : i32
        %parallel_loop3A_475 = arith.cmpi sgt, %parallel_loop3A_465, %parallel_loop3A_474 : i32
        %parallel_loop3A_476 = arith.extui %parallel_loop3A_475 : i1 to i32
        %parallel_loop3A_477 = arith.constant 0 : i32
        %parallel_loop3A_478 = arith.cmpi slt, %parallel_loop3A_465, %parallel_loop3A_477 : i32
        %parallel_loop3A_479 = arith.extui %parallel_loop3A_478 : i1 to i32
        %parallel_loop3A_480 = arith.subi %parallel_loop3A_476, %parallel_loop3A_479 : i32
        %parallel_loop3A_481 = arith.cmpi ne, %parallel_loop3A_473, %parallel_loop3A_480 : i32
        %parallel_loop3A_482 = arith.remsi %parallel_loop3A_464, %parallel_loop3A_465 : i32
        %parallel_loop3A_483 = arith.constant 0 : i32
        %parallel_loop3A_484 = arith.cmpi ne, %parallel_loop3A_482, %parallel_loop3A_483 : i32
        %parallel_loop3A_485 = arith.andi %parallel_loop3A_481, %parallel_loop3A_484 : i1
        %parallel_loop3A_486 = arith.constant 1 : i32
        %parallel_loop3A_487 = arith.subi %parallel_loop3A_466, %parallel_loop3A_486 : i32
        %parallel_loop3A_488 = arith.select %parallel_loop3A_485, %parallel_loop3A_487, %parallel_loop3A_466 : i32
        %parallel_loop3A_489 = arith.constant 128 : i32
        %parallel_loop3A_490 = arith.muli %parallel_loop3A_488, %parallel_loop3A_489 : i32
        %parallel_loop3A_491 = arith.subi %parallel_loop3A_464, %parallel_loop3A_490 : i32
        %parallel_loop3A_492 = tpu.assume_multiple %parallel_loop3A_491, 16 : i32
        %parallel_loop3A_493 = arith.index_cast %select_n3A_212 : i32 to index
        %parallel_loop3A_494 = arith.index_cast %parallel_loop3A_464 : i32 to index
        %parallel_loop3A_495 = tpu.vector_load %arg11[%parallel_loop3A_493, %parallel_loop3A_494] {strides = array<i32>} : memref<2x2048xf32, #tpu.memory_space<vmem>>, vector<16xf32>,
        %parallel_loop3A_496 = arith.constant 1 : i32
        %parallel_loop3A_497 = arith.index_cast %select_n3A_212 : i32 to index
        %parallel_loop3A_498 = arith.index_cast %parallel_loop3A_488 : i32 to index
        %parallel_loop3A_499 = arith.index_cast %parallel_loop3A_496 : i32 to index
        %parallel_loop3A_500 = arith.index_cast %parallel_loop3A_492 : i32 to index
        %parallel_loop3A_501 = tpu.vector_load %arg12[%parallel_loop3A_497, %parallel_loop3A_498, %parallel_loop3A_499, %parallel_loop3A_500] {strides = array<i32>} : memref<2x16x2x128xf32, #tpu.memory_space<vmem>>, vector<16xf32>,
        %parallel_loop3A_502 = arith.mulf %parallel_loop3A_495, %parallel_loop3A_501 : vector<16xf32>
        %parallel_loop3A_503 = arith.constant true
        %parallel_loop3A_504 = vector.broadcast %parallel_loop3A_503 : i1 to vector<16xi1>
        %parallel_loop3A_505 = tpu.scan <sum>, %parallel_loop3A_502 masked %parallel_loop3A_504 : vector<16xf32>, vector<16xi1> -> vector<16xf32>
        %parallel_loop3A_506 = arith.index_cast %parallel_loop3A_464 : i32 to index
        %parallel_loop3A_507 = tpu.vector_load %arg15[%parallel_loop3A_506] {strides = array<i32>} : memref<2048xf32, #tpu.memory_space<vmem>>, vector<16xf32>,
        tpu.vector_store %arg15[%parallel_loop3A_506], %parallel_loop3A_505 {strides = array<i32>} : memref<2048xf32, #tpu.memory_space<vmem>>, vector<16xf32>,
        %parallel_loop3A_508 = arith.index_cast %parallel_loop3A_464 : i32 to index
        %parallel_loop3A_509 = tpu.vector_load %arg16[%parallel_loop3A_508] {strides = array<i32>} : memref<2048xf32, #tpu.memory_space<vmem>>, vector<16xf32>,
        tpu.vector_store %arg16[%parallel_loop3A_508], %parallel_loop3A_502 {strides = array<i32>} : memref<2048xf32, #tpu.memory_space<vmem>>, vector<16xf32>,
        %parallel_loop3A_510 = arith.constant 0.000000e+00 : f32
        %parallel_loop3A_511 = vector.broadcast %parallel_loop3A_510 : f32 to vector<16xf32>
        %parallel_loop3A_512 = arith.index_cast %select_n3A_212 : i32 to index
        %parallel_loop3A_513 = arith.index_cast %parallel_loop3A_464 : i32 to index
        %parallel_loop3A_514 = tpu.vector_load %arg14[%parallel_loop3A_512, %parallel_loop3A_513] {strides = array<i32>} : memref<2x2048xf32, #tpu.memory_space<vmem>>, vector<16xf32>,
        tpu.vector_store %arg14[%parallel_loop3A_512, %parallel_loop3A_513], %parallel_loop3A_511 {strides = array<i32>} : memref<2x2048xf32, #tpu.memory_space<vmem>>, vector<16xf32>,
      } {sc.loop_unroll_factor = 4 : i64, sc.parallel_access}
      %iota3A_292 = tpu.iota {dimensions = array<i32: 0>} : vector<16xi32>
      %mul3A_293 = arith.constant 16 : i32
      %mul3A_294 = vector.broadcast %mul3A_293 : i32 to vector<16xi32>
      %mul3A_295 = arith.muli %iota3A_292, %mul3A_294 : vector<16xi32>
      %add3A_296 = arith.constant 15 : i32
      %add3A_297 = vector.broadcast %add3A_296 : i32 to vector<16xi32>
      %add3A_298 = arith.addi %mul3A_295, %add3A_297 : vector<16xi32>
      %gather3A_299 = tpu.vector_load_idx %arg15[%add3A_298] : memref<2048xf32, #tpu.memory_space<vmem>>[vector<16xi32>], vector<16xf32>,
      %broadcast_in_dim3A_300 = arith.constant true
      %broadcast_in_dim3A_301 = vector.broadcast %broadcast_in_dim3A_300 : i1 to vector<16xi1>
      %masked_cumsum3A = tpu.scan <sum>, %gather3A_299 masked %broadcast_in_dim3A_301 : vector<16xf32>, vector<16xi1> -> vector<16xf32>
      %sub3A_302 = arith.subf %masked_cumsum3A, %gather3A_299 : vector<16xf32>
      %add3A_303 = arith.constant 0.000000e+00 : f32
      %add3A_304 = vector.broadcast %add3A_303 : f32 to vector<16xf32>
      %add3A_305 = arith.addf %sub3A_302, %add3A_304 : vector<16xf32>
      %swap3A = arith.constant 0 : index
      %swap3A_306 = tpu.vector_load %arg17[%swap3A] {strides = array<i32>} : memref<128xf32, #tpu.memory_space<vmem>>, vector<16xf32>,
      tpu.vector_store %arg17[%swap3A], %add3A_305 {strides = array<i32>} : memref<128xf32, #tpu.memory_space<vmem>>, vector<16xf32>,
      %slice3A_307 = vector.extract_strided_slice %masked_cumsum3A {offsets = [15], sizes = [1], strides = [1]} : vector<16xf32> to vector<1xf32>
      %squeeze3A_308 = vector.extract %slice3A_307[0] : f32 from vector<1xf32>
      %add3A_309 = arith.constant 0.000000e+00 : f32
      %add3A_310 = arith.addf %add3A_309, %squeeze3A_308 : f32
      %iota3A_311 = tpu.iota {dimensions = array<i32: 0>} : vector<16xi32>
      %mul3A_312 = arith.constant 16 : i32
      %mul3A_313 = vector.broadcast %mul3A_312 : i32 to vector<16xi32>
      %mul3A_314 = arith.muli %iota3A_311, %mul3A_313 : vector<16xi32>
      %add3A_315 = arith.constant 271 : i32
      %add3A_316 = vector.broadcast %add3A_315 : i32 to vector<16xi32>
      %add3A_317 = arith.addi %mul3A_314, %add3A_316 : vector<16xi32>
      %gather3A_318 = tpu.vector_load_idx %arg15[%add3A_317] : memref<2048xf32, #tpu.memory_space<vmem>>[vector<16xi32>], vector<16xf32>,
      %broadcast_in_dim3A_319 = arith.constant true
      %broadcast_in_dim3A_320 = vector.broadcast %broadcast_in_dim3A_319 : i1 to vector<16xi1>
      %masked_cumsum3A_321 = tpu.scan <sum>, %gather3A_318 masked %broadcast_in_dim3A_320 : vector<16xf32>, vector<16xi1> -> vector<16xf32>
      %sub3A_322 = arith.subf %masked_cumsum3A_321, %gather3A_318 : vector<16xf32>
      %add3A_323 = vector.broadcast %add3A_310 : f32 to vector<16xf32>
      %add3A_324 = arith.addf %sub3A_322, %add3A_323 : vector<16xf32>
      %swap3A_325 = arith.constant 16 : index
      %swap3A_326 = tpu.vector_load %arg17[%swap3A_325] {strides = array<i32>} : memref<128xf32, #tpu.memory_space<vmem>>, vector<16xf32>,
      tpu.vector_store %arg17[%swap3A_325], %add3A_324 {strides = array<i32>} : memref<128xf32, #tpu.memory_space<vmem>>, vector<16xf32>,
      %slice3A_327 = vector.extract_strided_slice %masked_cumsum3A_321 {offsets = [15], sizes = [1], strides = [1]} : vector<16xf32> to vector<1xf32>
      %squeeze3A_328 = vector.extract %slice3A_327[0] : f32 from vector<1xf32>
      %add3A_329 = arith.addf %add3A_310, %squeeze3A_328 : f32
      %iota3A_330 = tpu.iota {dimensions = array<i32: 0>} : vector<16xi32>
      %mul3A_331 = arith.constant 16 : i32
      %mul3A_332 = vector.broadcast %mul3A_331 : i32 to vector<16xi32>
      %mul3A_333 = arith.muli %iota3A_330, %mul3A_332 : vector<16xi32>
      %add3A_334 = arith.constant 527 : i32
      %add3A_335 = vector.broadcast %add3A_334 : i32 to vector<16xi32>
      %add3A_336 = arith.addi %mul3A_333, %add3A_335 : vector<16xi32>
      %gather3A_337 = tpu.vector_load_idx %arg15[%add3A_336] : memref<2048xf32, #tpu.memory_space<vmem>>[vector<16xi32>], vector<16xf32>,
      %broadcast_in_dim3A_338 = arith.constant true
      %broadcast_in_dim3A_339 = vector.broadcast %broadcast_in_dim3A_338 : i1 to vector<16xi1>
      %masked_cumsum3A_340 = tpu.scan <sum>, %gather3A_337 masked %broadcast_in_dim3A_339 : vector<16xf32>, vector<16xi1> -> vector<16xf32>
      %sub3A_341 = arith.subf %masked_cumsum3A_340, %gather3A_337 : vector<16xf32>
      %add3A_342 = vector.broadcast %add3A_329 : f32 to vector<16xf32>
      %add3A_343 = arith.addf %sub3A_341, %add3A_342 : vector<16xf32>
      %swap3A_344 = arith.constant 32 : index
      %swap3A_345 = tpu.vector_load %arg17[%swap3A_344] {strides = array<i32>} : memref<128xf32, #tpu.memory_space<vmem>>, vector<16xf32>,
      tpu.vector_store %arg17[%swap3A_344], %add3A_343 {strides = array<i32>} : memref<128xf32, #tpu.memory_space<vmem>>, vector<16xf32>,
      %slice3A_346 = vector.extract_strided_slice %masked_cumsum3A_340 {offsets = [15], sizes = [1], strides = [1]} : vector<16xf32> to vector<1xf32>
      %squeeze3A_347 = vector.extract %slice3A_346[0] : f32 from vector<1xf32>
      %add3A_348 = arith.addf %add3A_329, %squeeze3A_347 : f32
      %iota3A_349 = tpu.iota {dimensions = array<i32: 0>} : vector<16xi32>
      %mul3A_350 = arith.constant 16 : i32
      %mul3A_351 = vector.broadcast %mul3A_350 : i32 to vector<16xi32>
      %mul3A_352 = arith.muli %iota3A_349, %mul3A_351 : vector<16xi32>
      %add3A_353 = arith.constant 783 : i32
      %add3A_354 = vector.broadcast %add3A_353 : i32 to vector<16xi32>
      %add3A_355 = arith.addi %mul3A_352, %add3A_354 : vector<16xi32>
      %gather3A_356 = tpu.vector_load_idx %arg15[%add3A_355] : memref<2048xf32, #tpu.memory_space<vmem>>[vector<16xi32>], vector<16xf32>,
      %broadcast_in_dim3A_357 = arith.constant true
      %broadcast_in_dim3A_358 = vector.broadcast %broadcast_in_dim3A_357 : i1 to vector<16xi1>
      %masked_cumsum3A_359 = tpu.scan <sum>, %gather3A_356 masked %broadcast_in_dim3A_358 : vector<16xf32>, vector<16xi1> -> vector<16xf32>
      %sub3A_360 = arith.subf %masked_cumsum3A_359, %gather3A_356 : vector<16xf32>
      %add3A_361 = vector.broadcast %add3A_348 : f32 to vector<16xf32>
      %add3A_362 = arith.addf %sub3A_360, %add3A_361 : vector<16xf32>
      %swap3A_363 = arith.constant 48 : index
      %swap3A_364 = tpu.vector_load %arg17[%swap3A_363] {strides = array<i32>} : memref<128xf32, #tpu.memory_space<vmem>>, vector<16xf32>,
      tpu.vector_store %arg17[%swap3A_363], %add3A_362 {strides = array<i32>} : memref<128xf32, #tpu.memory_space<vmem>>, vector<16xf32>,
      %slice3A_365 = vector.extract_strided_slice %masked_cumsum3A_359 {offsets = [15], sizes = [1], strides = [1]} : vector<16xf32> to vector<1xf32>
      %squeeze3A_366 = vector.extract %slice3A_365[0] : f32 from vector<1xf32>
      %add3A_367 = arith.addf %add3A_348, %squeeze3A_366 : f32
      %iota3A_368 = tpu.iota {dimensions = array<i32: 0>} : vector<16xi32>
      %mul3A_369 = arith.constant 16 : i32
      %mul3A_370 = vector.broadcast %mul3A_369 : i32 to vector<16xi32>
      %mul3A_371 = arith.muli %iota3A_368, %mul3A_370 : vector<16xi32>
      %add3A_372 = arith.constant 1039 : i32
      %add3A_373 = vector.broadcast %add3A_372 : i32 to vector<16xi32>
      %add3A_374 = arith.addi %mul3A_371, %add3A_373 : vector<16xi32>
      %gather3A_375 = tpu.vector_load_idx %arg15[%add3A_374] : memref<2048xf32, #tpu.memory_space<vmem>>[vector<16xi32>], vector<16xf32>,
      %broadcast_in_dim3A_376 = arith.constant true
      %broadcast_in_dim3A_377 = vector.broadcast %broadcast_in_dim3A_376 : i1 to vector<16xi1>
      %masked_cumsum3A_378 = tpu.scan <sum>, %gather3A_375 masked %broadcast_in_dim3A_377 : vector<16xf32>, vector<16xi1> -> vector<16xf32>
      %sub3A_379 = arith.subf %masked_cumsum3A_378, %gather3A_375 : vector<16xf32>
      %add3A_380 = vector.broadcast %add3A_367 : f32 to vector<16xf32>
      %add3A_381 = arith.addf %sub3A_379, %add3A_380 : vector<16xf32>
      %swap3A_382 = arith.constant 64 : index
      %swap3A_383 = tpu.vector_load %arg17[%swap3A_382] {strides = array<i32>} : memref<128xf32, #tpu.memory_space<vmem>>, vector<16xf32>,
      tpu.vector_store %arg17[%swap3A_382], %add3A_381 {strides = array<i32>} : memref<128xf32, #tpu.memory_space<vmem>>, vector<16xf32>,
      %slice3A_384 = vector.extract_strided_slice %masked_cumsum3A_378 {offsets = [15], sizes = [1], strides = [1]} : vector<16xf32> to vector<1xf32>
      %squeeze3A_385 = vector.extract %slice3A_384[0] : f32 from vector<1xf32>
      %add3A_386 = arith.addf %add3A_367, %squeeze3A_385 : f32
      %iota3A_387 = tpu.iota {dimensions = array<i32: 0>} : vector<16xi32>
      %mul3A_388 = arith.constant 16 : i32
      %mul3A_389 = vector.broadcast %mul3A_388 : i32 to vector<16xi32>
      %mul3A_390 = arith.muli %iota3A_387, %mul3A_389 : vector<16xi32>
      %add3A_391 = arith.constant 1295 : i32
      %add3A_392 = vector.broadcast %add3A_391 : i32 to vector<16xi32>
      %add3A_393 = arith.addi %mul3A_390, %add3A_392 : vector<16xi32>
      %gather3A_394 = tpu.vector_load_idx %arg15[%add3A_393] : memref<2048xf32, #tpu.memory_space<vmem>>[vector<16xi32>], vector<16xf32>,
      %broadcast_in_dim3A_395 = arith.constant true
      %broadcast_in_dim3A_396 = vector.broadcast %broadcast_in_dim3A_395 : i1 to vector<16xi1>
      %masked_cumsum3A_397 = tpu.scan <sum>, %gather3A_394 masked %broadcast_in_dim3A_396 : vector<16xf32>, vector<16xi1> -> vector<16xf32>
      %sub3A_398 = arith.subf %masked_cumsum3A_397, %gather3A_394 : vector<16xf32>
      %add3A_399 = vector.broadcast %add3A_386 : f32 to vector<16xf32>
      %add3A_400 = arith.addf %sub3A_398, %add3A_399 : vector<16xf32>
      %swap3A_401 = arith.constant 80 : index
      %swap3A_402 = tpu.vector_load %arg17[%swap3A_401] {strides = array<i32>} : memref<128xf32, #tpu.memory_space<vmem>>, vector<16xf32>,
      tpu.vector_store %arg17[%swap3A_401], %add3A_400 {strides = array<i32>} : memref<128xf32, #tpu.memory_space<vmem>>, vector<16xf32>,
      %slice3A_403 = vector.extract_strided_slice %masked_cumsum3A_397 {offsets = [15], sizes = [1], strides = [1]} : vector<16xf32> to vector<1xf32>
      %squeeze3A_404 = vector.extract %slice3A_403[0] : f32 from vector<1xf32>
      %add3A_405 = arith.addf %add3A_386, %squeeze3A_404 : f32
      %iota3A_406 = tpu.iota {dimensions = array<i32: 0>} : vector<16xi32>
      %mul3A_407 = arith.constant 16 : i32
      %mul3A_408 = vector.broadcast %mul3A_407 : i32 to vector<16xi32>
      %mul3A_409 = arith.muli %iota3A_406, %mul3A_408 : vector<16xi32>
      %add3A_410 = arith.constant 1551 : i32
      %add3A_411 = vector.broadcast %add3A_410 : i32 to vector<16xi32>
      %add3A_412 = arith.addi %mul3A_409, %add3A_411 : vector<16xi32>
      %gather3A_413 = tpu.vector_load_idx %arg15[%add3A_412] : memref<2048xf32, #tpu.memory_space<vmem>>[vector<16xi32>], vector<16xf32>,
      %broadcast_in_dim3A_414 = arith.constant true
      %broadcast_in_dim3A_415 = vector.broadcast %broadcast_in_dim3A_414 : i1 to vector<16xi1>
      %masked_cumsum3A_416 = tpu.scan <sum>, %gather3A_413 masked %broadcast_in_dim3A_415 : vector<16xf32>, vector<16xi1> -> vector<16xf32>
      %sub3A_417 = arith.subf %masked_cumsum3A_416, %gather3A_413 : vector<16xf32>
      %add3A_418 = vector.broadcast %add3A_405 : f32 to vector<16xf32>
      %add3A_419 = arith.addf %sub3A_417, %add3A_418 : vector<16xf32>
      %swap3A_420 = arith.constant 96 : index
      %swap3A_421 = tpu.vector_load %arg17[%swap3A_420] {strides = array<i32>} : memref<128xf32, #tpu.memory_space<vmem>>, vector<16xf32>,
      tpu.vector_store %arg17[%swap3A_420], %add3A_419 {strides = array<i32>} : memref<128xf32, #tpu.memory_space<vmem>>, vector<16xf32>,
      %slice3A_422 = vector.extract_strided_slice %masked_cumsum3A_416 {offsets = [15], sizes = [1], strides = [1]} : vector<16xf32> to vector<1xf32>
      %squeeze3A_423 = vector.extract %slice3A_422[0] : f32 from vector<1xf32>
      %add3A_424 = arith.addf %add3A_405, %squeeze3A_423 : f32
      %iota3A_425 = tpu.iota {dimensions = array<i32: 0>} : vector<16xi32>
      %mul3A_426 = arith.constant 16 : i32
      %mul3A_427 = vector.broadcast %mul3A_426 : i32 to vector<16xi32>
      %mul3A_428 = arith.muli %iota3A_425, %mul3A_427 : vector<16xi32>
      %add3A_429 = arith.constant 1807 : i32
      %add3A_430 = vector.broadcast %add3A_429 : i32 to vector<16xi32>
      %add3A_431 = arith.addi %mul3A_428, %add3A_430 : vector<16xi32>
      %gather3A_432 = tpu.vector_load_idx %arg15[%add3A_431] : memref<2048xf32, #tpu.memory_space<vmem>>[vector<16xi32>], vector<16xf32>,
      %broadcast_in_dim3A_433 = arith.constant true
      %broadcast_in_dim3A_434 = vector.broadcast %broadcast_in_dim3A_433 : i1 to vector<16xi1>
      %masked_cumsum3A_435 = tpu.scan <sum>, %gather3A_432 masked %broadcast_in_dim3A_434 : vector<16xf32>, vector<16xi1> -> vector<16xf32>
      %sub3A_436 = arith.subf %masked_cumsum3A_435, %gather3A_432 : vector<16xf32>
      %add3A_437 = vector.broadcast %add3A_424 : f32 to vector<16xf32>
      %add3A_438 = arith.addf %sub3A_436, %add3A_437 : vector<16xf32>
      %swap3A_439 = arith.constant 112 : index
      %swap3A_440 = tpu.vector_load %arg17[%swap3A_439] {strides = array<i32>} : memref<128xf32, #tpu.memory_space<vmem>>, vector<16xf32>,
      tpu.vector_store %arg17[%swap3A_439], %add3A_438 {strides = array<i32>} : memref<128xf32, #tpu.memory_space<vmem>>, vector<16xf32>,
      %slice3A_441 = vector.extract_strided_slice %masked_cumsum3A_435 {offsets = [15], sizes = [1], strides = [1]} : vector<16xf32> to vector<1xf32>
      %squeeze3A_442 = vector.extract %slice3A_441[0] : f32 from vector<1xf32>
      %add3A_443 = arith.addf %add3A_424, %squeeze3A_442 : f32
      %parallel_loop3A_444 = arith.constant 0 : i32
      %parallel_loop3A_445 = arith.constant 128 : i32
      %parallel_loop3A_446 = arith.constant 1 : i32
      scf.for %parallel_loop3A_461 = %parallel_loop3A_444 to %parallel_loop3A_445 step %parallel_loop3A_446  : i32 {
        %parallel_loop3A_462 = arith.constant 16 : i32
        %parallel_loop3A_463 = arith.muli %parallel_loop3A_461, %parallel_loop3A_462 : i32
        %parallel_loop3A_464 = tpu.assume_multiple %parallel_loop3A_463, 16 : i32
        %parallel_loop3A_465 = arith.index_cast %parallel_loop3A_464 : i32 to index
        %parallel_loop3A_466 = tpu.vector_load %arg16[%parallel_loop3A_465] {strides = array<i32>} : memref<2048xf32, #tpu.memory_space<vmem>>, vector<16xf32>,
        %parallel_loop3A_467 = arith.index_cast %parallel_loop3A_464 : i32 to index
        %parallel_loop3A_468 = tpu.vector_load %arg15[%parallel_loop3A_467] {strides = array<i32>} : memref<2048xf32, #tpu.memory_space<vmem>>, vector<16xf32>,
        %parallel_loop3A_469 = vector.broadcast %parallel_loop3A_461 : i32 to vector<16xi32>
        %parallel_loop3A_470 = tpu.vector_load_idx %arg17[%parallel_loop3A_469] : memref<128xf32, #tpu.memory_space<vmem>>[vector<16xi32>], vector<16xf32>,
        %parallel_loop3A_471 = arith.addf %parallel_loop3A_468, %parallel_loop3A_470 : vector<16xf32>
        %parallel_loop3A_472 = arith.constant 0.000000e+00 : f32
        %parallel_loop3A_473 = vector.broadcast %parallel_loop3A_472 : f32 to vector<16xf32>
        %parallel_loop3A_474 = arith.subf %parallel_loop3A_473, %parallel_loop3A_471 : vector<16xf32>
        %parallel_loop3A_475 = math.exp %parallel_loop3A_474 : vector<16xf32>
        %parallel_loop3A_476 = arith.subf %parallel_loop3A_471, %parallel_loop3A_466 : vector<16xf32>
        %parallel_loop3A_477 = arith.constant 0.000000e+00 : f32
        %parallel_loop3A_478 = vector.broadcast %parallel_loop3A_477 : f32 to vector<16xf32>
        %parallel_loop3A_479 = arith.subf %parallel_loop3A_478, %parallel_loop3A_476 : vector<16xf32>
        %parallel_loop3A_480 = math.exp %parallel_loop3A_479 : vector<16xf32>
        %parallel_loop3A_481 = arith.index_cast %parallel_loop3A_464 : i32 to index
        %parallel_loop3A_482 = tpu.vector_load %arg15[%parallel_loop3A_481] {strides = array<i32>} : memref<2048xf32, #tpu.memory_space<vmem>>, vector<16xf32>,
        tpu.vector_store %arg15[%parallel_loop3A_481], %parallel_loop3A_480 {strides = array<i32>} : memref<2048xf32, #tpu.memory_space<vmem>>, vector<16xf32>,
        %parallel_loop3A_483 = arith.subf %parallel_loop3A_480, %parallel_loop3A_475 : vector<16xf32>
        %parallel_loop3A_484 = arith.index_cast %parallel_loop3A_464 : i32 to index
        %parallel_loop3A_485 = tpu.vector_load %arg16[%parallel_loop3A_484] {strides = array<i32>} : memref<2048xf32, #tpu.memory_space<vmem>>, vector<16xf32>,
        tpu.vector_store %arg16[%parallel_loop3A_484], %parallel_loop3A_483 {strides = array<i32>} : memref<2048xf32, #tpu.memory_space<vmem>>, vector<16xf32>,
      } {sc.loop_unroll_factor = 4 : i64, sc.parallel_access}
      %broadcast_in_dim3A_447 = vector.broadcast %add3A_443 : f32 to vector<16xf32>
      %neg3A = arith.constant 0.000000e+00 : f32
      %neg3A_448 = vector.broadcast %neg3A : f32 to vector<16xf32>
      %neg3A_449 = arith.subf %neg3A_448, %broadcast_in_dim3A_447 : vector<16xf32>
      %exp3A = math.exp %neg3A_449 : vector<16xf32>
      %slice3A_450 = vector.extract_strided_slice %exp3A {offsets = [0], sizes = [1], strides = [1]} : vector<16xf32> to vector<1xf32>
      %squeeze3A_451 = vector.extract %slice3A_450[0] : f32 from vector<1xf32>
      %while3A_452 = arith.constant 0 : i32
      %while3A_453:10 = scf.while (%while3A_461 = %while3A_452, %while3A_462 = %while3A_188, %while3A_463 = %while3A_189, %while3A_464 = %while3A_190, %while3A_465 = %while3A_191, %while3A_466 = %while3A_192, %while3A_467 = %while3A_193, %while3A_468 = %while3A_194, %while3A_469 = %while3A_195, %while3A_470 = %while3A_196) : (i32, i32, i32, i32, f32, vector<16xf32>, vector<16xf32>, vector<16xf32>, vector<16xf32>, vector<16xf32>) -> (i32, i32, i32, i32, f32, vector<16xf32>, vector<16xf32>, vector<16xf32>, vector<16xf32>, vector<16xf32>) {
        %lt3A_471 = arith.constant 128 : i32
        %lt3A_472 = arith.cmpi slt, %while3A_461, %lt3A_471 : i32
        scf.condition(%lt3A_472) %while3A_461, %while3A_462, %while3A_463, %while3A_464, %while3A_465, %while3A_466, %while3A_467, %while3A_468, %while3A_469, %while3A_470 : i32, i32, i32, i32, f32, vector<16xf32>, vector<16xf32>, vector<16xf32>, vector<16xf32>, vector<16xf32>
      } do {
      ^bb0(%while3A_461: i32, %while3A_462: i32, %while3A_463: i32, %while3A_464: i32, %while3A_465: f32, %while3A_466: vector<16xf32>, %while3A_467: vector<16xf32>, %while3A_468: vector<16xf32>, %while3A_469: vector<16xf32>, %while3A_470: vector<16xf32>):
        %sub3A_471 = arith.subi %while3A_464, %multiple_of3A_277 : i32
        %add3A_472 = arith.constant 15 : i32
        %add3A_473 = arith.addi %sub3A_471, %add3A_472 : i32
        %jit3A_474 = arith.constant 16 : i32
        %div3A_475 = arith.divsi %add3A_473, %jit3A_474 : i32
        %sign3A_476 = arith.constant 0 : i32
        %sign3A_477 = arith.cmpi sgt, %add3A_473, %sign3A_476 : i32
        %sign3A_478 = arith.extui %sign3A_477 : i1 to i32
        %sign3A_479 = arith.constant 0 : i32
        %sign3A_480 = arith.cmpi slt, %add3A_473, %sign3A_479 : i32
        %sign3A_481 = arith.extui %sign3A_480 : i1 to i32
        %sign3A_482 = arith.subi %sign3A_478, %sign3A_481 : i32
        %sign3A_483 = arith.constant 0 : i32
        %sign3A_484 = arith.cmpi sgt, %jit3A_474, %sign3A_483 : i32
        %sign3A_485 = arith.extui %sign3A_484 : i1 to i32
        %sign3A_486 = arith.constant 0 : i32
        %sign3A_487 = arith.cmpi slt, %jit3A_474, %sign3A_486 : i32
        %sign3A_488 = arith.extui %sign3A_487 : i1 to i32
        %sign3A_489 = arith.subi %sign3A_485, %sign3A_488 : i32
        %ne3A_490 = arith.cmpi ne, %sign3A_482, %sign3A_489 : i32
        %rem3A_491 = arith.remsi %add3A_473, %jit3A_474 : i32
        %ne3A_492 = arith.constant 0 : i32
        %ne3A_493 = arith.cmpi ne, %rem3A_491, %ne3A_492 : i32
        %and3A_494 = arith.andi %ne3A_490, %ne3A_493 : i1
        %sub3A_495 = arith.constant 1 : i32
        %sub3A_496 = arith.subi %div3A_475, %sub3A_495 : i32
        %select_n3A_497 = arith.select %and3A_494, %sub3A_496, %div3A_475 : i32
        %jit3A_498 = arith.constant 128 : i32
        %max3A_499 = arith.maxsi %while3A_461, %select_n3A_497 : i32
        %min3A_500 = arith.minsi %jit3A_498, %max3A_499 : i32
        %while3A_501 = arith.subi %min3A_500, %while3A_461 : i32
        %while3A_502 = arith.addi %while3A_461, %while3A_501 : i32
        %while3A_503 = arith.constant 1 : i32
        %while3A_504 = arith.divsi %while3A_501, %while3A_503 : i32
        %while3A_505 = arith.muli %while3A_504, %while3A_503 : i32
        %while3A_506 = arith.addi %while3A_461, %while3A_505 : i32
        %while3A_507 = arith.constant 1 : i32
        %while3A_508:5 = scf.for %while3A_518 = %while3A_461 to %while3A_506 step %while3A_507 iter_args(%while3A_519 = %while3A_466, %while3A_520 = %while3A_467, %while3A_521 = %while3A_468, %while3A_522 = %while3A_469, %while3A_523 = %while3A_470) -> (vector<16xf32>, vector<16xf32>, vector<16xf32>, vector<16xf32>, vector<16xf32>)  : i32 {
          %mul3A_524 = arith.constant 16 : i32
          %mul3A_525 = arith.muli %while3A_518, %mul3A_524 : i32
          %jit3A_526 = arith.constant 128 : i32
          %div3A_527 = arith.divsi %mul3A_525, %jit3A_526 : i32
          %sign3A_528 = arith.constant 0 : i32
          %sign3A_529 = arith.cmpi sgt, %mul3A_525, %sign3A_528 : i32
          %sign3A_530 = arith.extui %sign3A_529 : i1 to i32
          %sign3A_531 = arith.constant 0 : i32
          %sign3A_532 = arith.cmpi slt, %mul3A_525, %sign3A_531 : i32
          %sign3A_533 = arith.extui %sign3A_532 : i1 to i32
          %sign3A_534 = arith.subi %sign3A_530, %sign3A_533 : i32
          %sign3A_535 = arith.constant 0 : i32
          %sign3A_536 = arith.cmpi sgt, %jit3A_526, %sign3A_535 : i32
          %sign3A_537 = arith.extui %sign3A_536 : i1 to i32
          %sign3A_538 = arith.constant 0 : i32
          %sign3A_539 = arith.cmpi slt, %jit3A_526, %sign3A_538 : i32
          %sign3A_540 = arith.extui %sign3A_539 : i1 to i32
          %sign3A_541 = arith.subi %sign3A_537, %sign3A_540 : i32
          %ne3A_542 = arith.cmpi ne, %sign3A_534, %sign3A_541 : i32
          %rem3A_543 = arith.remsi %mul3A_525, %jit3A_526 : i32
          %ne3A_544 = arith.constant 0 : i32
          %ne3A_545 = arith.cmpi ne, %rem3A_543, %ne3A_544 : i32
          %and3A_546 = arith.andi %ne3A_542, %ne3A_545 : i1
          %sub3A_547 = arith.constant 1 : i32
          %sub3A_548 = arith.subi %div3A_527, %sub3A_547 : i32
          %select_n3A_549 = arith.select %and3A_546, %sub3A_548, %div3A_527 : i32
          %mul3A_550 = arith.constant 128 : i32
          %mul3A_551 = arith.muli %select_n3A_549, %mul3A_550 : i32
          %sub3A_552 = arith.subi %mul3A_525, %mul3A_551 : i32
          %multiple_of3A_553 = tpu.assume_multiple %sub3A_552, 16 : i32
          %add3A_554 = arith.addi %multiple_of3A_277, %mul3A_525 : i32
          %add3A_555 = vector.broadcast %add3A_554 : i32 to vector<16xi32>
          %add3A_556 = arith.addi %iota3A, %add3A_555 : vector<16xi32>
          %ge3A_557 = vector.broadcast %while3A_463 : i32 to vector<16xi32>
          %ge3A_558 = arith.cmpi sge, %add3A_556, %ge3A_557 : vector<16xi32>
          %lt3A_559 = vector.broadcast %while3A_464 : i32 to vector<16xi32>
          %lt3A_560 = arith.cmpi slt, %add3A_556, %lt3A_559 : vector<16xi32>
          %and3A_561 = arith.andi %ge3A_558, %lt3A_560 : vector<16xi1>
          %get3A = arith.index_cast %mul3A_525 : i32 to index
          %get3A_562 = tpu.vector_load %arg15[%get3A] {strides = array<i32>} : memref<2048xf32, #tpu.memory_space<vmem>>, vector<16xf32>,
          %get3A_563 = arith.index_cast %mul3A_525 : i32 to index
          %get3A_564 = tpu.vector_load %arg16[%get3A_563] {strides = array<i32>} : memref<2048xf32, #tpu.memory_space<vmem>>, vector<16xf32>,
          %mul3A_565 = vector.broadcast %while3A_465 : f32 to vector<16xf32>
          %mul3A_566 = arith.mulf %get3A_562, %mul3A_565 : vector<16xf32>
          %ge3A_567 = arith.constant 9.99999974E-5 : f32
          %ge3A_568 = vector.broadcast %ge3A_567 : f32 to vector<16xf32>
          %ge3A_569 = arith.cmpf oge, %mul3A_566, %ge3A_568 : vector<16xf32>
          %and3A_570 = arith.andi %and3A_561, %ge3A_569 : vector<16xi1>
          %mul3A_571 = vector.broadcast %while3A_465 : f32 to vector<16xf32>
          %mul3A_572 = arith.mulf %get3A_564, %mul3A_571 : vector<16xf32>
          %jit3A_573 = arith.constant 0.000000e+00 : f32
          %broadcast_in_dim3A_574 = vector.broadcast %jit3A_573 : f32 to vector<16xf32>
          %select_n3A_575 = arith.select %and3A_570, %mul3A_572, %broadcast_in_dim3A_574 : vector<16xi1>, vector<16xf32>
          %swap3A_576 = arith.index_cast %select_n3A_212 : i32 to index
          %swap3A_577 = arith.index_cast %mul3A_525 : i32 to index
          %swap3A_578 = tpu.vector_load %arg14[%swap3A_576, %swap3A_577] {strides = array<i32>} : memref<2x2048xf32, #tpu.memory_space<vmem>>, vector<16xf32>,
          tpu.vector_store %arg14[%swap3A_576, %swap3A_577], %select_n3A_575 {add = true, strides = array<i32>} : memref<2x2048xf32, #tpu.memory_space<vmem>>, vector<16xf32>,
          %get3A_579 = arith.constant 0 : i32
          %get3A_580 = arith.index_cast %select_n3A_212 : i32 to index
          %get3A_581 = arith.index_cast %select_n3A_549 : i32 to index
          %get3A_582 = arith.index_cast %get3A_579 : i32 to index
          %get3A_583 = arith.index_cast %multiple_of3A_553 : i32 to index
          %get3A_584 = tpu.vector_load %arg12[%get3A_580, %get3A_581, %get3A_582, %get3A_583] {strides = array<i32>} : memref<2x16x2x128xf32, #tpu.memory_space<vmem>>, vector<16xf32>,
          %get3A_585 = arith.constant 0 : i32
          %get3A_586 = arith.index_cast %select_n3A_212 : i32 to index
          %get3A_587 = arith.index_cast %select_n3A_549 : i32 to index
          %get3A_588 = arith.index_cast %get3A_585 : i32 to index
          %get3A_589 = arith.index_cast %multiple_of3A_553 : i32 to index
          %get3A_590 = tpu.vector_load %arg13[%get3A_586, %get3A_587, %get3A_588, %get3A_589] {strides = array<i32>} : memref<2x16x3x128xf32, #tpu.memory_space<vmem>>, vector<16xf32>,
          %get3A_591 = arith.constant 1 : i32
          %get3A_592 = arith.index_cast %select_n3A_212 : i32 to index
          %get3A_593 = arith.index_cast %select_n3A_549 : i32 to index
          %get3A_594 = arith.index_cast %get3A_591 : i32 to index
          %get3A_595 = arith.index_cast %multiple_of3A_553 : i32 to index
          %get3A_596 = tpu.vector_load %arg13[%get3A_592, %get3A_593, %get3A_594, %get3A_595] {strides = array<i32>} : memref<2x16x3x128xf32, #tpu.memory_space<vmem>>, vector<16xf32>,
          %get3A_597 = arith.constant 2 : i32
          %get3A_598 = arith.index_cast %select_n3A_212 : i32 to index
          %get3A_599 = arith.index_cast %select_n3A_549 : i32 to index
          %get3A_600 = arith.index_cast %get3A_597 : i32 to index
          %get3A_601 = arith.index_cast %multiple_of3A_553 : i32 to index
          %get3A_602 = tpu.vector_load %arg13[%get3A_598, %get3A_599, %get3A_600, %get3A_601] {strides = array<i32>} : memref<2x16x3x128xf32, #tpu.memory_space<vmem>>, vector<16xf32>,
          %add3A_603 = arith.addf %while3A_519, %select_n3A_575 : vector<16xf32>
          %mul3A_604 = arith.mulf %select_n3A_575, %get3A_584 : vector<16xf32>
          %add3A_605 = arith.addf %while3A_520, %mul3A_604 : vector<16xf32>
          %mul3A_606 = arith.mulf %select_n3A_575, %get3A_590 : vector<16xf32>
          %add3A_607 = arith.addf %while3A_521, %mul3A_606 : vector<16xf32>
          %mul3A_608 = arith.mulf %select_n3A_575, %get3A_596 : vector<16xf32>
          %add3A_609 = arith.addf %while3A_522, %mul3A_608 : vector<16xf32>
          %mul3A_610 = arith.mulf %select_n3A_575, %get3A_602 : vector<16xf32>
          %add3A_611 = arith.addf %while3A_523, %mul3A_610 : vector<16xf32>
          scf.yield %add3A_603, %add3A_605, %add3A_607, %add3A_609, %add3A_611 : vector<16xf32>, vector<16xf32>, vector<16xf32>, vector<16xf32>, vector<16xf32>
        }
        %while3A_509 = arith.constant 1 : i32
        %while3A_510:5 = scf.for %while3A_518 = %while3A_506 to %while3A_502 step %while3A_509 iter_args(%while3A_519 = %while3A_508#0, %while3A_520 = %while3A_508#1, %while3A_521 = %while3A_508#2, %while3A_522 = %while3A_508#3, %while3A_523 = %while3A_508#4) -> (vector<16xf32>, vector<16xf32>, vector<16xf32>, vector<16xf32>, vector<16xf32>)  : i32 {
          %mul3A_524 = arith.constant 16 : i32
          %mul3A_525 = arith.muli %while3A_518, %mul3A_524 : i32
          %jit3A_526 = arith.constant 128 : i32
          %div3A_527 = arith.divsi %mul3A_525, %jit3A_526 : i32
          %sign3A_528 = arith.constant 0 : i32
          %sign3A_529 = arith.cmpi sgt, %mul3A_525, %sign3A_528 : i32
          %sign3A_530 = arith.extui %sign3A_529 : i1 to i32
          %sign3A_531 = arith.constant 0 : i32
          %sign3A_532 = arith.cmpi slt, %mul3A_525, %sign3A_531 : i32
          %sign3A_533 = arith.extui %sign3A_532 : i1 to i32
          %sign3A_534 = arith.subi %sign3A_530, %sign3A_533 : i32
          %sign3A_535 = arith.constant 0 : i32
          %sign3A_536 = arith.cmpi sgt, %jit3A_526, %sign3A_535 : i32
          %sign3A_537 = arith.extui %sign3A_536 : i1 to i32
          %sign3A_538 = arith.constant 0 : i32
          %sign3A_539 = arith.cmpi slt, %jit3A_526, %sign3A_538 : i32
          %sign3A_540 = arith.extui %sign3A_539 : i1 to i32
          %sign3A_541 = arith.subi %sign3A_537, %sign3A_540 : i32
          %ne3A_542 = arith.cmpi ne, %sign3A_534, %sign3A_541 : i32
          %rem3A_543 = arith.remsi %mul3A_525, %jit3A_526 : i32
          %ne3A_544 = arith.constant 0 : i32
          %ne3A_545 = arith.cmpi ne, %rem3A_543, %ne3A_544 : i32
          %and3A_546 = arith.andi %ne3A_542, %ne3A_545 : i1
          %sub3A_547 = arith.constant 1 : i32
          %sub3A_548 = arith.subi %div3A_527, %sub3A_547 : i32
          %select_n3A_549 = arith.select %and3A_546, %sub3A_548, %div3A_527 : i32
          %mul3A_550 = arith.constant 128 : i32
          %mul3A_551 = arith.muli %select_n3A_549, %mul3A_550 : i32
          %sub3A_552 = arith.subi %mul3A_525, %mul3A_551 : i32
          %multiple_of3A_553 = tpu.assume_multiple %sub3A_552, 16 : i32
          %add3A_554 = arith.addi %multiple_of3A_277, %mul3A_525 : i32
          %add3A_555 = vector.broadcast %add3A_554 : i32 to vector<16xi32>
          %add3A_556 = arith.addi %iota3A, %add3A_555 : vector<16xi32>
          %ge3A_557 = vector.broadcast %while3A_463 : i32 to vector<16xi32>
          %ge3A_558 = arith.cmpi sge, %add3A_556, %ge3A_557 : vector<16xi32>
          %lt3A_559 = vector.broadcast %while3A_464 : i32 to vector<16xi32>
          %lt3A_560 = arith.cmpi slt, %add3A_556, %lt3A_559 : vector<16xi32>
          %and3A_561 = arith.andi %ge3A_558, %lt3A_560 : vector<16xi1>
          %get3A = arith.index_cast %mul3A_525 : i32 to index
          %get3A_562 = tpu.vector_load %arg15[%get3A] {strides = array<i32>} : memref<2048xf32, #tpu.memory_space<vmem>>, vector<16xf32>,
          %get3A_563 = arith.index_cast %mul3A_525 : i32 to index
          %get3A_564 = tpu.vector_load %arg16[%get3A_563] {strides = array<i32>} : memref<2048xf32, #tpu.memory_space<vmem>>, vector<16xf32>,
          %mul3A_565 = vector.broadcast %while3A_465 : f32 to vector<16xf32>
          %mul3A_566 = arith.mulf %get3A_562, %mul3A_565 : vector<16xf32>
          %ge3A_567 = arith.constant 9.99999974E-5 : f32
          %ge3A_568 = vector.broadcast %ge3A_567 : f32 to vector<16xf32>
          %ge3A_569 = arith.cmpf oge, %mul3A_566, %ge3A_568 : vector<16xf32>
          %and3A_570 = arith.andi %and3A_561, %ge3A_569 : vector<16xi1>
          %mul3A_571 = vector.broadcast %while3A_465 : f32 to vector<16xf32>
          %mul3A_572 = arith.mulf %get3A_564, %mul3A_571 : vector<16xf32>
          %jit3A_573 = arith.constant 0.000000e+00 : f32
          %broadcast_in_dim3A_574 = vector.broadcast %jit3A_573 : f32 to vector<16xf32>
          %select_n3A_575 = arith.select %and3A_570, %mul3A_572, %broadcast_in_dim3A_574 : vector<16xi1>, vector<16xf32>
          %swap3A_576 = arith.index_cast %select_n3A_212 : i32 to index
          %swap3A_577 = arith.index_cast %mul3A_525 : i32 to index
          %swap3A_578 = tpu.vector_load %arg14[%swap3A_576, %swap3A_577] {strides = array<i32>} : memref<2x2048xf32, #tpu.memory_space<vmem>>, vector<16xf32>,
          tpu.vector_store %arg14[%swap3A_576, %swap3A_577], %select_n3A_575 {add = true, strides = array<i32>} : memref<2x2048xf32, #tpu.memory_space<vmem>>, vector<16xf32>,
          %get3A_579 = arith.constant 0 : i32
          %get3A_580 = arith.index_cast %select_n3A_212 : i32 to index
          %get3A_581 = arith.index_cast %select_n3A_549 : i32 to index
          %get3A_582 = arith.index_cast %get3A_579 : i32 to index
          %get3A_583 = arith.index_cast %multiple_of3A_553 : i32 to index
          %get3A_584 = tpu.vector_load %arg12[%get3A_580, %get3A_581, %get3A_582, %get3A_583] {strides = array<i32>} : memref<2x16x2x128xf32, #tpu.memory_space<vmem>>, vector<16xf32>,
          %get3A_585 = arith.constant 0 : i32
          %get3A_586 = arith.index_cast %select_n3A_212 : i32 to index
          %get3A_587 = arith.index_cast %select_n3A_549 : i32 to index
          %get3A_588 = arith.index_cast %get3A_585 : i32 to index
          %get3A_589 = arith.index_cast %multiple_of3A_553 : i32 to index
          %get3A_590 = tpu.vector_load %arg13[%get3A_586, %get3A_587, %get3A_588, %get3A_589] {strides = array<i32>} : memref<2x16x3x128xf32, #tpu.memory_space<vmem>>, vector<16xf32>,
          %get3A_591 = arith.constant 1 : i32
          %get3A_592 = arith.index_cast %select_n3A_212 : i32 to index
          %get3A_593 = arith.index_cast %select_n3A_549 : i32 to index
          %get3A_594 = arith.index_cast %get3A_591 : i32 to index
          %get3A_595 = arith.index_cast %multiple_of3A_553 : i32 to index
          %get3A_596 = tpu.vector_load %arg13[%get3A_592, %get3A_593, %get3A_594, %get3A_595] {strides = array<i32>} : memref<2x16x3x128xf32, #tpu.memory_space<vmem>>, vector<16xf32>,
          %get3A_597 = arith.constant 2 : i32
          %get3A_598 = arith.index_cast %select_n3A_212 : i32 to index
          %get3A_599 = arith.index_cast %select_n3A_549 : i32 to index
          %get3A_600 = arith.index_cast %get3A_597 : i32 to index
          %get3A_601 = arith.index_cast %multiple_of3A_553 : i32 to index
          %get3A_602 = tpu.vector_load %arg13[%get3A_598, %get3A_599, %get3A_600, %get3A_601] {strides = array<i32>} : memref<2x16x3x128xf32, #tpu.memory_space<vmem>>, vector<16xf32>,
          %add3A_603 = arith.addf %while3A_519, %select_n3A_575 : vector<16xf32>
          %mul3A_604 = arith.mulf %select_n3A_575, %get3A_584 : vector<16xf32>
          %add3A_605 = arith.addf %while3A_520, %mul3A_604 : vector<16xf32>
          %mul3A_606 = arith.mulf %select_n3A_575, %get3A_590 : vector<16xf32>
          %add3A_607 = arith.addf %while3A_521, %mul3A_606 : vector<16xf32>
          %mul3A_608 = arith.mulf %select_n3A_575, %get3A_596 : vector<16xf32>
          %add3A_609 = arith.addf %while3A_522, %mul3A_608 : vector<16xf32>
          %mul3A_610 = arith.mulf %select_n3A_575, %get3A_602 : vector<16xf32>
          %add3A_611 = arith.addf %while3A_523, %mul3A_610 : vector<16xf32>
          scf.yield %add3A_603, %add3A_605, %add3A_607, %add3A_609, %add3A_611 : vector<16xf32>, vector<16xf32>, vector<16xf32>, vector<16xf32>, vector<16xf32>
        }
        %add3A_511 = arith.constant 2048 : i32
        %add3A_512 = arith.addi %multiple_of3A_277, %add3A_511 : i32
        %le3A = arith.cmpi sle, %while3A_464, %add3A_512 : i32
        %convert_element_type3A_513 = arith.extui %le3A : i1 to i32
        %cond3A_514 = arith.constant 0 : i32
        %cond3A_515 = arith.constant 0 : i32
        %cond3A_516 = arith.cmpi ne, %convert_element_type3A_513, %cond3A_515 : i32
        %cond3A_517:10 = scf.if %cond3A_516 -> (i32, i32, i32, i32, f32, vector<16xf32>, vector<16xf32>, vector<16xf32>, vector<16xf32>, vector<16xf32>) {
          %ge3A_518 = arith.cmpi sge, %while3A_462, %mul3A_2 : i32
          %lt3A_519 = arith.cmpi slt, %while3A_462, %add3A_4 : i32
          %and3A_520 = arith.andi %ge3A_518, %lt3A_519 : i1
          %sub3A_521 = arith.subi %while3A_462, %mul3A_2 : i32
          %jit3A_522 = arith.constant 0 : i32
          %jit3A_523 = arith.constant 511 : i32
          %max3A_524 = arith.maxsi %jit3A_522, %sub3A_521 : i32
          %min3A_525 = arith.minsi %jit3A_523, %max3A_524 : i32
          %eq3A_526 = arith.constant 0 : i32
          %eq3A_527 = vector.broadcast %eq3A_526 : i32 to vector<16xi32>
          %eq3A_528 = arith.cmpi eq, %iota3A, %eq3A_527 : vector<16xi32>
          %and3A_529 = vector.broadcast %and3A_520 : i1 to vector<16xi1>
          %and3A_530 = arith.andi %eq3A_528, %and3A_529 : vector<16xi1>
          %broadcast_in_dim3A_531 = vector.broadcast %min3A_525 : i32 to vector<16xi32>
          %reduce_sum3A = arith.constant true
          %reduce_sum3A_532 = vector.broadcast %reduce_sum3A : i1 to vector<16xi1>
          %reduce_sum3A_533 = tpu.scan <sum>, %while3A_510#0 masked %reduce_sum3A_532 : vector<16xf32>, vector<16xi1> -> vector<16xf32>
          %reduce_sum3A_534 = vector.extract %reduce_sum3A_533[15] : f32 from vector<16xf32>
          %broadcast_in_dim3A_535 = vector.broadcast %reduce_sum3A_534 : f32 to vector<16xf32>
          tpu.vector_store_idx %arg18[%broadcast_in_dim3A_531], %broadcast_in_dim3A_535 masked %and3A_530 : memref<512xf32, #tpu.memory_space<vmem>>[vector<16xi32>], vector<16xf32>, vector<16xi1>
          %broadcast_in_dim3A_536 = vector.broadcast %min3A_525 : i32 to vector<16xi32>
          %reduce_sum3A_537 = arith.constant true
          %reduce_sum3A_538 = vector.broadcast %reduce_sum3A_537 : i1 to vector<16xi1>
          %reduce_sum3A_539 = tpu.scan <sum>, %while3A_510#1 masked %reduce_sum3A_538 : vector<16xf32>, vector<16xi1> -> vector<16xf32>
          %reduce_sum3A_540 = vector.extract %reduce_sum3A_539[15] : f32 from vector<16xf32>
          %broadcast_in_dim3A_541 = vector.broadcast %reduce_sum3A_540 : f32 to vector<16xf32>
          tpu.vector_store_idx %arg19[%broadcast_in_dim3A_536], %broadcast_in_dim3A_541 masked %and3A_530 : memref<512xf32, #tpu.memory_space<vmem>>[vector<16xi32>], vector<16xf32>, vector<16xi1>
          %eq3A_542 = arith.constant 0 : i32
          %eq3A_543 = vector.broadcast %eq3A_542 : i32 to vector<16xi32>
          %eq3A_544 = arith.cmpi eq, %iota3A, %eq3A_543 : vector<16xi32>
          %reduce_sum3A_545 = arith.constant true
          %reduce_sum3A_546 = vector.broadcast %reduce_sum3A_545 : i1 to vector<16xi1>
          %reduce_sum3A_547 = tpu.scan <sum>, %while3A_510#2 masked %reduce_sum3A_546 : vector<16xf32>, vector<16xi1> -> vector<16xf32>
          %reduce_sum3A_548 = vector.extract %reduce_sum3A_547[15] : f32 from vector<16xf32>
          %eq3A_549 = arith.constant 1 : i32
          %eq3A_550 = vector.broadcast %eq3A_549 : i32 to vector<16xi32>
          %eq3A_551 = arith.cmpi eq, %iota3A, %eq3A_550 : vector<16xi32>
          %reduce_sum3A_552 = arith.constant true
          %reduce_sum3A_553 = vector.broadcast %reduce_sum3A_552 : i1 to vector<16xi1>
          %reduce_sum3A_554 = tpu.scan <sum>, %while3A_510#3 masked %reduce_sum3A_553 : vector<16xf32>, vector<16xi1> -> vector<16xf32>
          %reduce_sum3A_555 = vector.extract %reduce_sum3A_554[15] : f32 from vector<16xf32>
          %reduce_sum3A_556 = arith.constant true
          %reduce_sum3A_557 = vector.broadcast %reduce_sum3A_556 : i1 to vector<16xi1>
          %reduce_sum3A_558 = tpu.scan <sum>, %while3A_510#4 masked %reduce_sum3A_557 : vector<16xf32>, vector<16xi1> -> vector<16xf32>
          %reduce_sum3A_559 = vector.extract %reduce_sum3A_558[15] : f32 from vector<16xf32>
          %broadcast_in_dim3A_560 = vector.broadcast %reduce_sum3A_555 : f32 to vector<16xf32>
          %broadcast_in_dim3A_561 = vector.broadcast %reduce_sum3A_559 : f32 to vector<16xf32>
          %select_n3A_562 = arith.select %eq3A_551, %broadcast_in_dim3A_560, %broadcast_in_dim3A_561 : vector<16xi1>, vector<16xf32>
          %broadcast_in_dim3A_563 = vector.broadcast %reduce_sum3A_548 : f32 to vector<16xf32>
          %select_n3A_564 = arith.select %eq3A_544, %broadcast_in_dim3A_563, %select_n3A_562 : vector<16xi1>, vector<16xf32>
          %broadcast_in_dim3A_565 = vector.broadcast %min3A_525 : i32 to vector<16xi32>
          %lt3A_566 = arith.constant 3 : i32
          %lt3A_567 = vector.broadcast %lt3A_566 : i32 to vector<16xi32>
          %lt3A_568 = arith.cmpi slt, %iota3A, %lt3A_567 : vector<16xi32>
          %and3A_569 = vector.broadcast %and3A_520 : i1 to vector<16xi1>
          %and3A_570 = arith.andi %lt3A_568, %and3A_569 : vector<16xi1>
          tpu.vector_store_idx %arg20[%broadcast_in_dim3A_565, %iota3A], %select_n3A_564 masked %and3A_570 : memref<512x3xf32, #tpu.memory_space<vmem>>[vector<16xi32>, vector<16xi32>], vector<16xf32>, vector<16xi1>
          %add3A_571 = arith.constant 2 : i32
          %add3A_572 = arith.addi %while3A_462, %add3A_571 : i32
          %min3A_573 = arith.constant 16384 : i32
          %min3A_574 = arith.minsi %add3A_572, %min3A_573 : i32
          %broadcast_in_dim3A_575 = vector.broadcast %min3A_574 : i32 to vector<16xi32>
          %gather3A_576 = tpu.vector_load_idx %arg10[%broadcast_in_dim3A_575] : memref<16392xi32, #tpu.memory_space<vmem>>[vector<16xi32>], vector<16xi32>,
          %slice3A_577 = vector.extract_strided_slice %gather3A_576 {offsets = [0], sizes = [1], strides = [1]} : vector<16xi32> to vector<1xi32>
          %squeeze3A_578 = vector.extract %slice3A_577[0] : i32 from vector<1xi32>
          %sub3A_579 = arith.subi %while3A_464, %multiple_of3A_277 : i32
          %jit3A_580 = arith.constant 0 : i32
          %jit3A_581 = arith.constant 2047 : i32
          %max3A_582 = arith.maxsi %jit3A_580, %sub3A_579 : i32
          %min3A_583 = arith.minsi %jit3A_581, %max3A_582 : i32
          %broadcast_in_dim3A_584 = vector.broadcast %min3A_583 : i32 to vector<16xi32>
          %gather3A_585 = tpu.vector_load_idx %arg15[%broadcast_in_dim3A_584] : memref<2048xf32, #tpu.memory_space<vmem>>[vector<16xi32>], vector<16xf32>,
          %slice3A_586 = vector.extract_strided_slice %gather3A_585 {offsets = [0], sizes = [1], strides = [1]} : vector<16xf32> to vector<1xf32>
          %squeeze3A_587 = vector.extract %slice3A_586[0] : f32 from vector<1xf32>
          %ge3A_588 = arith.constant 2048 : i32
          %ge3A_589 = arith.cmpi sge, %sub3A_579, %ge3A_588 : i32
          %select_n3A_590 = arith.select %ge3A_589, %squeeze3A_451, %squeeze3A_587 : f32
          %broadcast_in_dim3A_591 = vector.broadcast %select_n3A_590 : f32 to vector<16xf32>
          %div3A_592 = arith.constant 1.000000e+00 : f32
          %div3A_593 = vector.broadcast %div3A_592 : f32 to vector<16xf32>
          %div3A_594 = arith.divf %div3A_593, %broadcast_in_dim3A_591 : vector<16xf32>
          %slice3A_595 = vector.extract_strided_slice %div3A_594 {offsets = [0], sizes = [1], strides = [1]} : vector<16xf32> to vector<1xf32>
          %squeeze3A_596 = vector.extract %slice3A_595[0] : f32 from vector<1xf32>
          %broadcast_in_dim3A_597 = arith.constant 0.000000e+00 : f32
          %broadcast_in_dim3A_598 = vector.broadcast %broadcast_in_dim3A_597 : f32 to vector<16xf32>
          %max3A_599 = arith.constant 0 : i32
          %max3A_600 = arith.maxsi %sub3A_579, %max3A_599 : i32
          %jit3A_601 = arith.constant 16 : i32
          %div3A_602 = arith.divsi %max3A_600, %jit3A_601 : i32
          %sign3A_603 = arith.constant 0 : i32
          %sign3A_604 = arith.cmpi sgt, %max3A_600, %sign3A_603 : i32
          %sign3A_605 = arith.extui %sign3A_604 : i1 to i32
          %sign3A_606 = arith.constant 0 : i32
          %sign3A_607 = arith.cmpi slt, %max3A_600, %sign3A_606 : i32
          %sign3A_608 = arith.extui %sign3A_607 : i1 to i32
          %sign3A_609 = arith.subi %sign3A_605, %sign3A_608 : i32
          %sign3A_610 = arith.constant 0 : i32
          %sign3A_611 = arith.cmpi sgt, %jit3A_601, %sign3A_610 : i32
          %sign3A_612 = arith.extui %sign3A_611 : i1 to i32
          %sign3A_613 = arith.constant 0 : i32
          %sign3A_614 = arith.cmpi slt, %jit3A_601, %sign3A_613 : i32
          %sign3A_615 = arith.extui %sign3A_614 : i1 to i32
          %sign3A_616 = arith.subi %sign3A_612, %sign3A_615 : i32
          %ne3A_617 = arith.cmpi ne, %sign3A_609, %sign3A_616 : i32
          %rem3A_618 = arith.remsi %max3A_600, %jit3A_601 : i32
          %ne3A_619 = arith.constant 0 : i32
          %ne3A_620 = arith.cmpi ne, %rem3A_618, %ne3A_619 : i32
          %and3A_621 = arith.andi %ne3A_617, %ne3A_620 : i1
          %sub3A_622 = arith.constant 1 : i32
          %sub3A_623 = arith.subi %div3A_602, %sub3A_622 : i32
          %select_n3A_624 = arith.select %and3A_621, %sub3A_623, %div3A_602 : i32
          %min3A_625 = arith.constant 128 : i32
          %min3A_626 = arith.minsi %select_n3A_624, %min3A_625 : i32
          %add3A_627 = arith.constant 1 : i32
          %add3A_628 = arith.addi %while3A_462, %add3A_627 : i32
          scf.yield %min3A_626, %add3A_628, %while3A_464, %squeeze3A_578, %squeeze3A_596, %broadcast_in_dim3A_598, %broadcast_in_dim3A_598, %broadcast_in_dim3A_598, %broadcast_in_dim3A_598, %broadcast_in_dim3A_598 : i32, i32, i32, i32, f32, vector<16xf32>, vector<16xf32>, vector<16xf32>, vector<16xf32>, vector<16xf32>
        } else {
          %cond3A_518 = arith.constant 128 : i32
          scf.yield %cond3A_518, %while3A_462, %while3A_463, %while3A_464, %while3A_465, %while3A_510#0, %while3A_510#1, %while3A_510#2, %while3A_510#3, %while3A_510#4 : i32, i32, i32, i32, f32, vector<16xf32>, vector<16xf32>, vector<16xf32>, vector<16xf32>, vector<16xf32>
        }
        scf.yield %cond3A_517#0, %cond3A_517#1, %cond3A_517#2, %cond3A_517#3, %cond3A_517#4, %cond3A_517#5, %cond3A_517#6, %cond3A_517#7, %cond3A_517#8, %cond3A_517#9 : i32, i32, i32, i32, f32, vector<16xf32>, vector<16xf32>, vector<16xf32>, vector<16xf32>, vector<16xf32>
      }
      %mul3A_454 = arith.mulf %while3A_453#4, %squeeze3A_451 : f32
      %ge3A_455 = arith.cmpi sge, %while3A_187, %select_n3A_53 : i32
      %lt3A_456 = arith.cmpi slt, %while3A_187, %select_n3A_81 : i32
      %and3A_457 = arith.andi %ge3A_455, %lt3A_456 : i1
      %convert_element_type3A_458 = arith.extui %and3A_457 : i1 to i32
      %cond3A_459 = arith.constant 0 : i32
      %cond3A_460 = arith.cmpi ne, %convert_element_type3A_458, %cond3A_459 : i32
      scf.if %cond3A_460 {
        %dma_start3A_461 = arith.constant 0 : i32
        %dma_start3A_462 = tpu.memref_slice %arg14[%select_n3A_212, %dma_start3A_461] : memref<2x2048xf32, #tpu.memory_space<vmem>> -> memref<1x2048xf32, #tpu.memory_space<vmem>>
        %dma_start3A_463 = tpu.memref_squeeze %dma_start3A_462 : memref<1x2048xf32, #tpu.memory_space<vmem>> -> memref<2048xf32, #tpu.memory_space<vmem>>
        %dma_start3A_464 = tpu.memref_slice %arg6[%multiple_of3A_277] : memref<2097152xf32, #tpu.memory_space<hbm>> -> memref<2048xf32, #tpu.memory_space<hbm>>
        %dma_start3A_465 = tpu.memref_slice %arg22[%select_n3A_212] : memref<2x!tpu.dma_semaphore, #tpu.memory_space<semaphore_mem>> -> memref<1x!tpu.dma_semaphore, #tpu.memory_space<semaphore_mem>>
        %dma_start3A_466 = tpu.memref_squeeze %dma_start3A_465 : memref<1x!tpu.dma_semaphore, #tpu.memory_space<semaphore_mem>> -> memref<!tpu.dma_semaphore, #tpu.memory_space<semaphore_mem>>
        %dma_start3A_467 = tpu.memref_slice %arg6[%multiple_of3A_277] : memref<2097152xf32, #tpu.memory_space<hbm>> -> memref<2048xf32, #tpu.memory_space<hbm>>
        %dma_start3A_468 = arith.constant 0 : i32
        %dma_start3A_469 = tpu.memref_slice %arg14[%select_n3A_212, %dma_start3A_468] : memref<2x2048xf32, #tpu.memory_space<vmem>> -> memref<1x2048xf32, #tpu.memory_space<vmem>>
        %dma_start3A_470 = tpu.memref_squeeze %dma_start3A_469 : memref<1x2048xf32, #tpu.memory_space<vmem>> -> memref<2048xf32, #tpu.memory_space<vmem>>
        tpu.enqueue_dma source(%dma_start3A_470 : memref<2048xf32, #tpu.memory_space<vmem>>) target(%dma_start3A_467 : memref<2048xf32, #tpu.memory_space<hbm>>) target_semaphore(%dma_start3A_466 : memref<!tpu.dma_semaphore, #tpu.memory_space<semaphore_mem>>)
      } else {
      }
      scf.yield %while3A_453#1, %while3A_453#2, %while3A_453#3, %mul3A_454, %while3A_453#5, %while3A_453#6, %while3A_453#7, %while3A_453#8, %while3A_453#9 : i32, i32, i32, f32, vector<16xf32>, vector<16xf32>, vector<16xf32>, vector<16xf32>, vector<16xf32>
    }
    %sub3A_165 = arith.constant 2 : i32
    %sub3A_166 = arith.subi %max3A, %sub3A_165 : i32
    %ge3A = arith.cmpi sge, %sub3A_166, %min3A_25 : i32
    %ge3A_167 = arith.cmpi sge, %sub3A_166, %select_n3A_53 : i32
    %and3A_168 = arith.andi %ge3A, %ge3A_167 : i1
    %lt3A = arith.cmpi slt, %sub3A_166, %select_n3A_81 : i32
    %and3A_169 = arith.andi %and3A_168, %lt3A : i1
    %convert_element_type3A = arith.extui %and3A_169 : i1 to i32
    %cond3A = arith.constant 0 : i32
    %cond3A_170 = arith.cmpi ne, %convert_element_type3A, %cond3A : i32
    scf.if %cond3A_170 {
      %max3A_187 = arith.constant 0 : i32
      %max3A_188 = arith.maxsi %sub3A_166, %max3A_187 : i32
      %mul3A_189 = arith.constant 2048 : i32
      %mul3A_190 = arith.muli %max3A_188, %mul3A_189 : i32
      %multiple_of3A_191 = tpu.assume_multiple %mul3A_190, 2048 : i32
      %sub3A_192 = arith.subi %sub3A_166, %min3A_25 : i32
      %jit3A_193 = arith.constant 2 : i32
      %eq3A = arith.constant 0 : i32
      %eq3A_194 = arith.cmpi eq, %jit3A_193, %eq3A : i32
      %jit3A_195 = arith.constant 1 : i32
      %select_n3A_196 = arith.select %eq3A_194, %jit3A_195, %jit3A_193 : i32
      %rem3A_197 = arith.remsi %sub3A_192, %select_n3A_196 : i32
      %ne3A_198 = arith.constant 0 : i32
      %ne3A_199 = arith.cmpi ne, %rem3A_197, %ne3A_198 : i32
      %lt3A_200 = arith.constant 0 : i32
      %lt3A_201 = arith.cmpi slt, %rem3A_197, %lt3A_200 : i32
      %lt3A_202 = arith.constant 0 : i32
      %lt3A_203 = arith.cmpi slt, %select_n3A_196, %lt3A_202 : i32
      %ne3A_204 = arith.xori %lt3A_201, %lt3A_203 : i1
      %and3A_205 = arith.andi %ne3A_204, %ne3A_199 : i1
      %add3A_206 = arith.addi %rem3A_197, %select_n3A_196 : i32
      %select_n3A_207 = arith.select %and3A_205, %add3A_206, %rem3A_197 : i32
      %dma_wait3A = arith.constant 0 : i32
      %dma_wait3A_208 = tpu.memref_slice %arg14[%select_n3A_207, %dma_wait3A] : memref<2x2048xf32, #tpu.memory_space<vmem>> -> memref<1x2048xf32, #tpu.memory_space<vmem>>
      %dma_wait3A_209 = tpu.memref_squeeze %dma_wait3A_208 : memref<1x2048xf32, #tpu.memory_space<vmem>> -> memref<2048xf32, #tpu.memory_space<vmem>>
      %dma_wait3A_210 = tpu.memref_slice %arg6[%multiple_of3A_191] : memref<2097152xf32, #tpu.memory_space<hbm>> -> memref<2048xf32, #tpu.memory_space<hbm>>
      %dma_wait3A_211 = tpu.memref_slice %arg22[%select_n3A_207] : memref<2x!tpu.dma_semaphore, #tpu.memory_space<semaphore_mem>> -> memref<1x!tpu.dma_semaphore, #tpu.memory_space<semaphore_mem>>
      %dma_wait3A_212 = tpu.memref_squeeze %dma_wait3A_211 : memref<1x!tpu.dma_semaphore, #tpu.memory_space<semaphore_mem>> -> memref<!tpu.dma_semaphore, #tpu.memory_space<semaphore_mem>>
      %dma_wait3A_213 = tpu.memref_slice %arg6[%multiple_of3A_191] : memref<2097152xf32, #tpu.memory_space<hbm>> -> memref<2048xf32, #tpu.memory_space<hbm>>
      %dma_wait3A_214 = arith.constant 0 : i32
      %dma_wait3A_215 = tpu.memref_slice %arg14[%select_n3A_207, %dma_wait3A_214] : memref<2x2048xf32, #tpu.memory_space<vmem>> -> memref<1x2048xf32, #tpu.memory_space<vmem>>
      %dma_wait3A_216 = tpu.memref_squeeze %dma_wait3A_215 : memref<1x2048xf32, #tpu.memory_space<vmem>> -> memref<2048xf32, #tpu.memory_space<vmem>>
      tpu.wait_dma2 semaphore(%dma_wait3A_212 : memref<!tpu.dma_semaphore, #tpu.memory_space<semaphore_mem>>) src(%dma_wait3A_216 : memref<2048xf32, #tpu.memory_space<vmem>>) dst(%dma_wait3A_213 : memref<2048xf32, #tpu.memory_space<hbm>>)
    } else {
    }
    %sub3A_171 = arith.constant 1 : i32
    %sub3A_172 = arith.subi %max3A, %sub3A_171 : i32
    %ge3A_173 = arith.cmpi sge, %sub3A_172, %min3A_25 : i32
    %ge3A_174 = arith.cmpi sge, %sub3A_172, %select_n3A_53 : i32
    %and3A_175 = arith.andi %ge3A_173, %ge3A_174 : i1
    %lt3A_176 = arith.cmpi slt, %sub3A_172, %select_n3A_81 : i32
    %and3A_177 = arith.andi %and3A_175, %lt3A_176 : i1
    %convert_element_type3A_178 = arith.extui %and3A_177 : i1 to i32
    %cond3A_179 = arith.constant 0 : i32
    %cond3A_180 = arith.cmpi ne, %convert_element_type3A_178, %cond3A_179 : i32
    scf.if %cond3A_180 {
      %max3A_187 = arith.constant 0 : i32
      %max3A_188 = arith.maxsi %sub3A_172, %max3A_187 : i32
      %mul3A_189 = arith.constant 2048 : i32
      %mul3A_190 = arith.muli %max3A_188, %mul3A_189 : i32
      %multiple_of3A_191 = tpu.assume_multiple %mul3A_190, 2048 : i32
      %sub3A_192 = arith.subi %sub3A_172, %min3A_25 : i32
      %jit3A_193 = arith.constant 2 : i32
      %eq3A = arith.constant 0 : i32
      %eq3A_194 = arith.cmpi eq, %jit3A_193, %eq3A : i32
      %jit3A_195 = arith.constant 1 : i32
      %select_n3A_196 = arith.select %eq3A_194, %jit3A_195, %jit3A_193 : i32
      %rem3A_197 = arith.remsi %sub3A_192, %select_n3A_196 : i32
      %ne3A_198 = arith.constant 0 : i32
      %ne3A_199 = arith.cmpi ne, %rem3A_197, %ne3A_198 : i32
      %lt3A_200 = arith.constant 0 : i32
      %lt3A_201 = arith.cmpi slt, %rem3A_197, %lt3A_200 : i32
      %lt3A_202 = arith.constant 0 : i32
      %lt3A_203 = arith.cmpi slt, %select_n3A_196, %lt3A_202 : i32
      %ne3A_204 = arith.xori %lt3A_201, %lt3A_203 : i1
      %and3A_205 = arith.andi %ne3A_204, %ne3A_199 : i1
      %add3A_206 = arith.addi %rem3A_197, %select_n3A_196 : i32
      %select_n3A_207 = arith.select %and3A_205, %add3A_206, %rem3A_197 : i32
      %dma_wait3A = arith.constant 0 : i32
      %dma_wait3A_208 = tpu.memref_slice %arg14[%select_n3A_207, %dma_wait3A] : memref<2x2048xf32, #tpu.memory_space<vmem>> -> memref<1x2048xf32, #tpu.memory_space<vmem>>
      %dma_wait3A_209 = tpu.memref_squeeze %dma_wait3A_208 : memref<1x2048xf32, #tpu.memory_space<vmem>> -> memref<2048xf32, #tpu.memory_space<vmem>>
      %dma_wait3A_210 = tpu.memref_slice %arg6[%multiple_of3A_191] : memref<2097152xf32, #tpu.memory_space<hbm>> -> memref<2048xf32, #tpu.memory_space<hbm>>
      %dma_wait3A_211 = tpu.memref_slice %arg22[%select_n3A_207] : memref<2x!tpu.dma_semaphore, #tpu.memory_space<semaphore_mem>> -> memref<1x!tpu.dma_semaphore, #tpu.memory_space<semaphore_mem>>
      %dma_wait3A_212 = tpu.memref_squeeze %dma_wait3A_211 : memref<1x!tpu.dma_semaphore, #tpu.memory_space<semaphore_mem>> -> memref<!tpu.dma_semaphore, #tpu.memory_space<semaphore_mem>>
      %dma_wait3A_213 = tpu.memref_slice %arg6[%multiple_of3A_191] : memref<2097152xf32, #tpu.memory_space<hbm>> -> memref<2048xf32, #tpu.memory_space<hbm>>
      %dma_wait3A_214 = arith.constant 0 : i32
      %dma_wait3A_215 = tpu.memref_slice %arg14[%select_n3A_207, %dma_wait3A_214] : memref<2x2048xf32, #tpu.memory_space<vmem>> -> memref<1x2048xf32, #tpu.memory_space<vmem>>
      %dma_wait3A_216 = tpu.memref_squeeze %dma_wait3A_215 : memref<1x2048xf32, #tpu.memory_space<vmem>> -> memref<2048xf32, #tpu.memory_space<vmem>>
      tpu.wait_dma2 semaphore(%dma_wait3A_212 : memref<!tpu.dma_semaphore, #tpu.memory_space<semaphore_mem>>) src(%dma_wait3A_216 : memref<2048xf32, #tpu.memory_space<vmem>>) dst(%dma_wait3A_213 : memref<2048xf32, #tpu.memory_space<hbm>>)
    } else {
    }
    %scan3A = arith.constant 0 : i32
    %scan3A_181 = arith.constant 0 : i32
    %scan3A_182 = arith.constant 96 : i32
    %scan3A_183 = arith.addi %scan3A_181, %scan3A_182 : i32
    %scan3A_184 = arith.constant 1 : i32
    %scan3A_185 = scf.for %scan3A_187 = %scan3A_181 to %scan3A_183 step %scan3A_184 iter_args(%scan3A_188 = %scan3A) -> (i32)  : i32 {
      %mul3A_189 = arith.constant 16 : i32
      %mul3A_190 = arith.muli %scan3A_187, %mul3A_189 : i32
      %add3A_191 = vector.broadcast %mul3A_190 : i32 to vector<16xi32>
      %add3A_192 = arith.addi %iota3A, %add3A_191 : vector<16xi32>
      %jit3A_193 = arith.constant 3 : i32
      %div3A_194 = vector.broadcast %jit3A_193 : i32 to vector<16xi32>
      %div3A_195 = arith.divsi %add3A_192, %div3A_194 : vector<16xi32>
      %sign3A_196 = arith.constant 0 : i32
      %sign3A_197 = vector.broadcast %sign3A_196 : i32 to vector<16xi32>
      %sign3A_198 = arith.cmpi sgt, %add3A_192, %sign3A_197 : vector<16xi32>
      %sign3A_199 = arith.extui %sign3A_198 : vector<16xi1> to vector<16xi32>
      %sign3A_200 = arith.constant 0 : i32
      %sign3A_201 = vector.broadcast %sign3A_200 : i32 to vector<16xi32>
      %sign3A_202 = arith.cmpi slt, %add3A_192, %sign3A_201 : vector<16xi32>
      %sign3A_203 = arith.extui %sign3A_202 : vector<16xi1> to vector<16xi32>
      %sign3A_204 = arith.subi %sign3A_199, %sign3A_203 : vector<16xi32>
      %sign3A_205 = arith.constant 0 : i32
      %sign3A_206 = arith.cmpi sgt, %jit3A_193, %sign3A_205 : i32
      %sign3A_207 = arith.extui %sign3A_206 : i1 to i32
      %sign3A_208 = arith.constant 0 : i32
      %sign3A_209 = arith.cmpi slt, %jit3A_193, %sign3A_208 : i32
      %sign3A_210 = arith.extui %sign3A_209 : i1 to i32
      %sign3A_211 = arith.subi %sign3A_207, %sign3A_210 : i32
      %ne3A_212 = vector.broadcast %sign3A_211 : i32 to vector<16xi32>
      %ne3A_213 = arith.cmpi ne, %sign3A_204, %ne3A_212 : vector<16xi32>
      %rem3A_214 = vector.broadcast %jit3A_193 : i32 to vector<16xi32>
      %rem3A_215 = arith.remsi %add3A_192, %rem3A_214 : vector<16xi32>
      %ne3A_216 = arith.constant 0 : i32
      %ne3A_217 = vector.broadcast %ne3A_216 : i32 to vector<16xi32>
      %ne3A_218 = arith.cmpi ne, %rem3A_215, %ne3A_217 : vector<16xi32>
      %and3A_219 = arith.andi %ne3A_213, %ne3A_218 : vector<16xi1>
      %sub3A_220 = arith.constant 1 : i32
      %sub3A_221 = vector.broadcast %sub3A_220 : i32 to vector<16xi32>
      %sub3A_222 = arith.subi %div3A_195, %sub3A_221 : vector<16xi32>
      %select_n3A_223 = arith.select %and3A_219, %sub3A_222, %div3A_195 : vector<16xi1>, vector<16xi32>
      %mul3A_224 = arith.constant 3 : i32
      %mul3A_225 = vector.broadcast %mul3A_224 : i32 to vector<16xi32>
      %mul3A_226 = arith.muli %select_n3A_223, %mul3A_225 : vector<16xi32>
      %sub3A_227 = arith.subi %add3A_192, %mul3A_226 : vector<16xi32>
      %gather3A_228 = tpu.vector_load_idx %arg20[%select_n3A_223, %sub3A_227] : memref<512x3xf32, #tpu.memory_space<vmem>>[vector<16xi32>, vector<16xi32>], vector<16xf32>,
      %gather3A_229 = tpu.vector_load_idx %arg18[%select_n3A_223] : memref<512xf32, #tpu.memory_space<vmem>>[vector<16xi32>], vector<16xf32>,
      %sub3A_230 = arith.constant 1.000000e+00 : f32
      %sub3A_231 = vector.broadcast %sub3A_230 : f32 to vector<16xf32>
      %sub3A_232 = arith.subf %sub3A_231, %gather3A_229 : vector<16xf32>
      %mul3A_233 = arith.constant 1.000000e+00 : f32
      %mul3A_234 = vector.broadcast %mul3A_233 : f32 to vector<16xf32>
      %mul3A_235 = arith.mulf %sub3A_232, %mul3A_234 : vector<16xf32>
      %add3A_236 = arith.addf %gather3A_228, %mul3A_235 : vector<16xf32>
      tpu.vector_store_idx %arg20[%select_n3A_223, %sub3A_227], %add3A_236 : memref<512x3xf32, #tpu.memory_space<vmem>>[vector<16xi32>, vector<16xi32>], vector<16xf32>,
      %scan3A_237 = arith.constant 0 : i32
      scf.yield %scan3A_237 : i32
    }
    %scan3A_186 = arith.constant 96 : i32
    "tpu.region"() ({
      %run_scoped3A = tpu.sem_alloc : memref<!tpu.dma_semaphore, #tpu.memory_space<semaphore_mem>>
      %dma_start3A_187 = tpu.memref_slice %arg7[%mul3A_2] : memref<16384xf32, #tpu.memory_space<hbm>> -> memref<512xf32, #tpu.memory_space<hbm>>
      %dma_start3A_188 = tpu.memref_slice %arg7[%mul3A_2] : memref<16384xf32, #tpu.memory_space<hbm>> -> memref<512xf32, #tpu.memory_space<hbm>>
      tpu.enqueue_dma source(%arg18 : memref<512xf32, #tpu.memory_space<vmem>>) target(%dma_start3A_188 : memref<512xf32, #tpu.memory_space<hbm>>) target_semaphore(%run_scoped3A : memref<!tpu.dma_semaphore, #tpu.memory_space<semaphore_mem>>)
      %dma_wait3A = tpu.memref_slice %arg7[%mul3A_2] : memref<16384xf32, #tpu.memory_space<hbm>> -> memref<512xf32, #tpu.memory_space<hbm>>
      %dma_wait3A_189 = tpu.memref_slice %arg7[%mul3A_2] : memref<16384xf32, #tpu.memory_space<hbm>> -> memref<512xf32, #tpu.memory_space<hbm>>
      tpu.wait_dma2 semaphore(%run_scoped3A : memref<!tpu.dma_semaphore, #tpu.memory_space<semaphore_mem>>) src(%arg18 : memref<512xf32, #tpu.memory_space<vmem>>) dst(%dma_wait3A_189 : memref<512xf32, #tpu.memory_space<hbm>>)
      tpu.yield
    }) : () -> ()
    "tpu.region"() ({
      %run_scoped3A = tpu.sem_alloc : memref<!tpu.dma_semaphore, #tpu.memory_space<semaphore_mem>>
      %dma_start3A_187 = tpu.memref_slice %arg8[%mul3A_2] : memref<16384xf32, #tpu.memory_space<hbm>> -> memref<512xf32, #tpu.memory_space<hbm>>
      %dma_start3A_188 = tpu.memref_slice %arg8[%mul3A_2] : memref<16384xf32, #tpu.memory_space<hbm>> -> memref<512xf32, #tpu.memory_space<hbm>>
      tpu.enqueue_dma source(%arg19 : memref<512xf32, #tpu.memory_space<vmem>>) target(%dma_start3A_188 : memref<512xf32, #tpu.memory_space<hbm>>) target_semaphore(%run_scoped3A : memref<!tpu.dma_semaphore, #tpu.memory_space<semaphore_mem>>)
      %dma_wait3A = tpu.memref_slice %arg8[%mul3A_2] : memref<16384xf32, #tpu.memory_space<hbm>> -> memref<512xf32, #tpu.memory_space<hbm>>
      %dma_wait3A_189 = tpu.memref_slice %arg8[%mul3A_2] : memref<16384xf32, #tpu.memory_space<hbm>> -> memref<512xf32, #tpu.memory_space<hbm>>
      tpu.wait_dma2 semaphore(%run_scoped3A : memref<!tpu.dma_semaphore, #tpu.memory_space<semaphore_mem>>) src(%arg19 : memref<512xf32, #tpu.memory_space<vmem>>) dst(%dma_wait3A_189 : memref<512xf32, #tpu.memory_space<hbm>>)
      tpu.yield
    }) : () -> ()
    "tpu.region"() ({
      %run_scoped3A = tpu.sem_alloc : memref<!tpu.dma_semaphore, #tpu.memory_space<semaphore_mem>>
      %dma_start3A_187 = arith.constant 0 : i32
      %dma_start3A_188 = tpu.memref_slice %arg9[%mul3A_2, %dma_start3A_187] : memref<16384x3xf32, #tpu.memory_space<hbm>> -> memref<512x3xf32, #tpu.memory_space<hbm>>
      %dma_start3A_189 = arith.constant 0 : i32
      %dma_start3A_190 = tpu.memref_slice %arg9[%mul3A_2, %dma_start3A_189] : memref<16384x3xf32, #tpu.memory_space<hbm>> -> memref<512x3xf32, #tpu.memory_space<hbm>>
      tpu.enqueue_dma source(%arg20 : memref<512x3xf32, #tpu.memory_space<vmem>>) target(%dma_start3A_190 : memref<512x3xf32, #tpu.memory_space<hbm>>) target_semaphore(%run_scoped3A : memref<!tpu.dma_semaphore, #tpu.memory_space<semaphore_mem>>)
      %dma_wait3A = arith.constant 0 : i32
      %dma_wait3A_191 = tpu.memref_slice %arg9[%mul3A_2, %dma_wait3A] : memref<16384x3xf32, #tpu.memory_space<hbm>> -> memref<512x3xf32, #tpu.memory_space<hbm>>
      %dma_wait3A_192 = arith.constant 0 : i32
      %dma_wait3A_193 = tpu.memref_slice %arg9[%mul3A_2, %dma_wait3A_192] : memref<16384x3xf32, #tpu.memory_space<hbm>> -> memref<512x3xf32, #tpu.memory_space<hbm>>
      tpu.wait_dma2 semaphore(%run_scoped3A : memref<!tpu.dma_semaphore, #tpu.memory_space<semaphore_mem>>) src(%arg20 : memref<512x3xf32, #tpu.memory_space<vmem>>) dst(%dma_wait3A_193 : memref<512x3xf32, #tpu.memory_space<hbm>>)
      tpu.yield
    }) : () -> ()
    return
  }
}

</mosaic_0001>

<sc_bundles>
// kernel: kernel.3.cloned.1.call-start
scs
__scs_entry_jumppad:
0x0: {  	(pc) =	sbr.rel $0x88, $3  }
0x1: {  	(tag) =	ssettag $0x0;
	lr =	simm.s32 $0x1  }
0x2: {  	[smem:$0x3F9D] =	sst lr;
	_ =	strace $0xD0000000  }
0x3: {  	_ = 	snop  }
0x4: {  	_ = 	snop  }
0x5: {  	_ = 	snop  }
0x6: {  	_ = 	snop  }
0x7: {  	_ = 	snop  }
__scs_overlays_trampoline_lowered:
0x8: {  	[smem:$0x3FAC] =	sst s0  }
0x9: {  	[smem:$0x3FAD] =	sst s1  }
0xa: {  	[smem:$0x3FAE] =	sst s2  }
0xb: {  	[smem:$0x3FAF] =	sst s3  }
0xc: {  	[smem:$0x3FB0] =	sst s4  }
0xd: {  	[smem:$0x3FB1] =	sst s5  }
0xe: {  	[smem:$0x3FB2] =	sst s6  }
0xf: {  	[smem:$0x3FB3] =	sst s7  }
0x10: {  	[smem:$0x3FB4] =	sst s8  }
0x11: {  	[smem:$0x3FB5] =	sst s9;
	s0 =	simm.s32 @!p0 $0x0  }
0x12: {  	s1 =	sld [smem:$0x3F9B];
	s0 =	simm.s32 @p0 $0x1  }
0x13: {  	[smem:$0x3FB6] =	sst s0;
	s0 =	simm.s32 @!p1 $0x0  }
0x14: {  	s2 =	sld [smem:$0x3F9A];
	s0 =	simm.s32 @p1 $0x1  }
0x15: {  	[smem:$0x3FB7] =	sst s0;
	s0 =	simm.s32 @!p2 $0x0  }
0x16: {  	s3 =	sld [smem:$0x3FDB];
	s0 =	simm.s32 @p2 $0x1  }
0x17: {  	s4 =	simm.s32 $0x1BF5;
	[smem:$0x3FB9] =	sst s0  }
0x18: {  	s0 =	sld [smem:$0x3F9C];
	_ =	swait.ge [sflag:s4], $0x0  }
0x19: {  	s7 =	sld [smem:$0x3F9D]  }
0x1a: {  	s8 =	sadd.s32 $0xFFFFE003, lr  }
0x1b: {  	s9 =	sadd.s32 $0xFFFFFEF7, lr;
	s5 =	simm.s32 $0xFFFFFFFF;
	p2 =	slt.u32 s8, $0xFFFFF086  }
0x1c: {  	p1 =	slt.u32 s9, $0xF7A;
	s5 =	simm.s32 @!p2 $0x0  }
0x1d: {  	s5 =	simm.s32 @p1 $0x1;
	p0 =	seq.s32 s7, s2  }
0x1e: {  	s7 =	smul.u32 @!p0 $0xF7A, s2;
	p2 =	seq.s32 @!p0 s5, $0x0  }
0x1f: {  	s9 =	smul.u32 $0xF7A, s1;
	s8 =	simm.s32 @!p0 $0x1BF5;
	p2 =	por !p2, p0  }
0x20: {  	[sflag:s8] =	ssyncset.s32 @!p0 $0xFFFFF086;
	s6 =	sadd.s32 @!p0 s3, s7;
	s7 =	simm.s32 @!p0 $0x108  }
0x21: {  	s3 =	sadd.s32 s3, s9;
	s6 =	sadd.s32 @!p0 $0x88, s6;
	s7 =	simm.s32 @p2 $0x1082  }
0x22: {  	[simem:s7], [sflag:s8] =	dma.local @!p0 [hbm:s6], $0xF7A  }
0x23: {  	s9 =	sor.u32 $0xD0000000, s2;
	s6 =	simm.s32 $0x108;
	_ =	swait.ge @!p0 [sflag:s8], $0x0  }
0x24: {  	s3 =	sadd.s32 $0x88, s3;
	s6 =	simm.s32 @!p1 $0x1082;
	[sflag:s4] =	ssyncset.s32 $0xFFFFF086  }
0x25: {  	[simem:s6], [sflag:s4] =	dma.local [hbm:s3], $0xF7A  }
0x26: {  	[smem:$0x3F9D] =	sst s1;
	(tag) =	ssettag s2;
	_ =	strace s9  }
0x27: {  	s1 =	sld [smem:$0x3FAD]  }
0x28: {  	s2 =	sld [smem:$0x3FAE]  }
0x29: {  	s4 =	sld [smem:$0x3FB0]  }
0x2a: {  	p0 =	seq.s32 s5, $0x0;
	s5 =	sld [smem:$0x3FB1]  }
0x2b: {  	s6 =	sld [smem:$0x3FB2]  }
0x2c: {  	s7 =	sld [smem:$0x3FB3]  }
0x2d: {  	s3 =	simm.s32 $0x108;
	s8 =	sld [smem:$0x3FB4]  }
0x2e: {  	s3 =	simm.s32 @!p0 $0x1082;
	s9 =	sld [smem:$0x3FB5]  }
0x2f: {  	lr =	sadd.s32 s0, s3;
	s0 =	sld [smem:$0x3FAC]  }
0x30: {  	s3 =	sld [smem:$0x3FAF]  }
0x31: {  	[smem:$0x3FB8] =	sst s10  }
0x32: {  	s10 =	sld [smem:$0x3FB6];
	_ =	sdelay $0x3  }
0x33: {  	p0 =	seq.s32 s10, $0x1;
	s10 =	sld [smem:$0x3FB8];
	_ =	sdelay $0x3  }
0x34: {  	[smem:$0x3FB8] =	sst s10  }
0x35: {  	s10 =	sld [smem:$0x3FB7];
	_ =	sdelay $0x3  }
0x36: {  	p1 =	seq.s32 s10, $0x1;
	s10 =	sld [smem:$0x3FB8];
	_ =	sdelay $0x3  }
0x37: {  	[smem:$0x3FB8] =	sst s10  }
0x38: {  	s10 =	sld [smem:$0x3FB9]  }
0x39: {  	_ = 	snop;
	(pc) =	sbr.ind lr, $3  }
0x3a: {  	_ = 	snop  }
0x3b: {  	_ = 	snop  }
0x3c: {  	p2 =	seq.s32 s10, $0x1;
	s10 =	sld [smem:$0x3FB8]  }
0x3d: {  	_ =	shalt  }
0x3e: {  	_ =	shalt  }
0x3f: {  	_ =	shalt  }
0x40: {  	_ =	shalt  }
0x41: {  	_ =	shalt  }
0x42: {  	_ =	shalt  }
0x43: {  	_ =	shalt  }
0x44: {  	_ =	shalt  }
0x45: {  	_ =	shalt  }
0x46: {  	_ =	shalt  }
0x47: {  	_ =	shalt  }
0x48: {  	_ =	shalt  }
0x49: {  	_ =	shalt  }
0x4a: {  	_ =	shalt  }
0x4b: {  	_ =	shalt  }
0x4c: {  	_ =	shalt  }
0x4d: {  	_ =	shalt  }
0x4e: {  	_ =	shalt  }
0x4f: {  	_ =	shalt  }
0x50: {  	_ =	shalt  }
0x51: {  	_ =	shalt  }
0x52: {  	_ =	shalt  }
0x53: {  	_ =	shalt  }
0x54: {  	_ =	shalt  }
0x55: {  	_ =	shalt  }
0x56: {  	_ =	shalt  }
0x57: {  	_ =	shalt  }
0x58: {  	_ =	shalt  }
0x59: {  	_ =	shalt  }
0x5a: {  	_ =	shalt  }
0x5b: {  	_ =	shalt  }
0x5c: {  	_ =	shalt  }
0x5d: {  	_ =	shalt  }
0x5e: {  	_ =	shalt  }
0x5f: {  	_ =	shalt  }
0x60: {  	_ =	shalt  }
0x61: {  	_ =	shalt  }
0x62: {  	_ =	shalt  }
0x63: {  	_ =	shalt  }
0x64: {  	_ =	shalt  }
0x65: {  	_ =	shalt  }
0x66: {  	_ =	shalt  }
0x67: {  	_ =	shalt  }
0x68: {  	_ =	shalt  }
0x69: {  	_ =	shalt  }
0x6a: {  	_ =	shalt  }
0x6b: {  	_ =	shalt  }
0x6c: {  	_ =	shalt  }
0x6d: {  	_ =	shalt  }
0x6e: {  	_ =	shalt  }
0x6f: {  	_ =	shalt  }
0x70: {  	_ =	shalt  }
0x71: {  	_ =	shalt  }
0x72: {  	_ =	shalt  }
0x73: {  	_ =	shalt  }
0x74: {  	_ =	shalt  }
0x75: {  	_ =	shalt  }
0x76: {  	_ =	shalt  }
0x77: {  	_ =	shalt  }
0x78: {  	_ =	shalt  }
0x79: {  	_ =	shalt  }
0x7a: {  	_ =	shalt  }
0x7b: {  	_ =	shalt  }
0x7c: {  	_ =	shalt  }
0x7d: {  	_ =	shalt  }
0x7e: {  	_ =	shalt  }
0x7f: {  	_ =	shalt  }
0x80: {  	_ =	shalt  }
0x81: {  	_ =	shalt  }
0x82: {  	_ =	shalt  }
0x83: {  	_ =	shalt  }
0x84: {  	_ =	shalt  }
0x85: {  	_ =	shalt  }
0x86: {  	_ =	shalt  }
0x87: {  	_ =	shalt  }
.Lfunc_end0:
.L_simem_size_0:
called_computation_lowered:
.L_overlay_start_0:
0x88: {  	s2 =	sld [smem:$0x3FD9]  }
0x89: {  	s3 =	sld [smem:$0x3FFE];
	_ =	sdelay $0x1  }
0x8a: {  	s1 =	srdreg.scid  }
0x8b: {  	s0 =	sand.u32 $0x1, s1  }
0x8c: {  	s14 =	sshll.u32 s0, $0xA;
	s2 =	sadd.s32 s3, s2  }
0x8d: {  	s2 =	sadd.s32 s2, s14  }
0x8e: {  	[smem:$0x3FC4] =	sst s2  }
0x8f: {  	_ = 	snop  }
0x90: {  	s2 =	sld [smem:$0x3FD0];
	_ =	sdelay $0x1  }
0x91: {  	s15 =	sld [smem:$0x3FC9]  }
0x92: {  	s5 =	simm.s32 $0xA;
	s6 =	simm.s32 $0x10;
	s4 =	sld [smem:$0x3FC7]  }
0x93: {  	[smem:s6], [sflag:s5] =	dma.local [hbm:s2], $0x1  }
0x94: {  	_ =	swait.eq [sflag:s5], $0x1  }
0x95: {  	s16 =	sld [smem:$0x10]  }
0x96: {  	s17 =	sld [smem:$0x11];
	[sflag:s5] =	ssyncset.done $0x0  }
0x97: {  	s7 =	sld [smem:$0x12];
	[sflag:s5] =	ssyncadd.s32 $0xFFFFFFFF  }
0x98: {  	s18 =	sld [smem:$0x13];
	(tm) =	ssettm $0x1  }
0x99: {  	s8 =	sld [smem:$0x3FFB];
	_ =	sdelay $0x3  }
0x9a: {  	_ =	strace s8  }
0x9b: {  	s8 =	sld [smem:$0x3FFC];
	_ =	sdelay $0x3  }
0x9c: {  	_ =	strace s8  }
0x9d: {  	s8 =	sld [smem:$0x3FFD];
	_ =	sdelay $0x3  }
0x9e: {  	_ =	strace s8  }
0x9f: {  	_ =	strace $0x8FFFFFFF  }
0xa0: {  	s19 =	sld [smem:$0x3FDB];
	_ =	sdelay $0x1  }
0xa1: {  	s9 =	simm.s32 $_scs_section_size  }
0xa2: {  	s10 =	simm.s32 $_size__tile_overlayer_lowered;
	s11 =	simm.s32 $_tile_overlayer_lowered  }
0xa3: {  	s22 =	simm.s32 $0x1BFF;
	s21 =	sshll.u32 s11, $0x1;
	s8 =	sadd.s32 s9, s19  }
0xa4: {  	s12 =	simm.s32 $0x0;
	s20 =	sshll.u32 s10, $0x1;
	s10 =	sadd.s32 s21, s8  }
0xa5: {  	[timem:s12], [sflag:s22] =	dma.local [hbm:s10], s20  }
0xa6: {  	_ =	swait.ge [sflag:s22], s20  }
0xa7: {  	s9 =	ssub.s32 $0x0, s20;
	[sflag:s22] =	ssyncset.done $0x0  }
0xa8: {  	[sflag:s22] =	ssyncadd.s32 s9;
	_ =	sdelay $0x1  }
0xa9: {  	s23 =	simm.s32 $0x1B8B  }
0xaa: {  	_ =	swait.ge [sflag:s23], $0x1  }
0xab: {  	[sflag:s23] =	ssyncset.done $0x0  }
0xac: {  	s25 =	simm.s32 $0x1B8E;
	s24 =	sld [smem:$0x3FFE];
	[sflag:s23] =	ssyncadd.s32 $0xFFFFFFFF  }
0xad: {  	s26 =	simm.s32 $execute0_lowered;
	[smem:$0x3FD2] =	sst s25  }
0xae: {  	s10 =	sshll.u32 s26, $0x1;
	_ =	strace $0x80000046;
	[dreg:$0x1] =	wrdreg $0xFFFFFFFF  }
0xaf: {  	s28 =	simm.s32 $_size_execute0_lowered;
	s8 =	sadd.s32 s8, s10;
	[dreg:$0x0] =	wrdreg $0x0  }
0xb0: {  	s10 =	sshll.u32 s28, $0x1;
	[dreg:$0x2] =	wrdreg s8  }
0xb1: {  	[dreg:$0x3] =	wrdreg s10  }
0xb2: {  	[dreg:$0x4] =	wrdreg $0xC0  }
0xb3: {  	_ =	task [dreg:s12], $0x5FFFF  }
0xb4: {  	[dreg:$0x1] =	wrdreg $0xFFFFFFFF  }
0xb5: {  	[dreg:$0x0] =	wrdreg $0x60  }
0xb6: {  	[dreg:$0x2] =	wrdreg s15  }
0xb7: {  	[dreg:$0x3] =	wrdreg s4  }
0xb8: {  	[dreg:$0x4] =	wrdreg s24  }
0xb9: {  	[dreg:$0x5] =	wrdreg s18  }
0xba: {  	[dreg:$0x6] =	wrdreg s16  }
0xbb: {  	[dreg:$0x7] =	wrdreg s17  }
0xbc: {  	[dreg:$0x8] =	wrdreg s7  }
0xbd: {  	[dreg:$0x9] =	wrdreg $0x9  }
0xbe: {  	_ =	task.clear_ibuf [dreg:s12], $0xAFFFF;
	_ =	strace $0x90000046  }
0xbf: {  	s29 =	simm.s32 $0x9;
	_ =	strace $0x80000048  }
0xc0: {  	_ =	swait.ge [sflag:s29], $0x1  }
0xc1: {  	[sflag:s29] =	ssyncadd.s32 $0xFFFFFFFF  }
0xc2: {  	_ =	strace $0x90000048  }
0xc3: {  	_ =	sfence  }
0xc4: {  	s30 =	sld [smem:$0x0];
	_ =	sdelay $0x2  }
0xc5: {  	s31 =	sshll.u32 s1, $0xD;
	s1 =	sshrl.u32 s1, $0x2  }
0xc6: {  	s3 =	sand.u32 $0x4000, s31;
	s1 =	sadd.s32 s1, s30  }
0xc7: {  	s0 =	sor.u32 s3, s0;
	s1 =	sshll.u32 s1, $0x11  }
0xc8: {  	s0 =	sor.u32 s1, s0  }
0xc9: {  	s0 =	sadd.s32 $0x8F2B, s0  }
0xca: {  	[sflag:s0] =	ssyncadd.remote.s32 $0x1  }
0xcb: {  	_ =	sfence.sel $0xFFFF  }
0xcc: {  	[dreg:$0x0] =	wrdreg $0xFFFFFFFF;
	(pc) =	sbr.abs _section_cstart, $3  }
0xcd: {  	[dreg:$0x1] =	wrdreg $0xFFFFFFFF  }
0xce: {  	_ =	task.clear_ibuf [dreg:s12], $0x2FFFF;
	_ =	strace $0x9FFFFFFF  }
0xcf: {  	(tm) =	ssettm $0x7FFFFFFF  }
tec
execute0_lowered:
.L_overlay_start_1:
0x0: {  	(tag) =	ssettag $0x1  }
0x1: {  	s1 =	srdreg.scid  }
0x2: {  	s0 =	rddreg [dreg:$0x2];
	s3 =	stileid.u32;
	s1 =	sand.u32 $0x1, s1  }
0x3: {  	s2 =	rddreg [dreg:$0x5];
	s3 =	sshll.u32 s3, $0xA;
	s4 =	sshll.u32 s1, $0x9  }
0x4: {  	s5 =	rddreg [dreg:$0x6];
	s8 =	simm.s32 $0x0;
	s6 =	sor.u32 s4, s3  }
0x5: {  	vm0 =	vcmask $0x300;
	[smem:$0x7FF] =	sst s8;
	v0 =	vmov s6;
	s22 =	sadd.s32 $0x200, s6  }
0x6: {  	s26 =	sadd.s32 $0xA00, s0;
	s1 =	ssub.s32 $0x2, s1;
	_ =	strace $0x80000047;
	v2 =	vshrl.u32 v0, $0x3;
	v0 =	vimm.s32 $0x0;
	v1 =	vmov s22  }
0x7: {  	[dreg:$0x8] =	wrdreg s26;
	s29 =	sshrl.u32 s6, $0x3;
	s4 =	sadd.s32 $0xFFFFFFFF, s6;
	v3 =	vsel vm0, $0x3, v0;
	v4 =	vshrl.u32 v1, $0x3;
	v1 =	vlaneseq.u32  }
0x8: {  	s28 =	sshrl.u32 s1, $0x1;
	[dreg:$0x9] =	wrdreg s4;
	s2 =	sadd.s32 s2, s29;
	v2 =	vshll.u32 v2, v3;
	v12 =	vmul.u32 $0x10, v1  }
0x9: {  	s0 =	sadd.s32 s6, s0;
	s30 =	sadd.s32 s5, s29;
	[dreg:$0xa] =	wrdreg s2;
	v3 =	vshll.u32 v4, v3;
	v4 =	vimm.f32 $0.0e+00;
	v2 =	vbroadcast v2, $0x0  }
0xa: {  	s1 =	ssub.s32 s1, s28;
	s0 =	sadd.s32 $0xC0A00, s0;
	[dreg:$0xb] =	wrdreg s30;
	v3 =	vbroadcast v3, $0x0;
	v5 =	vor.u32 $0xF, v12;
	v6 =	vor.u32 $0x10F, v12  }
0xb: {  	s20 =	simm.s32 $0xC008;
	s31 =	smax.u32 s1, $0x1;
	[dreg:$0xc] =	wrdreg s0;
	v7 =	vor.u32 $0x20F, v12;
	v8 =	vor.u32 $0x30F, v12;
	v9 =	vor.u32 $0x40F, v12  }
0xc: {  	s1 =	simm.s32 $0x9;
	[dreg:$0xd] =	wrdreg s31;
	s2 =	simm.s32 $0x0;
	v10 =	vor.u32 $0x50F, v12;
	v11 =	vor.u32 $0x60F, v12;
	v12 =	vor.u32 $0x70F, v12  }
.LBB2_1:
0xd: {  	[dreg:$0xe] =	wrdreg s2  }
0xe: {  	s0 =	rddreg [dreg:$0x3]  }
0xf: {  	[tilespmem:s8], [sflag:$0x9] =	stream.linear.gather [hbm4b:s0+s8], $0x4008, $0x38;
	[tilespmem:$0xD488] =	vst v63  }
0x10: {  	_ =	swait.ge [sflag:s1], $0x4008  }
0x11: {  	[sflag:s1] =	ssyncset.done $0x0  }
0x12: {  	[sflag:s1] =	ssyncadd.s32 $0xFFFFBFF8  }
0x13: {  	v13 =	vld.idx.msk [tilespmem:v2+s8+$0x0], $0xffff;
	_ =	sdelay $0x4  }
0x14: {  	(v2sf) =	vpush v13, $0x0;
	_ =	sdelay $0x1  }
0x15: {  	v13 =	vld.idx.msk [tilespmem:v3+s8+$0x0], $0xffff;
	_ =	sdelay $0x4  }
0x16: {  	(v2sf) =	vpush v13, $0x0;
	_ =	sdelay $0x5  }
0x17: {  	s19 =	simm.s32 $0x4008  }
0x18: {  	s9 =	simm.s32 $0x5008;
	s29 =	simm.s32 $0x7008;
	s28 =	rddreg [dreg:$0x8]  }
0x19: {  	s1 =	simm.s32 $0x1;
	s18 =	rddreg [dreg:$0x0];
	s5 =	spop (v2sf)  }
0x1a: {  	s24 =	rddreg [dreg:$0x1];
	s10 =	sand.u32 $0x7FF, s5;
	s11 =	sshra.s32 s5, $0x1F  }
0x1b: {  	p0 =	slt.s32 s5, $0x1;
	s13 =	sadd.s32 $0x7FF, s5;
	p1 =	sne.s32 s10, $0x0  }
0x1c: {  	s12 =	sshrl.u32 s11, $0x15;
	s15 =	sshra.s32 s13, $0x1F;
	s3 =	sand.u32 $0x7FF, s13  }
0x1d: {  	p3 =	slt.s32 s13, $0x1;
	p0 =	por !p0, !p1;
	s0 =	sadd.s32 s12, s5  }
0x1e: {  	s2 =	sshrl.u32 s15, $0x15;
	p4 =	sne.s32 s3, $0x0;
	s12 =	smov.u32 s5  }
0x1f: {  	p0 =	por !p0, !p0;
	s0 =	sshra.s32 s0, $0xB;
	s2 =	sadd.s32 s2, s13  }
0x20: {  	s13 =	simm.f32 $1.000000000e+00;
	s1 =	simm.s32 @!p0 $0x0;
	s14 =	spop (v2sf)  }
0x21: {  	s16 =	sshra.s32 s2, $0xB;
	s10 =	ssub.s32 s0, s1;
	s1 =	sadd.s32 $0x7FF, s14  }
0x22: {  	s2 =	simm.s32 $0x1;
	p0 =	slt.s32 s10, $0x3FF;
	s17 =	sshra.s32 s1, $0x1F  }
0x23: {  	s7 =	sand.u32 $0x7FF, s1;
	p5 =	slt.s32 s1, $0x1;
	s10 =	simm.s32 @!p0 $0x3FF  }
0x24: {  	p0 =	por !p3, !p4;
	s3 =	sshrl.u32 s17, $0x15;
	p6 =	sne.s32 s7, $0x0  }
0x25: {  	p0 =	por !p0, !p0;
	s4 =	sshll.u32 s10, $0x8;
	s3 =	sadd.s32 s3, s1  }
0x26: {  	s23 =	sshll.u32 s10, $0x9;
	s25 =	smul.u32 $0x1800, s10;
	[dreg:$0xf] =	wrdreg s10  }
0x27: {  	s2 =	simm.s32 @!p0 $0x0;
	s4 =	sand.u32 $0x1FFFFF00, s4;
	s21 =	sshra.s32 s3, $0xB  }
0x28: {  	p0 =	por !p5, !p6;
	s3 =	sand.u32 $0x1FFFFE00, s23;
	s1 =	sadd.s32 s18, s4  }
0x29: {  	p0 =	por !p0, !p0;
	s4 =	simm.s32 $0x1;
	s3 =	sadd.s32 s24, s3  }
0x2a: {  	[tilespmem:s19], [sflag:$0x1] =	stream.linear.gather [hbm4b:s1+s8], $0x800, $0x38;
	[tilespmem:$0xD488] =	vst v63  }
0x2b: {  	s26 =	sshrl.u32 s25, $0x3;
	s2 =	ssub.s32 s16, s2;
	s4 =	simm.s32 @!p0 $0x0  }
0x2c: {  	[dreg:$0x11] =	wrdreg s2;
	s30 =	sadd.s32 $0x2, s2;
	s4 =	ssub.s32 s21, s4  }
0x2d: {  	[tilespmem:s9], [sflag:$0x2] =	stream.linear.gather [hbm4b:s3+s8], $0x1000, $0x38;
	[tilespmem:$0xD488] =	vst v63  }
.Ltmp0:
0x2e: {  	[dreg:$0x13] =	wrdreg s30;
	s3 =	sadd.s32 $0x1, s10;
	(pc) =	sbr.rel .LBB2_2-.Ltmp0, $4  }
0x2f: {  	s0 =	sadd.s32 s28, s26;
	[dreg:$0x12] =	wrdreg s4;
	p0 =	sgt.s32 s4, s3  }
0x30: {  	[tilespmem:s29], [sflag:$0x3] =	stream.linear.gather [hbm4b:s0+s8], $0x1800, $0x38;
	[tilespmem:$0xD488] =	vst v63  }
0x31: {  	v14 =	vimm.f32 $0.0e+00;
	v15 =	vimm.f32 $0.0e+00;
	s31 =	sshll.u32 s10, $0xB;
	s3 =	smov.u32 @p0 s4;
	s4 =	rddreg [dreg:$0x9]  }
0x32: {  	v16 =	vimm.f32 $0.0e+00;
	v17 =	vimm.f32 $0.0e+00;
	v13 =	vimm.f32 $0.0e+00;
	s15 =	smov.u32 s10;
	p0 =	por $0x0, $0x0;
	[dreg:$0x10] =	wrdreg s3  }
.LBB2_17:
0x33: {  	s1 =	rddreg [dreg:$0x11]  }
0x34: {  	s2 =	rddreg [dreg:$0x15]  }
0x35: {  	s3 =	rddreg [dreg:$0x17]  }
0x36: {  	p2 =	slt.s32 s2, s1;
	s1 =	rddreg [dreg:$0x12]  }
0x37: {  	s30 =	rddreg [dreg:$0x14];
	p3 =	sge.s32 @!p2 s2, s1  }
0x38: {  	s1 =	rddreg [dreg:$0x16];
	p2 =	por p3, p2  }
0x39: {  	s13 =	smov.u32 @p1 s0;
	s2 =	rddreg [dreg:$0x4];
	s0 =	sshrl.u32 @!p2 s17, $0x3  }
0x3a: {  	s1 =	sadd.s32 @!p2 $0x7, s1;
	s0 =	sadd.s32 @!p2 s2, s0;
	s2 =	simm.s32 @!p2 $0x0  }
0x3b: {  	[hbm4b:s0+s2] =	stream.linear.scatter @!p2 [tilespmem:s3], [sflag:s1], $0x800, $0x38;
	[tilespmem:$0xD488] =	vst v63  }
0x3c: {  	s3 =	rddreg [dreg:$0x10]  }
0x3d: {  	p2 =	sne.s32 s30, s3  }
.Ltmp1:
0x3e: {  	_ = 	snop;
	(pc) =	sbr.rel @!p2 .LBB2_18-.Ltmp1, $4  }
0x3f: {  	_ = 	snop  }
0x40: {  	s5 =	smov.u32 @p1 s12  }
0x41: {  	v13 =	vpsel !p1, $0x0, v22;
	v14 =	vpsel !p1, $0x0, v21;
	s12 =	smov.u32 @p1 s15;
	s4 =	smov.u32 @p1 s10;
	p0 =	por !p0, !p0  }
0x42: {  	v15 =	vpsel !p1, $0x0, v20;
	v16 =	vpsel !p1, $0x0, v19;
	v17 =	vpsel !p1, $0x0, v18;
	s31 =	sadd.s32 $0x800, s31;
	s13 =	smul.f32 s13, s14;
	s15 =	smov.u32 s30  }
.LBB2_2:
0x43: {  	s0 =	rddreg [dreg:$0xf]  }
0x44: {  	s8 =	sadd.s32 $0x1, s15;
	s0 =	ssub.s32 s15, s0  }
0x45: {  	p1 =	sge.s32 s8, s3;
	s21 =	sand.u32 $0x1, s0  }
0x46: {  	s1 =	sxor.u32 @!p1 $0x1, s21  }
0x47: {  	s7 =	smul.u32 @!p1 $0xC, s1  }
0x48: {  	s2 =	rddreg [dreg:$0x0];
	s10 =	sshll.u32 @!p1 s8, $0x8;
	s14 =	simm.s32 @!p1 $0x0  }
0x49: {  	s10 =	sand.u32 @!p1 $0x1FFFFF00, s10;
	s9 =	sshll.u32 @!p1 s1, $0xB;
	s7 =	sshrl.u32 @!p1 s7, $0x2  }
0x4a: {  	s10 =	sadd.s32 @!p1 s2, s10;
	s9 =	sor.u32 @!p1 $0x4008, s9;
	s11 =	sadd.s32 @!p1 $0x1, s7  }
0x4b: {  	[tilespmem:s9], [sflag:s11] =	stream.linear.gather @!p1 [hbm4b:s10+s14], $0x800, $0x38;
	[tilespmem:$0xD488] =	vst v63  }
0x4c: {  	s2 =	rddreg [dreg:$0x1];
	s9 =	sshll.u32 @!p1 s8, $0x9  }
0x4d: {  	s10 =	sshll.u32 @!p1 s1, $0xC;
	s11 =	sadd.s32 @!p1 $0x2, s7;
	s9 =	sand.u32 @!p1 $0x1FFFFE00, s9  }
0x4e: {  	s1 =	smul.u32 @!p1 $0x6000, s1;
	s10 =	sadd.s32 @!p1 $0x5008, s10;
	s9 =	sadd.s32 @!p1 s2, s9  }
0x4f: {  	[tilespmem:s10], [sflag:s11] =	stream.linear.gather @!p1 [hbm4b:s9+s14], $0x1000, $0x38;
	[tilespmem:$0xD488] =	vst v63  }
0x50: {  	s9 =	smul.u32 @!p1 $0x1800, s8  }
0x51: {  	s11 =	smul.u32 $0xC, s21  }
0x52: {  	[dreg:$0x14] =	wrdreg s8;
	s7 =	sadd.s32 @!p1 $0x3, s7;
	s1 =	sshrl.u32 @!p1 s1, $0x2  }
0x53: {  	s2 =	rddreg [dreg:$0x8];
	s9 =	sshrl.u32 @!p1 s9, $0x3;
	s16 =	sshrl.u32 s11, $0x2  }
0x54: {  	s1 =	sadd.s32 @!p1 $0x7008, s1;
	s9 =	sadd.s32 @!p1 s2, s9;
	s17 =	sadd.s32 $0x1, s16  }
0x55: {  	[tilespmem:s1], [sflag:s7] =	stream.linear.gather @!p1 [hbm4b:s9+s14], $0x1800, $0x38;
	[tilespmem:$0xD488] =	vst v63  }
0x56: {  	_ =	swait.ge [sflag:s17], $0x800  }
0x57: {  	[sflag:s17] =	ssyncset.done $0x0  }
0x58: {  	s18 =	sadd.s32 $0x2, s16;
	[sflag:s17] =	ssyncadd.s32 $0xFFFFF800  }
0x59: {  	_ =	swait.ge [sflag:s18], $0x1000  }
0x5a: {  	[sflag:s18] =	ssyncset.done $0x0  }
0x5b: {  	s1 =	sadd.s32 $0x3, s16;
	[sflag:s18] =	ssyncadd.s32 $0xFFFFF000  }
0x5c: {  	p1 =	sgt.s32 s15, $0x2;
	s7 =	smov.u32 s15;
	_ =	swait.ge [sflag:s1], $0x1800  }
0x5d: {  	p2 =	slt.u32 s0, $0x2;
	s7 =	simm.s32 @!p1 $0x2;
	s0 =	rddreg [dreg:$0x13]  }
0x5e: {  	p1 =	slt.s32 @!p2 s7, s0  }
0x5f: {  	s25 =	simm.s32 $0x0;
	[sflag:s1] =	ssyncset.done $0x0;
	p1 =	por p1, p2  }
0x60: {  	s0 =	simm.s32 $0x1;
	[sflag:s1] =	ssyncadd.s32 $0xFFFFE800;
	s1 =	sadd.s32 @!p1 $0x7, s21  }
0x61: {  	s28 =	sand.u32 $0x3FFFFF80, s25;
	s0 =	simm.s32 @!p0 $0x0;
	_ =	swait.ge @!p1 [sflag:s1], $0x800  }
0x62: {  	s19 =	sshll.u32 s0, $0xB;
	s23 =	sshll.u32 s0, $0xC;
	[sflag:s1] =	ssyncset.done @!p1 $0x0  }
0x63: {  	s24 =	sor.u32 $0x4028, s19;
	s26 =	sadd.s32 $0x50B8, s23;
	[sflag:s1] =	ssyncadd.s32 @!p1 $0xFFFFF800  }
0x64: {  	s1 =	sadd.s32 s28, s26;
	v18 =	vld [tilespmem:s24+$0x10]  }
0x65: {  	v19 =	vld [tilespmem:s1+$0x0]  }
0x66: {  	v20 =	vld [tilespmem:s1+$0xFFFFFFE0]  }
0x67: {  	v21 =	vld [tilespmem:s24+$0xFFFFFFF0];
	_ =	sdelay $0x3  }
0x68: {  	v24 =	vld [tilespmem:s24+$0xFFFFFFE0]  }
0x69: {  	v18 =	vmul.f32 v19, v18;
	v19 =	vmul.f32 v20, v21;
	v20 =	vld [tilespmem:s1+$0xFFFFFFD0]  }
0x6a: {  	s30 =	simm.s32 $0x40  }
0x6b: {  	s11 =	sand.u32 $0x3FFFFF80, s30;
	s9 =	sadd.s32 $0x40, s26;
	v22 =	vld [tilespmem:s24+$0x0]  }
0x6c: {  	s14 =	sadd.s32 s11, s9;
	v23 =	vld [tilespmem:s1+$0xFFFFFFF0];
	(xrf2) =	vadd.scan.msk.f32 $0xffff, v18  }
0x6d: {  	v26 =	vld [tilespmem:s14+$0x0];
	(xrf2) =	vadd.scan.msk.f32 $0xffff, v19  }
0x6e: {  	v28 =	vld [tilespmem:s14+$0xFFFFFFF0];
	s1 =	sadd.s32 $0x40, s24;
	v20 =	vmul.f32 v20, v24  }
0x6f: {  	v25 =	vld [tilespmem:s1+$0x10]  }
0x70: {  	v29 =	vld [tilespmem:s14+$0xFFFFFFE0];
	(xrf2) =	vadd.scan.msk.f32 $0xffff, v20  }
0x71: {  	v21 =	vmul.f32 v23, v22;
	v27 =	vld [tilespmem:s1+$0x0]  }
0x72: {  	v30 =	vld [tilespmem:s1+$0xFFFFFFF0]  }
0x73: {  	s10 =	simm.s32 $0xB868;
	s0 =	smul.u32 $0x6000, s0;
	[dreg:$0x15] =	wrdreg s15;
	(xrf2) =	vadd.scan.msk.f32 $0xffff, v21  }
0x74: {  	s17 =	sshll.u32 s15, $0xB;
	s18 =	sor.u32 $0xA008, s19;
	s29 =	sadd.s32 $0x5008, s23;
	v23 =	vmul.f32 v26, v25;
	v25 =	vld [tilespmem:s1+$0xFFFFFFE0]  }
0x75: {  	s7 =	sor.u32 $0xA028, s19;
	s23 =	simm.s32 $0xB828;
	s0 =	sshrl.u32 s0, $0x2;
	v26 =	vld [tilespmem:s14+$0xFFFFFFD0]  }
0x76: {  	s19 =	simm.s32 $0x8;
	s26 =	sadd.s32 $0x7008, s0;
	s15 =	simm.s32 $0xB028;
	v31, _, _ =	vpop (xrf2);
	(xrf2) =	vadd.scan.msk.f32 $0xffff, v23  }
0x77: {  	s11 =	simm.s32 $0x4;
	s0 =	sadd.s32 $0x40, s7;
	v22 =	vmul.f32 v28, v27;
	v24 =	vmul.f32 v29, v30;
	s14 =	simm.s32 $0xB068;
	[tilespmem:s15+$0x10] =	vst v31;
	v27, _, _ =	vpop (xrf2)  }
.LBB2_3:
0x78: {  	s16 =	sshll.u32 s19, $0x4;
	s11 =	sadd.s32 $0x4, s11;
	s1 =	sadd.s32 $0x40, s1;
	[tilespmem:s15+$0xFFFFFFF0] =	vst v27  }
0x79: {  	s9 =	sadd.s32 $0x40, s9;
	s16 =	sand.u32 $0x3FFFFF80, s16;
	v27 =	vld [tilespmem:s1+$0x0];
	p1 =	slt.u32 s11, $0x7C;
	(xrf2) =	vadd.scan.msk.f32 $0xffff, v24;
	[tilespmem:s23+$0x10] =	vst v18;
	v18 =	vmov v23  }
0x7a: {  	s16 =	sadd.s32 s16, s9;
	v23 =	vld [tilespmem:s1+$0x10];
	v26 =	vmul.f32 v26, v25;
	[tilespmem:s7+$0x10] =	vst v4;
	v25, _, _ =	vpop (xrf2)  }
0x7b: {  	v28 =	vld [tilespmem:s16+$0x0];
	[tilespmem:s23+$0xFFFFFFF0] =	vst v19;
	v19 =	vmov v24  }
0x7c: {  	v24 =	vld [tilespmem:s16+$0xFFFFFFF0];
	(xrf2) =	vadd.scan.msk.f32 $0xffff, v26;
	[tilespmem:s7+$0xFFFFFFF0] =	vst v4  }
0x7d: {  	v29 =	vld [tilespmem:s16+$0xFFFFFFE0];
	[tilespmem:s15+$0xFFFFFFE0] =	vst v25;
	v25, _, _ =	vpop (xrf2)  }
0x7e: {  	v30 =	vld [tilespmem:s1+$0xFFFFFFF0];
	[tilespmem:s15+$0x0] =	vst v25;
	s15 =	smov.u32 s14  }
.Ltmp2:
0x7f: {  	(xrf2) =	vadd.scan.msk.f32 $0xffff, v22;
	[tilespmem:s23+$0x0] =	vst v21;
	v21 =	vmov v22;
	(pc) =	sbr.rel @p1 .LBB2_3-.Ltmp2, $4  }
0x80: {  	v25 =	vld [tilespmem:s1+$0xFFFFFFE0];
	v23 =	vmul.f32 v28, v23;
	v28, _, _ =	vpop (xrf2);
	[tilespmem:s23+$0xFFFFFFE0] =	vst v20;
	v20 =	vmov v26;
	s23 =	smov.u32 s10  }
0x81: {  	v26 =	vld [tilespmem:s16+$0xFFFFFFD0];
	v22 =	vmul.f32 v24, v27;
	[tilespmem:s7+$0xFFFFFFE0] =	vst v4  }
0x82: {  	(xrf2) =	vadd.scan.msk.f32 $0xffff, v23;
	[tilespmem:s7+$0x0] =	vst v4;
	s7 =	smov.u32 s0;
	s0 =	sadd.s32 $0x40, s0  }
0x83: {  	s19 =	sadd.s32 $0x4, s19;
	s14 =	sadd.s32 $0x40, s14;
	s10 =	sadd.s32 $0x40, s10;
	v24 =	vmul.f32 v29, v30;
	[tilespmem:s15+$0x10] =	vst v28;
	v27, _, _ =	vpop (xrf2)  }
0x84: {  	[tilespmem:s15+$0xFFFFFFF0] =	vst v27  }
0x85: {  	[tilespmem:s23+$0x10] =	vst v18  }
0x86: {  	[tilespmem:s7+$0x10] =	vst v4  }
0x87: {  	(xrf2) =	vadd.scan.msk.f32 $0xffff, v24;
	[tilespmem:s23+$0xFFFFFFF0] =	vst v19  }
0x88: {  	v18 =	vmul.f32 v26, v25;
	v19, _, _ =	vpop (xrf2);
	[tilespmem:s7+$0xFFFFFFF0] =	vst v4  }
0x89: {  	[tilespmem:s15+$0xFFFFFFE0] =	vst v19  }
0x8a: {  	(xrf2) =	vadd.scan.msk.f32 $0xffff, v18;
	[tilespmem:s23+$0xFFFFFFE0] =	vst v20  }
0x8b: {  	v19, _, _ =	vpop (xrf2);
	(xrf2) =	vadd.scan.msk.f32 $0xffff, v22;
	[tilespmem:s7+$0xFFFFFFE0] =	vst v4  }
0x8c: {  	[tilespmem:s15+$0x0] =	vst v19  }
0x8d: {  	[tilespmem:s23+$0x0] =	vst v21  }
0x8e: {  	v19, _, _ =	vpop (xrf2);
	[tilespmem:s7+$0x0] =	vst v4  }
0x8f: {  	[tilespmem:s14+$0x10] =	vst v19  }
0x90: {  	[tilespmem:s10+$0x10] =	vst v23  }
0x91: {  	v19, _, _ =	vpop (xrf2);
	[tilespmem:s0+$0x10] =	vst v4  }
0x92: {  	[tilespmem:s14+$0xFFFFFFF0] =	vst v19  }
0x93: {  	[tilespmem:s10+$0xFFFFFFF0] =	vst v24  }
0x94: {  	v19, _, _ =	vpop (xrf2);
	[tilespmem:s0+$0xFFFFFFF0] =	vst v4  }
0x95: {  	[tilespmem:s14+$0xFFFFFFE0] =	vst v19;
	v19, _, _ =	vpop (xrf2)  }
0x96: {  	[tilespmem:s14+$0x0] =	vst v19  }
0x97: {  	[tilespmem:s10+$0xFFFFFFE0] =	vst v18  }
0x98: {  	[tilespmem:s10+$0x0] =	vst v22  }
0x99: {  	[tilespmem:s0+$0xFFFFFFE0] =	vst v4  }
0x9a: {  	s2 =	simm.s32 $0xB008;
	[tilespmem:s0+$0x0] =	vst v4  }
0x9b: {  	v18 =	vld.idx.msk [tilespmem:v5+s2+$0x0], $0xffff;
	_ =	sdelay $0x4  }
0x9c: {  	(xrf2) =	vadd.scan.msk.f32 $0xffff, v18;
	_ =	sdelay $0x9  }
0x9d: {  	v19, _, _ =	vpop (xrf2)  }
0x9e: {  	v18 =	vsub.f32 v19, v18;
	_ =	sdelay $0x1  }
0x9f: {  	v18 =	vadd.f32 $0.0e+00, v18;
	_ =	sdelay $0x1  }
0xa0: {  	[tilespmem:$0xC008] =	vst v18  }
0xa1: {  	(v2sf) =	vpush v19, $0xF;
	v18 =	vld.idx.msk [tilespmem:v6+s2+$0x0], $0xffff;
	_ =	sdelay $0x4  }
0xa2: {  	(xrf2) =	vadd.scan.msk.f32 $0xffff, v18;
	_ =	sdelay $0x9  }
0xa3: {  	s3 =	spop (v2sf);
	v19, _, _ =	vpop (xrf2)  }
0xa4: {  	s0 =	sadd.f32 $0.0e+00, s3;
	v18 =	vsub.f32 v19, v18;
	_ =	sdelay $0x1  }
0xa5: {  	v18 =	vadd.f32 s0, v18;
	_ =	sdelay $0x1  }
0xa6: {  	[tilespmem:$0xC018] =	vst v18  }
0xa7: {  	(v2sf) =	vpush v19, $0xF;
	v18 =	vld.idx.msk [tilespmem:v7+s2+$0x0], $0xffff;
	_ =	sdelay $0x4  }
0xa8: {  	(xrf2) =	vadd.scan.msk.f32 $0xffff, v18;
	_ =	sdelay $0x9  }
0xa9: {  	s1 =	spop (v2sf);
	v19, _, _ =	vpop (xrf2)  }
0xaa: {  	s0 =	sadd.f32 s1, s0;
	v18 =	vsub.f32 v19, v18;
	_ =	sdelay $0x1  }
0xab: {  	v18 =	vadd.f32 s0, v18;
	_ =	sdelay $0x1  }
0xac: {  	[tilespmem:$0xC028] =	vst v18  }
0xad: {  	(v2sf) =	vpush v19, $0xF;
	v18 =	vld.idx.msk [tilespmem:v8+s2+$0x0], $0xffff;
	_ =	sdelay $0x4  }
0xae: {  	(xrf2) =	vadd.scan.msk.f32 $0xffff, v18;
	_ =	sdelay $0x9  }
0xaf: {  	s7 =	spop (v2sf);
	v19, _, _ =	vpop (xrf2)  }
0xb0: {  	s0 =	sadd.f32 s7, s0;
	v18 =	vsub.f32 v19, v18;
	_ =	sdelay $0x1  }
0xb1: {  	v18 =	vadd.f32 s0, v18;
	_ =	sdelay $0x1  }
0xb2: {  	[tilespmem:$0xC038] =	vst v18  }
0xb3: {  	(v2sf) =	vpush v19, $0xF;
	v18 =	vld.idx.msk [tilespmem:v9+s2+$0x0], $0xffff;
	_ =	sdelay $0x4  }
0xb4: {  	(xrf2) =	vadd.scan.msk.f32 $0xffff, v18;
	_ =	sdelay $0x9  }
0xb5: {  	s8 =	spop (v2sf);
	v19, _, _ =	vpop (xrf2)  }
0xb6: {  	s0 =	sadd.f32 s8, s0;
	v18 =	vsub.f32 v19, v18;
	_ =	sdelay $0x1  }
0xb7: {  	v18 =	vadd.f32 s0, v18;
	_ =	sdelay $0x1  }
0xb8: {  	[tilespmem:$0xC048] =	vst v18  }
0xb9: {  	(v2sf) =	vpush v19, $0xF;
	v18 =	vld.idx.msk [tilespmem:v10+s2+$0x0], $0xffff;
	_ =	sdelay $0x4  }
0xba: {  	(xrf2) =	vadd.scan.msk.f32 $0xffff, v18;
	_ =	sdelay $0x9  }
0xbb: {  	s9 =	spop (v2sf);
	v19, _, _ =	vpop (xrf2)  }
0xbc: {  	s0 =	sadd.f32 s9, s0;
	v18 =	vsub.f32 v19, v18;
	_ =	sdelay $0x1  }
0xbd: {  	v18 =	vadd.f32 s0, v18;
	_ =	sdelay $0x1  }
0xbe: {  	[tilespmem:$0xC058] =	vst v18  }
0xbf: {  	(v2sf) =	vpush v19, $0xF;
	v18 =	vld.idx.msk [tilespmem:v11+s2+$0x0], $0xffff;
	_ =	sdelay $0x4  }
0xc0: {  	(xrf2) =	vadd.scan.msk.f32 $0xffff, v18;
	_ =	sdelay $0x9  }
0xc1: {  	s10 =	spop (v2sf);
	v19, _, _ =	vpop (xrf2)  }
0xc2: {  	s0 =	sadd.f32 s10, s0;
	v18 =	vsub.f32 v19, v18;
	_ =	sdelay $0x1  }
0xc3: {  	v18 =	vadd.f32 s0, v18;
	_ =	sdelay $0x1  }
0xc4: {  	[tilespmem:$0xC068] =	vst v18  }
0xc5: {  	(v2sf) =	vpush v19, $0xF;
	v20 =	vld.idx.msk [tilespmem:v12+s2+$0x0], $0xffff;
	_ =	sdelay $0x4  }
0xc6: {  	(xrf2) =	vadd.scan.msk.f32 $0xffff, v20;
	_ =	sdelay $0x7  }
0xc7: {  	s11 =	simm.s32 $0x0;
	s14 =	simm.s32 $0x2  }
0xc8: {  	v21 =	vmov s14;
	v19 =	vmov s11  }
0xc9: {  	v21 =	vand.u32 $0xFFFFFFFE, v21;
	s9 =	simm.s32 $0x3;
	v19 =	vand.u32 $0xFFFFFFFC, v19;
	s15 =	spop (v2sf);
	v18, _, _ =	vpop (xrf2)  }
0xca: {  	s16 =	simm.s32 $0x1;
	v22 =	vmov s9;
	v19 =	vbroadcast v19, $0x0;
	s7 =	sadd.f32 s15, s0;
	v20 =	vsub.f32 v18, v20  }
0xcb: {  	v23 =	vmov s16;
	v21 =	vbroadcast v21, $0x0  }
0xcc: {  	v23 =	vand.u32 $0xFFFFFFFD, v23;
	v20 =	vadd.f32 s7, v20  }
0xcd: {  	v23 =	vbroadcast v23, $0x0  }
0xce: {  	[tilespmem:$0xC078] =	vst v20  }
0xcf: {  	v20 =	vld.idx.msk [tilespmem:v22+s20+$0x0], $0xffff  }
0xd0: {  	v19 =	vld.idx.msk [tilespmem:v19+s20+$0x0], $0xffff  }
0xd1: {  	s1 =	simm.s32 $0xB028;
	v21 =	vld.idx.msk [tilespmem:v21+s20+$0x0], $0xffff  }
0xd2: {  	v22 =	vld [tilespmem:s1+$0x0]  }
0xd3: {  	s0 =	simm.s32 $0xB828;
	v23 =	vld.idx.msk [tilespmem:v23+s20+$0x0], $0xffff  }
0xd4: {  	v24 =	vld [tilespmem:s0+$0x0]  }
0xd5: {  	v25 =	vld [tilespmem:s1+$0xFFFFFFE0]  }
0xd6: {  	s19 =	simm.s32 $0x4;
	v27 =	vld [tilespmem:s1+$0xFFFFFFF0]  }
0xd7: {  	s24 =	simm.s32 $0x5;
	v26 =	vmov s19;
	v28 =	vld [tilespmem:s1+$0x10]  }
0xd8: {  	s25 =	simm.s32 $0x6;
	v29 =	vmov s24;
	v26 =	vand.u32 $0xFFFFFFFC, v26;
	v30 =	vld [tilespmem:s0+$0xFFFFFFF0];
	v21 =	vadd.f32 v21, v22  }
0xd9: {  	v31 =	vmov s25;
	v29 =	vand.u32 $0xFFFFFFFD, v29;
	v26 =	vbroadcast v26, $0x0  }
0xda: {  	v31 =	vand.u32 $0xFFFFFFFE, v31;
	v29 =	vbroadcast v29, $0x0;
	s23 =	simm.s32 $0x7;
	v32 =	vld [tilespmem:s0+$0xFFFFFFE0];
	v24 =	vsub.f32 v24, v21  }
0xdb: {  	v33 =	vld [tilespmem:s0+$0x10];
	v22 =	vmov s23;
	v23 =	vadd.f32 v23, v27;
	v21 =	vsub.f32 $0.0e+00, v21  }
0xdc: {  	v27 =	vbroadcast v31, $0x0;
	v25 =	vadd.f32 v19, v25;
	v24 =	vadd.f32 $0.0e+00, v24  }
0xdd: {  	v20 =	vadd.f32 v20, v28;
	v28 =	vsub.f32 v30, v23;
	v21 =	vmul.f32 $1.442695020e+00, v21  }
0xde: {  	v23 =	vsub.f32 $0.0e+00, v23;
	v24 =	vmul.f32 $1.442695020e+00, v24  }
0xdf: {  	v62 =	vld.idx.msk [tilespmem:v26+s20+$0x0], $0xffff;
	v30 =	vsub.f32 v32, v25;
	v28 =	vadd.f32 $0.0e+00, v28;
	(erf) = vpow2.f32 v21  }
0xe0: {  	v19 =	vld.idx.msk [tilespmem:v22+s20+$0x0], $0xffff;
	v21 =	vsub.f32 v33, v20;
	v20 =	vsub.f32 $0.0e+00, v20;
	(erf) = vpow2.f32 v24  }
0xe1: {  	s10 =	simm.s32 $0xB068;
	v22 =	vld.idx.msk [tilespmem:v29+s20+$0x0], $0xffff;
	v29 =	vmul.f32 $1.442695020e+00, v23;
	v24 =	vsub.f32 $0.0e+00, v25;
	v25 =	vadd.f32 $0.0e+00, v30  }
0xe2: {  	s11 =	simm.s32 $0x8;
	v63 =	vld [tilespmem:s10+$0x0];
	v23 =	vmul.f32 $1.442695020e+00, v28;
	v21 =	vadd.f32 $0.0e+00, v21;
	v35 =	vmul.f32 $1.442695020e+00, v20  }
0xe3: {  	v27 =	vld.idx.msk [tilespmem:v27+s20+$0x0], $0xffff;
	v20 =	vmov s11;
	v30 =	vmul.f32 $1.442695020e+00, v24;
	v24 =	vmul.f32 $1.442695020e+00, v25  }
0xe4: {  	s30 =	simm.s32 $0x9;
	s9 =	simm.s32 $0xB868;
	v34 =	vld [tilespmem:s10+$0xFFFFFFE0];
	(erf) = vpow2.f32 v23;
	v20 =	vand.u32 $0xFFFFFFFC, v20;
	v21 =	vmul.f32 $1.442695020e+00, v21  }
0xe5: {  	v26 =	vld [tilespmem:s9+$0x0];
	(erf) = vpow2.f32 v24;
	v24 =	vbroadcast v20, $0x0;
	v20 =	vmov s30  }
0xe6: {  	s28 =	simm.s32 $0xB;
	v28 =	vld [tilespmem:s10+$0xFFFFFFF0];
	(erf) = vpow2.f32 v29  }
0xe7: {  	v23 =	vmov s28;
	v29 =	vld [tilespmem:s10+$0x10];
	(erf) = vpow2.f32 v30  }
0xe8: {  	v31 =	vld [tilespmem:s9+$0xFFFFFFF0];
	v32 =	vadd.f32 v27, v63;
	v25 =	vand.u32 $0xFFFFFFFD, v20;
	v20 =	vpop (erf);
	(erf) = vpow2.f32 v21  }
0xe9: {  	s14 =	simm.s32 $0xB868;
	s15 =	simm.s32 $0xC;
	s11 =	simm.s32 $0xA;
	v27 =	vadd.f32 v62, v34;
	v25 =	vbroadcast v25, $0x0;
	v30 =	vld [tilespmem:s9+$0x10];
	v21 =	vpop (erf);
	(erf) = vpow2.f32 v35  }
.LBB2_5:
0xea: {  	p1 =	slt.u32 s15, $0x7C;
	v33 =	vmov s11;
	v34 =	vld [tilespmem:s9+$0xFFFFFFE0];
	v26 =	vsub.f32 v26, v32;
	v20 =	vsub.f32 v21, v20  }
0xeb: {  	v33 =	vand.u32 $0xFFFFFFFE, v33;
	v22 =	vadd.f32 v22, v28;
	v28 =	vsub.f32 $0.0e+00, v32;
	[tilespmem:s1+$0x0] =	vst v21  }
0xec: {  	v21 =	vbroadcast v33, $0x0;
	v26 =	vadd.f32 $0.0e+00, v26;
	v29 =	vadd.f32 v19, v29;
	[tilespmem:s0+$0x0] =	vst v20  }
0xed: {  	v20 =	vsub.f32 $0.0e+00, v22;
	v22 =	vsub.f32 v31, v22;
	v35 =	vmul.f32 $1.442695020e+00, v28;
	v31 =	vpop (erf)  }
0xee: {  	v32 =	vsub.f32 $0.0e+00, v27;
	v36 =	vmul.f32 $1.442695020e+00, v26;
	v30 =	vsub.f32 v30, v29;
	[tilespmem:s1+$0xFFFFFFF0] =	vst v31;
	v33 =	vpop (erf)  }
0xef: {  	v19 =	vld.idx.msk [tilespmem:v23+s20+$0x0], $0xffff;
	v23 =	vsub.f32 v34, v27;
	v37 =	vadd.f32 $0.0e+00, v22;
	(erf) = vpow2.f32 v35;
	[tilespmem:s1+$0xFFFFFFE0] =	vst v33;
	v28 =	vpop (erf)  }
0xf0: {  	v34 =	vld.idx.msk [tilespmem:v24+s20+$0x0], $0xffff;
	v24 =	vsub.f32 $0.0e+00, v29;
	v38 =	vadd.f32 $0.0e+00, v30;
	(erf) = vpow2.f32 v36;
	v26 =	vpop (erf)  }
0xf1: {  	v20 =	vmul.f32 $1.442695020e+00, v20;
	v22 =	vld.idx.msk [tilespmem:v25+s20+$0x0], $0xffff;
	v23 =	vadd.f32 $0.0e+00, v23;
	v25 =	vmul.f32 $1.442695020e+00, v37;
	v27 =	vpop (erf)  }
0xf2: {  	v30 =	vmul.f32 $1.442695020e+00, v32;
	v28 =	vsub.f32 v31, v28;
	v21 =	vld.idx.msk [tilespmem:v21+s20+$0x0], $0xffff;
	v35 =	vmul.f32 $1.442695020e+00, v38;
	[tilespmem:s1+$0x10] =	vst v27;
	v29 =	vpop (erf);
	s1 =	smov.u32 s10;
	s10 =	sadd.s32 $0x40, s10  }
0xf3: {  	v36 =	vmul.f32 $1.442695020e+00, v24;
	v24 =	vsub.f32 v33, v26;
	v32 =	vld [tilespmem:s10+$0x0];
	v23 =	vmul.f32 $1.442695020e+00, v23  }
0xf4: {  	s9 =	sadd.s32 $0x40, s9;
	v33 =	vld [tilespmem:s10+$0xFFFFFFE0];
	(erf) = vpow2.f32 v25;
	[tilespmem:s0+$0xFFFFFFF0] =	vst v28;
	v25 =	vsub.f32 v27, v29  }
.Ltmp3:
0xf5: {  	s11 =	sadd.s32 $0x3, s15;
	v27 =	vmov s15;
	v26 =	vld [tilespmem:s9+$0x0];
	(erf) = vpow2.f32 v23;
	[tilespmem:s0+$0xFFFFFFE0] =	vst v24;
	(pc) =	sbr.rel @p1 .LBB2_5-.Ltmp3, $4  }
0xf6: {  	s16 =	sadd.s32 $0x1, s15;
	v24 =	vand.u32 $0xFFFFFFFC, v27;
	v23 =	vmov s11;
	v28 =	vld [tilespmem:s10+$0xFFFFFFF0];
	(erf) = vpow2.f32 v20;
	[tilespmem:s0+$0x10] =	vst v25;
	s0 =	smov.u32 s14;
	s14 =	smov.u32 s9  }
0xf7: {  	v27 =	vmov s16;
	v24 =	vbroadcast v24, $0x0;
	v29 =	vld [tilespmem:s10+$0x10];
	(erf) = vpow2.f32 v30  }
0xf8: {  	v25 =	vand.u32 $0xFFFFFFFD, v27;
	v31 =	vld [tilespmem:s9+$0xFFFFFFF0];
	v32 =	vadd.f32 v21, v32;
	v20 =	vpop (erf);
	(erf) = vpow2.f32 v35  }
0xf9: {  	s11 =	sadd.s32 $0x2, s15;
	s15 =	sadd.s32 $0x4, s15;
	v25 =	vbroadcast v25, $0x0;
	v27 =	vadd.f32 v34, v33;
	v30 =	vld [tilespmem:s9+$0x10];
	v21 =	vpop (erf);
	(erf) = vpow2.f32 v36  }
0xfa: {  	_ =	sdelay $0x1  }
0xfb: {  	v33 =	vmov s11  }
0xfc: {  	v34 =	vld [tilespmem:s9+$0xFFFFFFE0];
	v33 =	vand.u32 $0xFFFFFFFE, v33  }
0xfd: {  	v26 =	vsub.f32 v26, v32;
	v23 =	vld.idx.msk [tilespmem:v23+s20+$0x0], $0xffff;
	v33 =	vbroadcast v33, $0x0  }
0xfe: {  	v24 =	vld.idx.msk [tilespmem:v24+s20+$0x0], $0xffff;
	(v2sf) =	vpush v18, $0xF;
	v22 =	vadd.f32 v22, v28  }
0xff: {  	v18 =	vsub.f32 $0.0e+00, v32;
	s15 =	sadd.s32 $0x40, s10;
	v25 =	vld.idx.msk [tilespmem:v25+s20+$0x0], $0xffff;
	v54 =	vsub.f32 $0.0e+00, v27  }
0x100: {  	v53 =	vld [tilespmem:s15+$0x0];
	v26 =	vadd.f32 $0.0e+00, v26;
	v28 =	vsub.f32 v31, v22  }
0x101: {  	v55 =	vld [tilespmem:s15+$0xFFFFFFE0];
	v19 =	vadd.f32 v19, v29;
	v18 =	vmul.f32 $1.442695020e+00, v18;
	v52 =	vsub.f32 v34, v27  }
0x102: {  	v58 =	vld [tilespmem:s15+$0xFFFFFFF0];
	v22 =	vsub.f32 $0.0e+00, v22;
	v28 =	vadd.f32 $0.0e+00, v28  }
0x103: {  	s25 =	sadd.s32 $0x40, s9;
	v26 =	vmul.f32 $1.442695020e+00, v26;
	(erf) = vpow2.f32 v18;
	v18 =	vadd.f32 $0.0e+00, v52;
	v51 =	vld.idx.msk [tilespmem:v33+s20+$0x0], $0xffff  }
0x104: {  	v60 =	vld [tilespmem:s25+$0xFFFFFFF0];
	v30 =	vsub.f32 v30, v19;
	v22 =	vmul.f32 $1.442695020e+00, v22;
	v57 =	vmul.f32 $1.442695020e+00, v28  }
0x105: {  	v56 =	vld [tilespmem:s25+$0x0];
	v19 =	vsub.f32 $0.0e+00, v19;
	(erf) = vpow2.f32 v26;
	v18 =	vmul.f32 $1.442695020e+00, v18  }
0x106: {  	v59 =	vld [tilespmem:s15+$0x10];
	v27 =	vmul.f32 $1.442695020e+00, v54;
	v30 =	vadd.f32 $0.0e+00, v30;
	(erf) = vpow2.f32 v57  }
0x107: {  	v19 =	vmul.f32 $1.442695020e+00, v19;
	v25 =	vadd.f32 v25, v58;
	(erf) = vpow2.f32 v18;
	v18 =	vld [tilespmem:s25+$0xFFFFFFE0]  }
0x108: {  	v30 =	vmul.f32 $1.442695020e+00, v30;
	(erf) = vpow2.f32 v22;
	v29 =	vadd.f32 v51, v53  }
0x109: {  	v61 =	vld [tilespmem:s25+$0x10];
	v62 =	vpop (erf);
	v24 =	vadd.f32 v24, v55;
	v41 =	vsub.f32 v60, v25;
	(erf) = vpow2.f32 v27  }
0x10a: {  	v63 =	vpop (erf);
	v25 =	vsub.f32 $0.0e+00, v25;
	(erf) = vpow2.f32 v30;
	v31 =	vsub.f32 v56, v29  }
0x10b: {  	v39 =	vsub.f32 $0.0e+00, v29;
	(erf) = vpow2.f32 v19;
	v19 =	vadd.f32 v23, v59  }
0x10c: {  	v23 =	vadd.f32 $0.0e+00, v41;
	v18 =	vsub.f32 v18, v24  }
0x10d: {  	v42 =	vpop (erf);
	v25 =	vmul.f32 $1.442695020e+00, v25;
	s28 =	spop (v2sf);
	v24 =	vsub.f32 $0.0e+00, v24;
	v40 =	vadd.f32 $0.0e+00, v31  }
0x10e: {  	v43 =	vpop (erf);
	s7 =	sadd.f32 s28, s7;
	v28 =	vmul.f32 $1.442695020e+00, v39;
	v22 =	vsub.f32 v61, v19;
	v18 =	vadd.f32 $0.0e+00, v18  }
0x10f: {  	v44 =	vpop (erf);
	v23 =	vmul.f32 $1.442695020e+00, v23;
	v19 =	vsub.f32 $0.0e+00, v19;
	v29 =	vmul.f32 $1.442695020e+00, v40  }
0x110: {  	v45 =	vpop (erf);
	v47 =	vmov s7;
	(erf) = vpow2.f32 v28;
	v18 =	vmul.f32 $1.442695020e+00, v18  }
0x111: {  	v46 =	vpop (erf);
	v24 =	vmul.f32 $1.442695020e+00, v24;
	v22 =	vadd.f32 $0.0e+00, v22;
	(erf) = vpow2.f32 v29  }
0x112: {  	v48 =	vpop (erf);
	v49 =	vsub.f32 $0.0e+00, v47;
	v19 =	vmul.f32 $1.442695020e+00, v19;
	(erf) = vpow2.f32 v23  }
0x113: {  	v50 =	vpop (erf);
	v22 =	vmul.f32 $1.442695020e+00, v22;
	(erf) = vpow2.f32 v18  }
0x114: {  	v23 =	vmul.f32 $1.442695020e+00, v49;
	v18 =	vpop (erf);
	(erf) = vpow2.f32 v25  }
0x115: {  	v51 =	vpop (erf);
	(erf) = vpow2.f32 v24  }
0x116: {  	v53 =	vbroadcast v23, $0x0;
	v52 =	vpop (erf);
	(erf) = vpow2.f32 v22  }
0x117: {  	v20 =	vsub.f32 v21, v20;
	v54 =	vpop (erf);
	(erf) = vpow2.f32 v19  }
0x118: {  	[tilespmem:s1+$0x0] =	vst v21;
	v19 =	vpop (erf);
	(erf) = vpow2.f32 v53  }
0x119: {  	[tilespmem:s0+$0x0] =	vst v20;
	v55 =	vpop (erf)  }
0x11a: {  	[tilespmem:s1+$0xFFFFFFF0] =	vst v62;
	v35 =	vpop (erf)  }
0x11b: {  	[tilespmem:s1+$0xFFFFFFE0] =	vst v63;
	v57 =	vsub.f32 v62, v42;
	v36 =	vpop (erf)  }
0x11c: {  	[tilespmem:s1+$0x10] =	vst v44;
	v27 =	vsub.f32 v63, v43;
	v56 =	vpop (erf)  }
0x11d: {  	[tilespmem:s0+$0xFFFFFFF0] =	vst v57;
	v58 =	vpop (erf)  }
0x11e: {  	[tilespmem:s0+$0xFFFFFFE0] =	vst v27;
	v63 =	vsub.f32 v48, v46;
	v59 =	vpop (erf)  }
0x11f: {  	[tilespmem:s10+$0x0] =	vst v48;
	v60 =	vpop (erf)  }
0x120: {  	[tilespmem:s14+$0x0] =	vst v63;
	v28 =	vsub.f32 v44, v45;
	v61 =	vpop (erf)  }
0x121: {  	[tilespmem:s10+$0xFFFFFFF0] =	vst v50;
	v62 =	vpop (erf)  }
0x122: {  	[tilespmem:s0+$0x10] =	vst v28;
	(v2sf) =	vpush v62, $0x0  }
0x123: {  	[tilespmem:s10+$0xFFFFFFE0] =	vst v18;
	v25 =	vsub.f32 v50, v51  }
0x124: {  	v18 =	vsub.f32 v18, v52;
	[tilespmem:s10+$0x10] =	vst v54  }
0x125: {  	[tilespmem:s14+$0xFFFFFFF0] =	vst v25;
	v19 =	vsub.f32 v54, v19  }
0x126: {  	[tilespmem:s14+$0xFFFFFFE0] =	vst v18  }
0x127: {  	[tilespmem:s14+$0x10] =	vst v19  }
0x128: {  	v18 =	vsub.f32 v35, v55;
	[tilespmem:s15+$0x0] =	vst v35  }
0x129: {  	[tilespmem:s15+$0xFFFFFFF0] =	vst v36  }
0x12a: {  	[tilespmem:s25+$0x0] =	vst v18  }
0x12b: {  	[tilespmem:s15+$0xFFFFFFE0] =	vst v56;
	v18 =	vsub.f32 v36, v58  }
0x12c: {  	v19 =	vsub.f32 v56, v59;
	[tilespmem:s15+$0x10] =	vst v60  }
.Ltmp4:
0x12d: {  	[tilespmem:s25+$0xFFFFFFF0] =	vst v18;
	(pc) =	sbr.rel .LBB2_7-.Ltmp4, $4  }
0x12e: {  	v18 =	vsub.f32 v60, v61;
	[tilespmem:s25+$0xFFFFFFE0] =	vst v19  }
0x12f: {  	s30 =	sshll.u32 s21, $0xB;
	[dreg:$0x16] =	wrdreg s21  }
0x130: {  	s24 =	sadd.s32 $0x800, s17;
	s0 =	sor.u32 $0xA008, s30;
	[tilespmem:s25+$0x10] =	vst v18  }
0x131: {  	s11 =	simm.s32 $0x0;
	[dreg:$0x17] =	wrdreg s0;
	s14 =	spop (v2sf)  }
.LBB2_8:
0x132: {  	v18 =	vmovc v17;
	v19 =	vmovc v16;
	v20 =	vmov v15;
	v21 =	vmov v14;
	v22 =	vmov v13  }
.LBB2_16:
0x133: {  	p1 =	sgt.s32 s12, s24  }
0x134: {  	(xrf2) =	vadd.scan.msk.f32 @!p1 $0xffff, v18  }
0x135: {  	(xrf2) =	vadd.scan.msk.f32 @!p1 $0xffff, v19  }
0x136: {  	(xrf2) =	vadd.scan.msk.f32 @!p1 $0xffff, v20  }
0x137: {  	(xrf2) =	vadd.scan.msk.f32 @!p1 $0xffff, v21  }
0x138: {  	(xrf2) =	vadd.scan.msk.f32 @!p1 $0xffff, v22  }
0x139: {  	p2 =	sge.s32 @!p1 s10, s6;
	p3 =	slt.s32 @!p1 s10, s22  }
0x13a: {  	s2 =	ssub.s32 @!p1 s10, s6;
	p2 =	por @!p1 !p2, !p3  }
0x13b: {  	p3 =	sgt.s32 @!p1 s2, $0x0;
	p2 =	por @!p1 !p2, !p2  }
0x13c: {  	vm0 =	vmxor @!p1 vm0, vm0;
	p3 =	por !p3, p1;
	p2 =	por !p2, p1  }
0x13d: {  	s2 =	simm.s32 @p3 $0x0;
	vm0 =	vmneg @!p2 vm0;
	p2 =	sgt.s32 @!p1 s1, $0x0  }
0x13e: {  	s4 =	smov.u32 s1;
	vm1 =	vmmov @!p1 $0x1;
	s2 =	smin.u32 @!p1 s2, $0x1FF;
	p2 =	por !p2, p1;
	v13, _, _ =	vpop @!p1 (xrf2)  }
0x13f: {  	s3 =	sadd.s32 @!p1 $0x2, s10;
	vm1 =	vmand @!p1 vm0, vm1;
	v16 =	vmov @!p1 s2;
	s4 =	simm.s32 @p2 $0x0;
	v14, _, _ =	vpop @!p1 (xrf2)  }
0x140: {  	vm2 =	vmmov @!p1 $0x7;
	v24 =	vlaneseq.u32 @!p1;
	p3 =	slt.s32 @!p1 s3, $0x4000;
	v23 =	vshll.u32 @!p1 v16, $0x3;
	s2 =	smin.u32 @!p1 s4, $0x7FF;
	v15, _, _ =	vpop @!p1 (xrf2)  }
0x141: {  	vm0 =	vmand @!p1 vm0, vm2;
	p2 =	por !p3, p1;
	v23 =	vadd.s32 @!p1 v24, v23;
	v24 =	vmov @!p1 s2;
	v17, _, _ =	vpop @!p1 (xrf2)  }
0x142: {  	s3 =	simm.s32 @p2 $0x4000;
	v24 =	vbroadcast @!p1 v24, $0x0;
	v13 =	vbroadcast @!p1 v13, $0xF;
	v25, _, _ =	vpop @!p1 (xrf2)  }
0x143: {  	v26 =	vmov @!p1 s3;
	v17 =	vbroadcast @!p1 v17, $0xF;
	v25 =	vbroadcast @!p1 v25, $0xF  }
0x144: {  	vm2 =	vcmask @!p1 $0x3F08;
	s2 =	simm.s32 @!p1 $0xC088;
	v14 =	vbroadcast @!p1 v14, $0xF;
	v15 =	vbroadcast @!p1 v15, $0xF  }
0x145: {  	[tilespmem:v16+s2+$0x0] =	vst.idx.msk @!p1 vm1, v13;
	s2 =	simm.s32 @!p1 $0xC288;
	v13 =	vsel @!p1 vm2, v25, v17;
	vm2 =	vcmask @!p1 $0x3F04  }
0x146: {  	[tilespmem:v16+s2+$0x0] =	vst.idx.msk @!p1 vm1, v14;
	s2 =	simm.s32 @!p1 $0xC488;
	v13 =	vsel @!p1 vm2, v13, v15  }
0x147: {  	[tilespmem:v23+s2+$0x0] =	vst.idx.msk @!p1 vm0, v13;
	s2 =	simm.s32 @!p1 $0x0  }
0x148: {  	v13 =	vld.idx.msk @!p1 [tilespmem:v26+s2+$0x0], $0xffff;
	s2 =	simm.s32 @!p1 $0xB008  }
0x149: {  	v14 =	vld.idx.msk @!p1 [tilespmem:v24+s2+$0x0], $0xffff;
	_ =	sdelay $0x3  }
0x14a: {  	(v2sf) =	vpush @!p1 v13, $0x0  }
0x14b: {  	(v2sf) =	vpush @!p1 v14, $0x0;
	_ =	sdelay $0xd  }
0x14c: {  	p2 =	sgt.s32 @!p1 s1, $0x7FF;
	s5 =	spop @!p1 (v2sf)  }
0x14d: {  	p2 =	por !p2, p1;
	s3 =	smov.u32 s14;
	s2 =	spop @!p1 (v2sf)  }
0x14e: {  	s3 =	smov.u32 @p2 s2  }
0x14f: {  	v13 =	vmov @!p1 s3  }
0x150: {  	(erf) = vrcp.f32 @!p1 v13;
	_ =	sdelay $0x8  }
0x151: {  	v13 =	vpop @!p1 (erf)  }
0x152: {  	(v2sf) =	vpush @!p1 v13, $0x0;
	_ =	sdelay $0x1  }
0x153: {  	s2 =	sand.u32 @!p1 $0xF, s4  }
0x154: {  	p2 =	slt.s32 @!p1 s1, $0x1;
	p3 =	sne.s32 @!p1 s2, $0x0  }
0x155: {  	p2 =	por @!p1 !p2, !p3  }
0x156: {  	p2 =	por @!p1 !p2, !p2  }
0x157: {  	s1 =	simm.s32 @!p1 $0x1;
	p2 =	por !p2, p1  }
0x158: {  	s2 =	sshrl.u32 @!p1 s4, $0x4;
	s1 =	simm.s32 @p2 $0x0  }
0x159: {  	s11 =	ssub.s32 @!p1 s2, s1  }
0x15a: {  	p2 =	slt.s32 @!p1 s11, $0x80  }
0x15b: {  	p3 =	por !p2, p1;
	p2 =	por p1, !p2  }
.Ltmp5:
0x15c: {  	_ = 	snop;
	(pc) =	sbr.rel @p2 .LBB2_17-.Ltmp5, $3  }
0x15d: {  	_ =	sdelay $0x1  }
0x15e: {  	v16 =	vimm.f32 @!p1 $0.0e+00;
	v17 =	vimm.f32 @!p1 $0.0e+00  }
0x15f: {  	v15 =	vimm.f32 @!p1 $0.0e+00;
	v14 =	vimm.f32 @!p1 $0.0e+00;
	s4 =	sadd.s32 @!p1 $0x1, s10;
	s11 =	simm.s32 @p3 $0x80;
	v13 =	vimm.f32 @!p1 $0.0e+00;
	s13 =	spop @!p1 (v2sf)  }
.LBB2_7:
0x160: {  	s1 =	ssub.s32 s5, s17  }
0x161: {  	s0 =	sadd.s32 $0xF, s1  }
0x162: {  	s15 =	smov.u32 s12;
	s28 =	sand.u32 $0xF, s0  }
0x163: {  	s30 =	sshra.s32 s0, $0x1F;
	p2 =	slt.s32 s0, $0x1;
	p1 =	sne.s32 s28, $0x0  }
0x164: {  	s12 =	smov.u32 s5;
	s5 =	sshrl.u32 s30, $0x1C;
	p1 =	por !p2, !p1  }
0x165: {  	s0 =	sadd.s32 s5, s0;
	s5 =	simm.s32 $0x1;
	p1 =	por !p1, !p1  }
0x166: {  	s0 =	sshra.s32 s0, $0x4;
	s5 =	simm.s32 @!p1 $0x0  }
0x167: {  	s9 =	ssub.s32 s0, s5  }
0x168: {  	p1 =	sgt.s32 s11, s9  }
0x169: {  	s9 =	smov.u32 @p1 s11  }
0x16a: {  	p1 =	slt.s32 s9, $0x80  }
0x16b: {  	s9 =	simm.s32 @!p1 $0x80  }
0x16c: {  	p1 =	sge.s32 s11, s9  }
.Ltmp6:
0x16d: {  	_ = 	snop;
	(pc) =	sbr.rel @p1 .LBB2_8-.Ltmp6, $2  }
0x16e: {  	_ =	sdelay $0x2  }
0x16f: {  	s10 =	smov.u32 s4;
	s0 =	smov.u32 s13  }
0x170: {  	s5 =	sshll.u32 s11, $0x6  }
0x171: {  	s16 =	sshra.s32 s5, $0x2  }
0x172: {  	s4 =	sadd.s32 $0xB008, s16  }
0x173: {  	s7 =	sadd.s32 $0x1, s11;
	s23 =	sand.u32 $0x7, s11;
	v18 =	vld [tilespmem:s4+$0x0];
	s4 =	sshll.u32 s11, $0x4  }
0x174: {  	p2 =	sne.s32 s23, $0x0;
	s13 =	sadd.s32 $0xB808, s16;
	p1 =	slt.s32 s4, $0x1  }
0x175: {  	v22 =	vld [tilespmem:s13+$0x0];
	p1 =	por !p1, !p2;
	p2 =	sne.s32 s9, s7  }
.Ltmp7:
0x176: {  	s25 =	sshra.s32 s4, $0x1F;
	(pc) =	sbr.rel @!p2 .LBB2_10-.Ltmp7, $4  }
0x177: {  	v19 =	vmov s15;
	v20 =	vmov s0;
	s30 =	sadd.s32 s4, s31;
	s28 =	sshrl.u32 s25, $0x19  }
0x178: {  	v21 =	vmov s12;
	s13 =	simm.s32 $0x1;
	v23 =	vor.u32 s30, v1;
	s11 =	sadd.s32 s28, s4;
	p1 =	por !p1, !p1;
	v18 =	vmul.f32 v18, v20  }
0x179: {  	vm0 =	vge.s32 v23, v19;
	vm1 =	vlt.s32 v23, v21;
	s11 =	sshra.s32 s11, $0x7;
	s13 =	simm.s32 @!p1 $0x0  }
0x17a: {  	vm0 =	vmand vm0, vm1;
	p1 =	por $0x0, $0x0;
	s25 =	ssub.s32 s11, s13;
	v30 =	vmul.f32 v22, v20;
	vm1 =	vge.f32 v18, $9.999999740e-05  }
0x17b: {  	vm0 =	vmand vm0, vm1  }
0x17c: {  	s21 =	smov.u32 s22;
	s11 =	sshll.u32 s25, $0x9;
	s13 =	sadd.s32 s16, s18;
	v18 =	vnsel vm0, $0x0, v30  }
0x17d: {  	s19 =	sadd.s32 $0xB018, s16;
	s3 =	sshll.u32 s25, $0xA;
	s8 =	sadd.s32 $0xB818, s16;
	[tilespmem:s13+$0x0] =	vst.add.f32.msk $0xffff, v18  }
0x17e: {  	s23 =	sadd.s32 s16, s26;
	s22 =	sand.u32 $0x7, s7;
	s30 =	sadd.s32 $0x10, s4;
	v22 =	vld [tilespmem:s19+$0x0]  }
0x17f: {  	s28 =	sadd.s32 $0x1, s7;
	s7 =	simm.s32 $0xB828;
	s11 =	sadd.s32 s11, s5  }
0x180: {  	s4 =	sshra.s32 s30, $0x1F;
	p1 =	slt.s32 s30, $0x1;
	s11 =	sshra.s32 s11, $0x2  }
0x181: {  	p2 =	sne.s32 s22, $0x0;
	s25 =	sadd.s32 s30, s31;
	s11 =	sadd.s32 s11, s29;
	v24 =	vld [tilespmem:s8+$0x0]  }
0x182: {  	s13 =	sshra.s32 s3, $0x2;
	p1 =	por !p1, !p2;
	p2 =	sne.s32 s9, s28;
	v23 =	vld [tilespmem:s11+$0x0]  }
.Ltmp8:
0x183: {  	s4 =	sshrl.u32 s4, $0x19;
	v25 =	vor.u32 s25, v1;
	s23 =	sadd.s32 s13, s23;
	v22 =	vmul.f32 v22, v20;
	(pc) =	sbr.rel @!p2 .LBB2_12-.Ltmp8, $4  }
0x184: {  	s4 =	sadd.s32 s4, s30;
	p1 =	por !p1, !p1;
	s19 =	simm.s32 $0x1;
	v26 =	vld [tilespmem:s23+$0x0]  }
0x185: {  	vm0 =	vge.s32 v25, v19;
	vm1 =	vlt.s32 v25, v21;
	s13 =	sadd.s32 $0x10, s18;
	s4 =	sshra.s32 s4, $0x7;
	s19 =	simm.s32 @!p1 $0x0;
	v27 =	vld [tilespmem:s23+$0x80]  }
0x186: {  	v17 =	vadd.f32 v18, v17;
	v28 =	vld [tilespmem:s23+$0x100];
	vm0 =	vmand vm0, vm1;
	p1 =	por $0x1, $0x1;
	s23 =	smov.u32 s29;
	s11 =	smov.u32 s26;
	v25 =	vmovc v13;
	v30 =	vmul.f32 v24, v20  }
0x187: {  	s25 =	ssub.s32 s4, s19;
	s19 =	simm.s32 $0xB028;
	s4 =	smov.u32 s16;
	v24 =	vmovc v14;
	v29 =	vmul.f32 v18, v23;
	v23 =	vmovc v15;
	vm1 =	vge.f32 v22, $9.999999740e-05;
	v22 =	vmov v16  }
.LBB2_13:
0x188: {  	s3 =	sshll.u32 s25, $0x9;
	s23 =	sadd.s32 $0x10, s23  }
0x189: {  	vm0 =	vmand vm0, vm1;
	v22 =	vadd.f32 v29, v22;
	v26 =	vmul.f32 v26, v18;
	s2 =	smov.u32 s28;
	s28 =	sadd.s32 $0x1, s28;
	s22 =	sadd.s32 s4, s13  }
0x18a: {  	s8 =	sadd.s32 s16, s19;
	s11 =	sadd.s32 $0x10, s11;
	v29 =	vnsel vm0, $0x0, v30;
	s3 =	sadd.s32 s3, s5;
	v27 =	vmul.f32 v27, v18  }
0x18b: {  	s30 =	sadd.s32 $0x10, s30;
	p2 =	sne.s32 s9, s28;
	[tilespmem:s22+$0x0] =	vst.add.f32.msk $0xffff, v29;
	s3 =	sshra.s32 s3, $0x2;
	v17 =	vadd.f32 v29, v17;
	v23 =	vadd.f32 v26, v23;
	v26 =	vmul.f32 v28, v18  }
0x18c: {  	s2 =	sand.u32 $0x7, s2;
	v18 =	vmov v29;
	v28 =	vld [tilespmem:s8+$0x0];
	s8 =	sshll.u32 s25, $0xA;
	s3 =	sadd.s32 s3, s23;
	v24 =	vadd.f32 v27, v24  }
0x18d: {  	s22 =	sadd.s32 s16, s7;
	v29 =	vld [tilespmem:s3+$0x0];
	s3 =	sadd.s32 s4, s11;
	s4 =	sshra.s32 s8, $0x2;
	v25 =	vadd.f32 v26, v25  }
0x18e: {  	p3 =	slt.s32 s30, $0x1;
	p4 =	sne.s32 s2, $0x0;
	v30 =	vld [tilespmem:s22+$0x0];
	s3 =	sadd.s32 s4, s3  }
.Ltmp9:
0x18f: {  	p3 =	por !p3, !p4;
	s4 =	sshra.s32 s30, $0x1F;
	v26 =	vld [tilespmem:s3+$0x0];
	(pc) =	sbr.rel @p2 .LBB2_13-.Ltmp9, $4  }
0x190: {  	p3 =	por !p3, !p3;
	s2 =	sshrl.u32 s4, $0x19;
	s4 =	sadd.s32 s30, s31;
	v27 =	vld [tilespmem:s3+$0x80]  }
0x191: {  	s2 =	sadd.s32 s2, s30;
	v31 =	vor.u32 s4, v1;
	s4 =	smov.u32 s16;
	v32 =	vmul.f32 v28, v20;
	v28 =	vld [tilespmem:s3+$0x100];
	s3 =	simm.s32 $0x1  }
0x192: {  	s13 =	sadd.s32 $0x10, s13;
	s2 =	sshra.s32 s2, $0x7;
	vm0 =	vge.s32 v31, v19;
	vm1 =	vlt.s32 v31, v21;
	s3 =	simm.s32 @!p3 $0x0;
	v29 =	vmul.f32 v18, v29  }
0x193: {  	s19 =	sadd.s32 $0x10, s19;
	s7 =	sadd.s32 $0x10, s7;
	vm0 =	vmand vm0, vm1;
	s25 =	ssub.s32 s2, s3;
	vm1 =	vge.f32 v32, $9.999999740e-05;
	v30 =	vmul.f32 v30, v20  }
0x194: {  	s16 =	smov.u32 s4;
	s22 =	smov.u32 s21  }
.LBB2_15:
0x195: {  	s2 =	sshll.u32 s25, $0x9;
	s3 =	sadd.s32 @p1 $0x10, s23  }
0x196: {  	s4 =	smov.u32 s29;
	s23 =	sadd.s32 s16, s13;
	s7 =	smov.u32 s26  }
0x197: {  	vm0 =	vmand vm0, vm1;
	s2 =	sadd.s32 s2, s5;
	s4 =	smov.u32 @p1 s3;
	s3 =	sadd.s32 @p1 $0x10, s11  }
0x198: {  	s8 =	sshll.u32 s25, $0xA;
	v19 =	vnsel vm0, $0x0, v30;
	s2 =	sshra.s32 s2, $0x2;
	s7 =	smov.u32 @p1 s3  }
0x199: {  	s28 =	sshra.s32 s8, $0x2;
	[tilespmem:s23+$0x0] =	vst.add.f32.msk $0xffff, v19;
	s2 =	sadd.s32 s2, s4;
	s3 =	sadd.s32 s16, s7  }
0x19a: {  	v20 =	vld [tilespmem:s2+$0x0];
	s30 =	sadd.s32 s28, s3  }
0x19b: {  	v21 =	vld [tilespmem:s30+$0x0]  }
0x19c: {  	v63 =	vld [tilespmem:s30+$0x80]  }
0x19d: {  	v26 =	vmul.f32 @p1 v26, v18;
	v27 =	vmul.f32 @p1 v27, v18;
	v31 =	vld [tilespmem:s30+$0x100]  }
0x19e: {  	v22 =	vadd.f32 @p1 v29, v22;
	v28 =	vmul.f32 @p1 v28, v18  }
0x19f: {  	v23 =	vadd.f32 @p1 v26, v23;
	v24 =	vadd.f32 @p1 v27, v24  }
.Ltmp10:
0x1a0: {  	v18 =	vadd.f32 v19, v17;
	v16 =	vpsel p1, v22, v16;
	v17 =	vadd.f32 @p1 v28, v25;
	(pc) =	sbr.rel .LBB2_16-.Ltmp10, $4  }
0x1a1: {  	v15 =	vpsel p1, v23, v15;
	v20 =	vmul.f32 v19, v20;
	v21 =	vmul.f32 v21, v19  }
0x1a2: {  	v14 =	vpsel p1, v24, v14;
	v22 =	vmul.f32 v63, v19;
	v23 =	vmul.f32 v31, v19  }
0x1a3: {  	v13 =	vpsel p1, v17, v13;
	v19 =	vadd.f32 v20, v16;
	v20 =	vadd.f32 v21, v15  }
0x1a4: {  	v21 =	vadd.f32 v22, v14;
	v22 =	vadd.f32 v23, v13  }
.LBB2_10:
.Ltmp11:
0x1a5: {  	(pc) =	sbr.rel .LBB2_15-.Ltmp11, $2  }
0x1a6: {  	_ =	sdelay $0x2  }
0x1a7: {  	v22 =	vmovc v16;
	s23 =	smov.u32 s29;
	s13 =	smov.u32 s18;
	v23 =	vmov v15;
	v24 =	vmov v14;
	s11 =	smov.u32 s26;
	v25 =	vmov v13  }
.LBB2_12:
.Ltmp12:
0x1a8: {  	(pc) =	sbr.rel .LBB2_15-.Ltmp12, $2  }
0x1a9: {  	_ =	sdelay $0x2  }
0x1aa: {  	v22 =	vmovc v16;
	s23 =	smov.u32 s29;
	v23 =	vmov v15;
	v24 =	vmov v14;
	s11 =	smov.u32 s26;
	v25 =	vmov v13;
	s22 =	smov.u32 s21  }
.LBB2_18:
0x1ab: {  	s0 =	simm.s32 $0x0  }
0x1ac: {  	v14 =	vor.u32 s0, v1  }
0x1ad: {  	v13 =	vmulhi.u32 $0xAAAAAAAB, v14  }
0x1ae: {  	s1 =	sadd.s32 $0xFFFFFFFE, s3;
	s5 =	rddreg [dreg:$0x12]  }
0x1af: {  	s2 =	rddreg [dreg:$0xf];
	p0 =	sge.s32 s1, s5;
	v13 =	vshrl.u32 v13, $0x1  }
0x1b0: {  	p1 =	slt.s32 @!p0 s1, s2;
	v15 =	vmul.u32 $0xFFFFFFFD, v13  }
0x1b1: {  	s4 =	rddreg [dreg:$0x11];
	v16 =	vmov s0;
	v17 =	vsub.s32 $0x0, v14;
	p2 =	por p1, p0  }
0x1b2: {  	vm0 =	veq.s32 v16, v1;
	p2 =	slt.s32 @!p2 s1, s4;
	vm1 =	vne.s32 v15, v17  }
0x1b3: {  	p1 =	por @!p0 p2, p1;
	vm0 =	vmand vm0, vm1  }
0x1b4: {  	p1 =	por p1, p0;
	p0 =	sge.s32 s2, s5;
	v15 =	vsel vm0, $0xFFFFFFFF, v0  }
0x1b5: {  	s31 =	simm.s32 $0x10;
	s1 =	ssub.s32 @!p1 s3, s2;
	p2 =	sle.s32 @!p0 s3, s4;
	v15 =	vadd.s32 v15, v13  }
0x1b6: {  	s1 =	sand.u32 @!p1 $0x1, s1;
	p0 =	por p2, p0;
	v13 =	vor.u32 s31, v1;
	v16 =	vmul.u32 $0xFFFFFFFD, v15  }
0x1b7: {  	s1 =	sadd.s32 @!p1 $0x7, s1;
	s2 =	sxor.u32 @!p0 $0xFFFFFFFF, s2;
	v17 =	vmulhi.u32 $0xAAAAAAAB, v13  }
0x1b8: {  	_ =	swait.ge @!p1 [sflag:s1], $0x800;
	s2 =	sadd.s32 @!p0 s2, s3;
	v14 =	vadd.s32 v14, v16  }
0x1b9: {  	v18 =	vshll.u32 v15, $0x3;
	[sflag:s1] =	ssyncset.done @!p1 $0x0;
	s2 =	sand.u32 @!p0 $0x1, s2;
	v17 =	vshrl.u32 v17, $0x1;
	v16 =	vand.u32 $0xFFFFFFF8, v14  }
0x1ba: {  	[sflag:s1] =	ssyncadd.s32 @!p1 $0xFFFFF800;
	s1 =	sadd.s32 @!p0 $0x7, s2;
	v14 =	vand.u32 $0x7, v14;
	v16 =	vadd.s32 v18, v16;
	v18 =	vmul.u32 $0xFFFFFFFD, v17  }
0x1bb: {  	v19 =	vsub.s32 $0x0, v13;
	_ =	swait.ge @!p0 [sflag:s1], $0x800;
	v14 =	vor.u32 v14, v16;
	v16 =	vmov s31  }
0x1bc: {  	[sflag:s1] =	ssyncset.done @!p0 $0x0;
	vm14 =	veq.s32 v16, v1;
	vm15 =	vne.s32 v18, v19  }
0x1bd: {  	s3 =	simm.s32 $0xC088;
	[sflag:s1] =	ssyncadd.s32 @!p0 $0xFFFFF800;
	vm0 =	vmand vm14, vm15  }
0x1be: {  	v18 =	vld.idx.msk [tilespmem:v15+s3+$0x0], $0xffff;
	v16 =	vsel vm0, $0xFFFFFFFF, v0  }
0x1bf: {  	s2 =	simm.s32 $0xC488;
	v15 =	vadd.s32 v16, v17  }
0x1c0: {  	s0 =	simm.s32 $0x20;
	v16 =	vld.idx.msk [tilespmem:v14+s2+$0x0], $0xffff;
	v19 =	vmul.u32 $0xFFFFFFFD, v15  }
0x1c1: {  	s1 =	simm.s32 $0x30;
	v17 =	vor.u32 s0, v1  }
.LBB2_19:
0x1c2: {  	p0 =	sne.s32 s1, $0x5F0;
	v20 =	vmulhi.u32 $0xAAAAAAAB, v17;
	v19 =	vadd.s32 v13, v19;
	v13 =	vmov v17  }
0x1c3: {  	v21 =	vshll.u32 v15, $0x3;
	v18 =	vsub.f32 $1.000000000e+00, v18;
	v17 =	vand.u32 $0xFFFFFFF8, v19  }
0x1c4: {  	v19 =	vand.u32 $0x7, v19;
	v20 =	vshrl.u32 v20, $0x1;
	v17 =	vadd.s32 v21, v17  }
0x1c5: {  	v16 =	vadd.f32 v18, v16;
	v21 =	vmul.u32 $0xFFFFFFFD, v20;
	v17 =	vor.u32 v19, v17  }
0x1c6: {  	v18 =	vmov s0;
	s0 =	smov.u32 s1;
	v19 =	vsub.s32 $0x0, v13  }
0x1c7: {  	vm0 =	veq.s32 v18, v1;
	vm1 =	vne.s32 v21, v19;
	[tilespmem:v14+s2+$0x0] =	vst.idx.msk $0xffff, v16;
	v14 =	vmov v17  }
.Ltmp13:
0x1c8: {  	vm0 =	vmand vm0, vm1;
	v18 =	vld.idx.msk [tilespmem:v15+s3+$0x0], $0xffff;
	(pc) =	sbr.rel @p0 .LBB2_19-.Ltmp13, $4  }
0x1c9: {  	v15 =	vsel vm0, $0xFFFFFFFF, v0  }
0x1ca: {  	v15 =	vadd.s32 v15, v20;
	v16 =	vld.idx.msk [tilespmem:v17+s2+$0x0], $0xffff  }
0x1cb: {  	v19 =	vmul.u32 $0xFFFFFFFD, v15  }
0x1cc: {  	s1 =	sadd.s32 $0x10, s1;
	v17 =	vor.u32 s0, v1  }
0x1cd: {  	v20 =	vmulhi.u32 $0xAAAAAAAB, v17  }
0x1ce: {  	v13 =	vadd.s32 v13, v19;
	v21 =	vshll.u32 v15, $0x3;
	v18 =	vsub.f32 $1.000000000e+00, v18  }
0x1cf: {  	v59 =	vmov s0;
	v19 =	vand.u32 $0xFFFFFFF8, v13;
	v20 =	vshrl.u32 v20, $0x1  }
0x1d0: {  	v13 =	vand.u32 $0x7, v13;
	v19 =	vadd.s32 v21, v19;
	v58 =	vmul.u32 $0xFFFFFFFD, v20  }
0x1d1: {  	v60 =	vsub.s32 $0x0, v17;
	v16 =	vadd.f32 v18, v16;
	v13 =	vor.u32 v13, v19  }
0x1d2: {  	vm0 =	veq.s32 v59, v1;
	vm1 =	vne.s32 v58, v60  }
0x1d3: {  	[tilespmem:v14+s2+$0x0] =	vst.idx.msk $0xffff, v16;
	vm0 =	vmand vm0, vm1  }
0x1d4: {  	v14 =	vld.idx.msk [tilespmem:v15+s3+$0x0], $0xffff;
	v15 =	vsel vm0, $0xFFFFFFFF, v0  }
0x1d5: {  	v15 =	vadd.s32 v15, v20  }
0x1d6: {  	v16 =	vld.idx.msk [tilespmem:v13+s2+$0x0], $0xffff;
	v61 =	vmul.u32 $0xFFFFFFFD, v15;
	_ =	sdelay $0x1  }
0x1d7: {  	v62 =	vadd.s32 v17, v61  }
0x1d8: {  	v63 =	vshll.u32 v15, $0x3;
	v14 =	vsub.f32 $1.000000000e+00, v14;
	v18 =	vand.u32 $0xFFFFFFF8, v62  }
0x1d9: {  	v17 =	vand.u32 $0x7, v62;
	v18 =	vadd.s32 v63, v18  }
0x1da: {  	v14 =	vadd.f32 v14, v16;
	v17 =	vor.u32 v17, v18;
	_ =	sdelay $0x1  }
0x1db: {  	[tilespmem:v13+s2+$0x0] =	vst.idx.msk $0xffff, v14  }
0x1dc: {  	v13 =	vld.idx.msk [tilespmem:v15+s3+$0x0], $0xffff;
	_ =	sdelay $0x1  }
0x1dd: {  	v14 =	vld.idx.msk [tilespmem:v17+s2+$0x0], $0xffff;
	_ =	sdelay $0x2  }
0x1de: {  	v13 =	vsub.f32 $1.000000000e+00, v13;
	_ =	sdelay $0x1  }
0x1df: {  	v13 =	vadd.f32 v13, v14;
	_ =	sdelay $0x1  }
0x1e0: {  	s8 =	simm.s32 $0x0;
	s25 =	rddreg [dreg:$0xa];
	s1 =	simm.s32 $0x9;
	[tilespmem:v17+s2+$0x0] =	vst.idx.msk $0xffff, v13  }
0x1e1: {  	[hbm4b:s25+s8] =	stream.linear.scatter [tilespmem:s3], [sflag:$0x9], $0x200, $0x38;
	[tilespmem:$0xD488] =	vst v63  }
0x1e2: {  	_ =	swait.ge [sflag:s1], $0x200  }
0x1e3: {  	[sflag:s1] =	ssyncset.done $0x0  }
0x1e4: {  	s28 =	simm.s32 $0xC288;
	s26 =	rddreg [dreg:$0xb];
	[sflag:s1] =	ssyncadd.s32 $0xFFFFFE00  }
0x1e5: {  	[hbm4b:s26+s8] =	stream.linear.scatter [tilespmem:s28], [sflag:$0x9], $0x200, $0x38;
	[tilespmem:$0xD488] =	vst v63  }
0x1e6: {  	_ =	swait.ge [sflag:s1], $0x200  }
0x1e7: {  	[sflag:s1] =	ssyncset.done $0x0  }
0x1e8: {  	s29 =	rddreg [dreg:$0xc];
	[sflag:s1] =	ssyncadd.s32 $0xFFFFFE00  }
0x1e9: {  	[hbm4b:s29+s8] =	stream.linear.scatter [tilespmem:s2], [sflag:$0x9], $0x1000, $0x38;
	[tilespmem:$0xD488] =	vst v63  }
0x1ea: {  	_ =	swait.ge [sflag:s1], $0x1000  }
0x1eb: {  	s30 =	rddreg [dreg:$0xe]  }
0x1ec: {  	s31 =	rddreg [dreg:$0xd];
	s2 =	sadd.s32 $0x1, s30  }
0x1ed: {  	p0 =	sne.s32 s2, s31  }
.Ltmp14:
0x1ee: {  	_ = 	snop;
	(pc) =	sbr.rel @p0 .LBB2_1-.Ltmp14, $3  }
0x1ef: {  	_ =	sdelay $0x1  }
0x1f0: {  	[sflag:s1] =	ssyncset.done $0x0  }
0x1f1: {  	[sflag:s1] =	ssyncadd.s32 $0xFFFFF000  }
0x1f2: {  	_ =	sfence.sel $0x180000  }
0x1f3: {  	[bflag:$0x0] =	sbarrier.arrive $0xFFFF  }
0x1f4: {  	_ =	strace $0x90000047  }
0x1f5: {  	s0 =	stileid.u32;
	[bflag:$0x2] =	sbarrier.arrive $0xFFFF  }
0x1f6: {  	p0 =	sne.s32 s0, $0x0;
	s0 =	rddreg [dreg:$0x7]  }
0x1f7: {  	s0 =	sadd.s32 @!p0 $0x100000, s0  }
0x1f8: {  	[sflag:s0] =	ssyncadd.tile.s32 @!p0 $0x1;
	_ =	shalt  }
.Lfunc_end2:
_tile_overlayer_lowered:
.L_overlay_start_2:
0x1f9: {  	(tag) =	ssettag $0x2  }
0x1fa: {  	s0 =	rddreg [dreg:$0x0];
	s2 =	stileid.u32  }
0x1fb: {  	s1 =	rddreg [dreg:$0x1];
	p0 =	sne.s32 s2, $0x0  }
0x1fc: {  	s3 =	rddreg [dreg:$0x2];
	[bflag:$0x3] =	sbarrier.arrive $0xFFFF;
	s2 =	simm.s32 @!p0 $0x1C09  }
0x1fd: {  	[timem:s3], [sflag:s2] =	dma.local @!p0 [hbm:s0], s1  }
0x1fe: {  	s0 =	simm.s32 @!p0 $0x9  }
0x1ff: {  	_ =	swait.ge @!p0 [sflag:s0], s1  }
0x200: {  	s1 =	ssub.s32 @!p0 $0x0, s1;
	[sflag:s0] =	ssyncset.done @!p0 $0x0  }
0x201: {  	[sflag:s0] =	ssyncadd.s32 @!p0 s1  }
0x202: {  	[bflag:$0x3] =	sbarrier.arrive $0xFFFF  }
0x203: {  	_ =	shalt  }

</sc_bundles>
